<compile_context>
chip_gen: v7x
topology: tpu7x:2x2x1
jax: 0.10.2.dev20260603
libtpu: 0.0.44.dev20260713+nightly
codegen_flags: <defaults>
</compile_context>

<pallas_src>
import functools

import jax
import jax.numpy as jnp
from jax import lax
from jax.experimental import pallas as pl
from jax.experimental.pallas import tpu as pltpu
from jax.experimental.pallas import tpu_sc as plsc

_SCALE = 8.0


@functools.lru_cache(maxsize=None)
def _make(V, D, B):
    info = plsc.get_sparse_core_info()
    NC, NS, L = info.num_cores, info.num_subcores, info.num_lanes
    NW = NC * NS
    assert B % NW == 0
    b_per_w = B // NW
    C = 128
    NBUF = 8
    assert b_per_w % (C * NBUF) == 0
    n_chunks = b_per_w // C
    n_groups = n_chunks // NBUF
    mesh = plsc.VectorSubcoreMesh(core_axis_name="c", subcore_axis_name="s")

    @functools.partial(
        pl.kernel,
        mesh=mesh,
        compiler_params=pltpu.CompilerParams(use_tc_tiling_on_sc=False),
        out_type=jax.ShapeDtypeStruct((B, D), jnp.float32),
        scratch_types=[
            pltpu.VMEM((b_per_w,), jnp.int32),
            pltpu.VMEM((NBUF, C, D), jnp.float32),
            [pltpu.SemaphoreType.DMA] * NBUF,
            [pltpu.SemaphoreType.DMA] * NBUF,
        ],
    )
    def k(table_hbm, idx_hbm, out_hbm, idx_v, rows_v, gsems, ssems):
        wid = lax.axis_index("s") * NC + lax.axis_index("c")
        base = wid * b_per_w
        pltpu.sync_copy(idx_hbm.at[pl.ds(base, b_per_w)], idx_v)

        def fire_gather(j, b):
            off = pl.multiple_of(j * C, C)
            pltpu.async_copy(
                table_hbm.at[idx_v.at[pl.ds(off, C)]],
                rows_v.at[b],
                gsems[b],
            )

        for b in range(NBUF):
            fire_gather(b, b)

        def group(g, carry):
            for b in range(NBUF):
                j = g * NBUF + b
                off = pl.multiple_of(j * C, C)
                pltpu.make_async_copy(
                    table_hbm.at[idx_v.at[pl.ds(off, C)]],
                    rows_v.at[b],
                    gsems[b],
                ).wait()

                @plsc.parallel_loop(0, C, unroll=4)
                def srow(r):
                    for c in range(D // L):
                        rows_v[b, r, pl.ds(c * L, L)] = (
                            rows_v[b, r, pl.ds(c * L, L)] * _SCALE
                        )

                pltpu.async_copy(
                    rows_v.at[b], out_hbm.at[pl.ds(base + off, C)], ssems[b]
                )

                nxt = j + NBUF

                @pl.when(nxt < n_chunks)
                def _():
                    pltpu.make_async_copy(
                        rows_v.at[b],
                        out_hbm.at[pl.ds(base + off, C)],
                        ssems[b],
                    ).wait()
                    fire_gather(nxt, b)

            return carry

        lax.fori_loop(0, n_groups, group, 0)

        last = (n_groups - 1) * NBUF
        for b in range(NBUF):
            off = pl.multiple_of((last + b) * C, C)
            pltpu.make_async_copy(
                rows_v.at[b], out_hbm.at[pl.ds(base + off, C)], ssems[b]
            ).wait()

    return k


def kernel(tokens, table):
    Bt, S = tokens.shape
    V, D = table.shape
    B = Bt * S
    idx = tokens.reshape(B).astype(jnp.int32)
    out = _make(V, D, B)(table, idx)
    return out.reshape(Bt, S, D)

# --- scband reference (transcript-rebuilt; emitter-appended) ---
"""Pipeline reference for scband-token-embedding-12120397709914 (READ-ONLY COPY).

The authoritative reference and input builder live on the scoring server;
editing this copy changes nothing except your own understanding.
"""

import jax, jax.numpy as jnp
import numpy as np
import math

VOCAB = 1000000
EMBED_DIM = 64

def setup_inputs(seed: int = 0) -> dict:
    key = jax.random.key(seed)
    k1, k2 = jax.random.split(key)
    tokens = jax.random.randint(k1, (16384, 50), 0, VOCAB, dtype=jnp.int64 if jax.config.jax_enable_x64 else jnp.int32)
    table = jax.random.normal(k2, (VOCAB, EMBED_DIM), dtype=jnp.float32)
    return {"tokens": tokens, "table": table}

def reference(tokens, table):
    emb = jnp.take(table, tokens, axis=0)
    return emb * math.sqrt(EMBED_DIM)

if __name__ == "__main__":
    import jax
    _d = setup_inputs()
    print(jax.jit(kernel)(*tuple(_d.values())))

</pallas_src>

<mosaic_0001>
#map = affine_map<(d0, d1) -> (0, 0)>
#map1 = affine_map<(d0, d1) -> (0)>
module attributes {stable_mosaic.version = 14 : i64} {
  func.func @k(%arg0: i32, %arg1: i32, %arg2: memref<1000000x64xf32, #tpu.memory_space<hbm>>, %arg3: memref<819200xi32, #tpu.memory_space<hbm>>, %arg4: memref<819200x64xf32, #tpu.memory_space<hbm>>, %arg5: memref<25600xi32, #tpu.memory_space<vmem>>, %arg6: memref<8x128x64xf32, #tpu.memory_space<vmem>>, %arg7: memref<!tpu.dma_semaphore, #tpu.memory_space<semaphore_mem>>, %arg8: memref<!tpu.dma_semaphore, #tpu.memory_space<semaphore_mem>>, %arg9: memref<!tpu.dma_semaphore, #tpu.memory_space<semaphore_mem>>, %arg10: memref<!tpu.dma_semaphore, #tpu.memory_space<semaphore_mem>>, %arg11: memref<!tpu.dma_semaphore, #tpu.memory_space<semaphore_mem>>, %arg12: memref<!tpu.dma_semaphore, #tpu.memory_space<semaphore_mem>>, %arg13: memref<!tpu.dma_semaphore, #tpu.memory_space<semaphore_mem>>, %arg14: memref<!tpu.dma_semaphore, #tpu.memory_space<semaphore_mem>>, %arg15: memref<!tpu.dma_semaphore, #tpu.memory_space<semaphore_mem>>, %arg16: memref<!tpu.dma_semaphore, #tpu.memory_space<semaphore_mem>>, %arg17: memref<!tpu.dma_semaphore, #tpu.memory_space<semaphore_mem>>, %arg18: memref<!tpu.dma_semaphore, #tpu.memory_space<semaphore_mem>>, %arg19: memref<!tpu.dma_semaphore, #tpu.memory_space<semaphore_mem>>, %arg20: memref<!tpu.dma_semaphore, #tpu.memory_space<semaphore_mem>>, %arg21: memref<!tpu.dma_semaphore, #tpu.memory_space<semaphore_mem>>, %arg22: memref<!tpu.dma_semaphore, #tpu.memory_space<semaphore_mem>>) attributes {dimension_semantics = [#tpu.dimension_semantics<core_parallel>, #tpu.dimension_semantics<subcore_parallel>], iteration_bounds = array<i64: 2, 16>, scalar_prefetch = 0 : i64, scratch_operands = 18 : i64, tpu.core_type = #tpu.core_type<sc_vector_subcore>, window_params = [{transform_indices = #map}, {transform_indices = #map1}, {transform_indices = #map}]} {
    %mul3A = arith.constant 2 : i32
    %mul3A_0 = arith.muli %arg1, %mul3A : i32
    %add3A = arith.addi %mul3A_0, %arg0 : i32
    %mul3A_1 = arith.constant 25600 : i32
    %mul3A_2 = arith.muli %add3A, %mul3A_1 : i32
    "tpu.region"() ({
      %run_scoped3A = tpu.sem_alloc : memref<!tpu.dma_semaphore, #tpu.memory_space<semaphore_mem>>
      %dma_start3A_221 = tpu.memref_slice %arg3[%mul3A_2] : memref<819200xi32, #tpu.memory_space<hbm>> -> memref<25600xi32, #tpu.memory_space<hbm>>
      %dma_start3A_222 = tpu.memref_slice %arg3[%mul3A_2] : memref<819200xi32, #tpu.memory_space<hbm>> -> memref<25600xi32, #tpu.memory_space<hbm>>
      tpu.enqueue_dma source(%dma_start3A_222 : memref<25600xi32, #tpu.memory_space<hbm>>) target(%arg5 : memref<25600xi32, #tpu.memory_space<vmem>>) target_semaphore(%run_scoped3A : memref<!tpu.dma_semaphore, #tpu.memory_space<semaphore_mem>>)
      %dma_wait3A_223 = tpu.memref_slice %arg3[%mul3A_2] : memref<819200xi32, #tpu.memory_space<hbm>> -> memref<25600xi32, #tpu.memory_space<hbm>>
      %dma_wait3A_224 = tpu.memref_slice %arg3[%mul3A_2] : memref<819200xi32, #tpu.memory_space<hbm>> -> memref<25600xi32, #tpu.memory_space<hbm>>
      tpu.wait_dma2 semaphore(%run_scoped3A : memref<!tpu.dma_semaphore, #tpu.memory_space<semaphore_mem>>) src(%dma_wait3A_224 : memref<25600xi32, #tpu.memory_space<hbm>>) dst(%arg5 : memref<25600xi32, #tpu.memory_space<vmem>>)
      tpu.yield
    }) : () -> ()
    %multiple_of3A = arith.constant 0 : i32
    %multiple_of3A_3 = tpu.assume_multiple %multiple_of3A, 128 : i32
    %dma_start3A = arith.constant 0 : i32
    %dma_start3A_4 = arith.constant 0 : i32
    %dma_start3A_5 = arith.constant 0 : i32
    %dma_start3A_6 = tpu.memref_slice %arg6[%dma_start3A, %dma_start3A_4, %dma_start3A_5] : memref<8x128x64xf32, #tpu.memory_space<vmem>> -> memref<1x128x64xf32, #tpu.memory_space<vmem>>
    %dma_start3A_7 = tpu.memref_squeeze %dma_start3A_6 : memref<1x128x64xf32, #tpu.memory_space<vmem>> -> memref<128x64xf32, #tpu.memory_space<vmem>>
    %dma_start3A_8 = tpu.memref_slice %arg5[%multiple_of3A_3] : memref<25600xi32, #tpu.memory_space<vmem>> -> memref<128xi32, #tpu.memory_space<vmem>>
    %dma_start3A_9 = arith.constant 0 : i32
    %dma_start3A_10 = arith.constant 0 : i32
    %dma_start3A_11 = tpu.memref_slice %arg2[%dma_start3A_9, %dma_start3A_10] : memref<1000000x64xf32, #tpu.memory_space<hbm>> -> memref<1000000x64xf32, #tpu.memory_space<hbm>>
    tpu.enqueue_indirect_dma source(%dma_start3A_11 : memref<1000000x64xf32, #tpu.memory_space<hbm>>) target(%dma_start3A_7 : memref<128x64xf32, #tpu.memory_space<vmem>>) offsets(%dma_start3A_8 : memref<128xi32, #tpu.memory_space<vmem>>) semaphore(%arg7 : memref<!tpu.dma_semaphore, #tpu.memory_space<semaphore_mem>>)
    %multiple_of3A_12 = arith.constant 128 : i32
    %multiple_of3A_13 = tpu.assume_multiple %multiple_of3A_12, 128 : i32
    %dma_start3A_14 = arith.constant 1 : i32
    %dma_start3A_15 = arith.constant 0 : i32
    %dma_start3A_16 = arith.constant 0 : i32
    %dma_start3A_17 = tpu.memref_slice %arg6[%dma_start3A_14, %dma_start3A_15, %dma_start3A_16] : memref<8x128x64xf32, #tpu.memory_space<vmem>> -> memref<1x128x64xf32, #tpu.memory_space<vmem>>
    %dma_start3A_18 = tpu.memref_squeeze %dma_start3A_17 : memref<1x128x64xf32, #tpu.memory_space<vmem>> -> memref<128x64xf32, #tpu.memory_space<vmem>>
    %dma_start3A_19 = tpu.memref_slice %arg5[%multiple_of3A_13] : memref<25600xi32, #tpu.memory_space<vmem>> -> memref<128xi32, #tpu.memory_space<vmem>>
    %dma_start3A_20 = arith.constant 0 : i32
    %dma_start3A_21 = arith.constant 0 : i32
    %dma_start3A_22 = tpu.memref_slice %arg2[%dma_start3A_20, %dma_start3A_21] : memref<1000000x64xf32, #tpu.memory_space<hbm>> -> memref<1000000x64xf32, #tpu.memory_space<hbm>>
    tpu.enqueue_indirect_dma source(%dma_start3A_22 : memref<1000000x64xf32, #tpu.memory_space<hbm>>) target(%dma_start3A_18 : memref<128x64xf32, #tpu.memory_space<vmem>>) offsets(%dma_start3A_19 : memref<128xi32, #tpu.memory_space<vmem>>) semaphore(%arg8 : memref<!tpu.dma_semaphore, #tpu.memory_space<semaphore_mem>>)
    %multiple_of3A_23 = arith.constant 256 : i32
    %multiple_of3A_24 = tpu.assume_multiple %multiple_of3A_23, 128 : i32
    %dma_start3A_25 = arith.constant 2 : i32
    %dma_start3A_26 = arith.constant 0 : i32
    %dma_start3A_27 = arith.constant 0 : i32
    %dma_start3A_28 = tpu.memref_slice %arg6[%dma_start3A_25, %dma_start3A_26, %dma_start3A_27] : memref<8x128x64xf32, #tpu.memory_space<vmem>> -> memref<1x128x64xf32, #tpu.memory_space<vmem>>
    %dma_start3A_29 = tpu.memref_squeeze %dma_start3A_28 : memref<1x128x64xf32, #tpu.memory_space<vmem>> -> memref<128x64xf32, #tpu.memory_space<vmem>>
    %dma_start3A_30 = tpu.memref_slice %arg5[%multiple_of3A_24] : memref<25600xi32, #tpu.memory_space<vmem>> -> memref<128xi32, #tpu.memory_space<vmem>>
    %dma_start3A_31 = arith.constant 0 : i32
    %dma_start3A_32 = arith.constant 0 : i32
    %dma_start3A_33 = tpu.memref_slice %arg2[%dma_start3A_31, %dma_start3A_32] : memref<1000000x64xf32, #tpu.memory_space<hbm>> -> memref<1000000x64xf32, #tpu.memory_space<hbm>>
    tpu.enqueue_indirect_dma source(%dma_start3A_33 : memref<1000000x64xf32, #tpu.memory_space<hbm>>) target(%dma_start3A_29 : memref<128x64xf32, #tpu.memory_space<vmem>>) offsets(%dma_start3A_30 : memref<128xi32, #tpu.memory_space<vmem>>) semaphore(%arg9 : memref<!tpu.dma_semaphore, #tpu.memory_space<semaphore_mem>>)
    %multiple_of3A_34 = arith.constant 384 : i32
    %multiple_of3A_35 = tpu.assume_multiple %multiple_of3A_34, 128 : i32
    %dma_start3A_36 = arith.constant 3 : i32
    %dma_start3A_37 = arith.constant 0 : i32
    %dma_start3A_38 = arith.constant 0 : i32
    %dma_start3A_39 = tpu.memref_slice %arg6[%dma_start3A_36, %dma_start3A_37, %dma_start3A_38] : memref<8x128x64xf32, #tpu.memory_space<vmem>> -> memref<1x128x64xf32, #tpu.memory_space<vmem>>
    %dma_start3A_40 = tpu.memref_squeeze %dma_start3A_39 : memref<1x128x64xf32, #tpu.memory_space<vmem>> -> memref<128x64xf32, #tpu.memory_space<vmem>>
    %dma_start3A_41 = tpu.memref_slice %arg5[%multiple_of3A_35] : memref<25600xi32, #tpu.memory_space<vmem>> -> memref<128xi32, #tpu.memory_space<vmem>>
    %dma_start3A_42 = arith.constant 0 : i32
    %dma_start3A_43 = arith.constant 0 : i32
    %dma_start3A_44 = tpu.memref_slice %arg2[%dma_start3A_42, %dma_start3A_43] : memref<1000000x64xf32, #tpu.memory_space<hbm>> -> memref<1000000x64xf32, #tpu.memory_space<hbm>>
    tpu.enqueue_indirect_dma source(%dma_start3A_44 : memref<1000000x64xf32, #tpu.memory_space<hbm>>) target(%dma_start3A_40 : memref<128x64xf32, #tpu.memory_space<vmem>>) offsets(%dma_start3A_41 : memref<128xi32, #tpu.memory_space<vmem>>) semaphore(%arg10 : memref<!tpu.dma_semaphore, #tpu.memory_space<semaphore_mem>>)
    %multiple_of3A_45 = arith.constant 512 : i32
    %multiple_of3A_46 = tpu.assume_multiple %multiple_of3A_45, 128 : i32
    %dma_start3A_47 = arith.constant 4 : i32
    %dma_start3A_48 = arith.constant 0 : i32
    %dma_start3A_49 = arith.constant 0 : i32
    %dma_start3A_50 = tpu.memref_slice %arg6[%dma_start3A_47, %dma_start3A_48, %dma_start3A_49] : memref<8x128x64xf32, #tpu.memory_space<vmem>> -> memref<1x128x64xf32, #tpu.memory_space<vmem>>
    %dma_start3A_51 = tpu.memref_squeeze %dma_start3A_50 : memref<1x128x64xf32, #tpu.memory_space<vmem>> -> memref<128x64xf32, #tpu.memory_space<vmem>>
    %dma_start3A_52 = tpu.memref_slice %arg5[%multiple_of3A_46] : memref<25600xi32, #tpu.memory_space<vmem>> -> memref<128xi32, #tpu.memory_space<vmem>>
    %dma_start3A_53 = arith.constant 0 : i32
    %dma_start3A_54 = arith.constant 0 : i32
    %dma_start3A_55 = tpu.memref_slice %arg2[%dma_start3A_53, %dma_start3A_54] : memref<1000000x64xf32, #tpu.memory_space<hbm>> -> memref<1000000x64xf32, #tpu.memory_space<hbm>>
    tpu.enqueue_indirect_dma source(%dma_start3A_55 : memref<1000000x64xf32, #tpu.memory_space<hbm>>) target(%dma_start3A_51 : memref<128x64xf32, #tpu.memory_space<vmem>>) offsets(%dma_start3A_52 : memref<128xi32, #tpu.memory_space<vmem>>) semaphore(%arg11 : memref<!tpu.dma_semaphore, #tpu.memory_space<semaphore_mem>>)
    %multiple_of3A_56 = arith.constant 640 : i32
    %multiple_of3A_57 = tpu.assume_multiple %multiple_of3A_56, 128 : i32
    %dma_start3A_58 = arith.constant 5 : i32
    %dma_start3A_59 = arith.constant 0 : i32
    %dma_start3A_60 = arith.constant 0 : i32
    %dma_start3A_61 = tpu.memref_slice %arg6[%dma_start3A_58, %dma_start3A_59, %dma_start3A_60] : memref<8x128x64xf32, #tpu.memory_space<vmem>> -> memref<1x128x64xf32, #tpu.memory_space<vmem>>
    %dma_start3A_62 = tpu.memref_squeeze %dma_start3A_61 : memref<1x128x64xf32, #tpu.memory_space<vmem>> -> memref<128x64xf32, #tpu.memory_space<vmem>>
    %dma_start3A_63 = tpu.memref_slice %arg5[%multiple_of3A_57] : memref<25600xi32, #tpu.memory_space<vmem>> -> memref<128xi32, #tpu.memory_space<vmem>>
    %dma_start3A_64 = arith.constant 0 : i32
    %dma_start3A_65 = arith.constant 0 : i32
    %dma_start3A_66 = tpu.memref_slice %arg2[%dma_start3A_64, %dma_start3A_65] : memref<1000000x64xf32, #tpu.memory_space<hbm>> -> memref<1000000x64xf32, #tpu.memory_space<hbm>>
    tpu.enqueue_indirect_dma source(%dma_start3A_66 : memref<1000000x64xf32, #tpu.memory_space<hbm>>) target(%dma_start3A_62 : memref<128x64xf32, #tpu.memory_space<vmem>>) offsets(%dma_start3A_63 : memref<128xi32, #tpu.memory_space<vmem>>) semaphore(%arg12 : memref<!tpu.dma_semaphore, #tpu.memory_space<semaphore_mem>>)
    %multiple_of3A_67 = arith.constant 768 : i32
    %multiple_of3A_68 = tpu.assume_multiple %multiple_of3A_67, 128 : i32
    %dma_start3A_69 = arith.constant 6 : i32
    %dma_start3A_70 = arith.constant 0 : i32
    %dma_start3A_71 = arith.constant 0 : i32
    %dma_start3A_72 = tpu.memref_slice %arg6[%dma_start3A_69, %dma_start3A_70, %dma_start3A_71] : memref<8x128x64xf32, #tpu.memory_space<vmem>> -> memref<1x128x64xf32, #tpu.memory_space<vmem>>
    %dma_start3A_73 = tpu.memref_squeeze %dma_start3A_72 : memref<1x128x64xf32, #tpu.memory_space<vmem>> -> memref<128x64xf32, #tpu.memory_space<vmem>>
    %dma_start3A_74 = tpu.memref_slice %arg5[%multiple_of3A_68] : memref<25600xi32, #tpu.memory_space<vmem>> -> memref<128xi32, #tpu.memory_space<vmem>>
    %dma_start3A_75 = arith.constant 0 : i32
    %dma_start3A_76 = arith.constant 0 : i32
    %dma_start3A_77 = tpu.memref_slice %arg2[%dma_start3A_75, %dma_start3A_76] : memref<1000000x64xf32, #tpu.memory_space<hbm>> -> memref<1000000x64xf32, #tpu.memory_space<hbm>>
    tpu.enqueue_indirect_dma source(%dma_start3A_77 : memref<1000000x64xf32, #tpu.memory_space<hbm>>) target(%dma_start3A_73 : memref<128x64xf32, #tpu.memory_space<vmem>>) offsets(%dma_start3A_74 : memref<128xi32, #tpu.memory_space<vmem>>) semaphore(%arg13 : memref<!tpu.dma_semaphore, #tpu.memory_space<semaphore_mem>>)
    %multiple_of3A_78 = arith.constant 896 : i32
    %multiple_of3A_79 = tpu.assume_multiple %multiple_of3A_78, 128 : i32
    %dma_start3A_80 = arith.constant 7 : i32
    %dma_start3A_81 = arith.constant 0 : i32
    %dma_start3A_82 = arith.constant 0 : i32
    %dma_start3A_83 = tpu.memref_slice %arg6[%dma_start3A_80, %dma_start3A_81, %dma_start3A_82] : memref<8x128x64xf32, #tpu.memory_space<vmem>> -> memref<1x128x64xf32, #tpu.memory_space<vmem>>
    %dma_start3A_84 = tpu.memref_squeeze %dma_start3A_83 : memref<1x128x64xf32, #tpu.memory_space<vmem>> -> memref<128x64xf32, #tpu.memory_space<vmem>>
    %dma_start3A_85 = tpu.memref_slice %arg5[%multiple_of3A_79] : memref<25600xi32, #tpu.memory_space<vmem>> -> memref<128xi32, #tpu.memory_space<vmem>>
    %dma_start3A_86 = arith.constant 0 : i32
    %dma_start3A_87 = arith.constant 0 : i32
    %dma_start3A_88 = tpu.memref_slice %arg2[%dma_start3A_86, %dma_start3A_87] : memref<1000000x64xf32, #tpu.memory_space<hbm>> -> memref<1000000x64xf32, #tpu.memory_space<hbm>>
    tpu.enqueue_indirect_dma source(%dma_start3A_88 : memref<1000000x64xf32, #tpu.memory_space<hbm>>) target(%dma_start3A_84 : memref<128x64xf32, #tpu.memory_space<vmem>>) offsets(%dma_start3A_85 : memref<128xi32, #tpu.memory_space<vmem>>) semaphore(%arg14 : memref<!tpu.dma_semaphore, #tpu.memory_space<semaphore_mem>>)
    %scan3A = arith.constant 0 : i32
    %scan3A_89 = arith.constant 0 : i32
    %scan3A_90 = arith.constant 25 : i32
    %scan3A_91 = arith.addi %scan3A_89, %scan3A_90 : i32
    %scan3A_92 = arith.constant 1 : i32
    scf.for %scan3A_221 = %scan3A_89 to %scan3A_91 step %scan3A_92  : i32 {
      %mul3A_222 = arith.constant 8 : i32
      %mul3A_223 = arith.muli %scan3A_221, %mul3A_222 : i32
      %add3A_224 = arith.constant 0 : i32
      %add3A_225 = arith.addi %mul3A_223, %add3A_224 : i32
      %mul3A_226 = arith.constant 128 : i32
      %mul3A_227 = arith.muli %add3A_225, %mul3A_226 : i32
      %multiple_of3A_228 = tpu.assume_multiple %mul3A_227, 128 : i32
      %dma_wait3A_229 = arith.constant 0 : i32
      %dma_wait3A_230 = arith.constant 0 : i32
      %dma_wait3A_231 = arith.constant 0 : i32
      %dma_wait3A_232 = tpu.memref_slice %arg6[%dma_wait3A_229, %dma_wait3A_230, %dma_wait3A_231] : memref<8x128x64xf32, #tpu.memory_space<vmem>> -> memref<1x128x64xf32, #tpu.memory_space<vmem>>
      %dma_wait3A_233 = tpu.memref_squeeze %dma_wait3A_232 : memref<1x128x64xf32, #tpu.memory_space<vmem>> -> memref<128x64xf32, #tpu.memory_space<vmem>>
      %dma_wait3A_234 = tpu.memref_slice %arg5[%multiple_of3A_228] : memref<25600xi32, #tpu.memory_space<vmem>> -> memref<128xi32, #tpu.memory_space<vmem>>
      %dma_wait3A_235 = arith.constant 0 : i32
      %dma_wait3A_236 = arith.constant 0 : i32
      %dma_wait3A_237 = tpu.memref_slice %arg2[%dma_wait3A_235, %dma_wait3A_236] : memref<1000000x64xf32, #tpu.memory_space<hbm>> -> memref<1000000x64xf32, #tpu.memory_space<hbm>>
      tpu.wait_indirect_dma semaphore(%arg7 : memref<!tpu.dma_semaphore, #tpu.memory_space<semaphore_mem>>) src(%dma_wait3A_237 : memref<1000000x64xf32, #tpu.memory_space<hbm>>) dst(%dma_wait3A_233 : memref<128x64xf32, #tpu.memory_space<vmem>>)
      %parallel_loop3A = arith.constant 0 : i32
      %parallel_loop3A_238 = arith.constant 128 : i32
      %parallel_loop3A_239 = arith.constant 1 : i32
      scf.for %parallel_loop3A_538 = %parallel_loop3A to %parallel_loop3A_238 step %parallel_loop3A_239  : i32 {
        %parallel_loop3A_539 = arith.constant 0 : i32
        %parallel_loop3A_540 = arith.index_cast %parallel_loop3A_539 : i32 to index
        %parallel_loop3A_541 = arith.index_cast %parallel_loop3A_538 : i32 to index
        %parallel_loop3A_542 = arith.constant 0 : index
        %parallel_loop3A_543 = tpu.vector_load %arg6[%parallel_loop3A_540, %parallel_loop3A_541, %parallel_loop3A_542] {strides = array<i32>} : memref<8x128x64xf32, #tpu.memory_space<vmem>>, vector<1x1x16xf32>,
        %parallel_loop3A_544 = vector.shape_cast %parallel_loop3A_543 : vector<1x1x16xf32> to vector<16xf32>
        %parallel_loop3A_545 = arith.constant 8.000000e+00 : f32
        %parallel_loop3A_546 = vector.broadcast %parallel_loop3A_545 : f32 to vector<16xf32>
        %parallel_loop3A_547 = arith.mulf %parallel_loop3A_544, %parallel_loop3A_546 : vector<16xf32>
        %parallel_loop3A_548 = arith.constant 0 : i32
        %parallel_loop3A_549 = arith.index_cast %parallel_loop3A_548 : i32 to index
        %parallel_loop3A_550 = arith.index_cast %parallel_loop3A_538 : i32 to index
        %parallel_loop3A_551 = arith.constant 0 : index
        %parallel_loop3A_552 = tpu.vector_load %arg6[%parallel_loop3A_549, %parallel_loop3A_550, %parallel_loop3A_551] {strides = array<i32>} : memref<8x128x64xf32, #tpu.memory_space<vmem>>, vector<1x1x16xf32>,
        %parallel_loop3A_553 = vector.shape_cast %parallel_loop3A_552 : vector<1x1x16xf32> to vector<16xf32>
        %parallel_loop3A_554 = vector.shape_cast %parallel_loop3A_547 : vector<16xf32> to vector<1x1x16xf32>
        tpu.vector_store %arg6[%parallel_loop3A_549, %parallel_loop3A_550, %parallel_loop3A_551], %parallel_loop3A_554 {strides = array<i32>} : memref<8x128x64xf32, #tpu.memory_space<vmem>>, vector<1x1x16xf32>,
        %parallel_loop3A_555 = arith.constant 0 : i32
        %parallel_loop3A_556 = arith.index_cast %parallel_loop3A_555 : i32 to index
        %parallel_loop3A_557 = arith.index_cast %parallel_loop3A_538 : i32 to index
        %parallel_loop3A_558 = arith.constant 16 : index
        %parallel_loop3A_559 = tpu.vector_load %arg6[%parallel_loop3A_556, %parallel_loop3A_557, %parallel_loop3A_558] {strides = array<i32>} : memref<8x128x64xf32, #tpu.memory_space<vmem>>, vector<1x1x16xf32>,
        %parallel_loop3A_560 = vector.shape_cast %parallel_loop3A_559 : vector<1x1x16xf32> to vector<16xf32>
        %parallel_loop3A_561 = arith.constant 8.000000e+00 : f32
        %parallel_loop3A_562 = vector.broadcast %parallel_loop3A_561 : f32 to vector<16xf32>
        %parallel_loop3A_563 = arith.mulf %parallel_loop3A_560, %parallel_loop3A_562 : vector<16xf32>
        %parallel_loop3A_564 = arith.constant 0 : i32
        %parallel_loop3A_565 = arith.index_cast %parallel_loop3A_564 : i32 to index
        %parallel_loop3A_566 = arith.index_cast %parallel_loop3A_538 : i32 to index
        %parallel_loop3A_567 = arith.constant 16 : index
        %parallel_loop3A_568 = tpu.vector_load %arg6[%parallel_loop3A_565, %parallel_loop3A_566, %parallel_loop3A_567] {strides = array<i32>} : memref<8x128x64xf32, #tpu.memory_space<vmem>>, vector<1x1x16xf32>,
        %parallel_loop3A_569 = vector.shape_cast %parallel_loop3A_568 : vector<1x1x16xf32> to vector<16xf32>
        %parallel_loop3A_570 = vector.shape_cast %parallel_loop3A_563 : vector<16xf32> to vector<1x1x16xf32>
        tpu.vector_store %arg6[%parallel_loop3A_565, %parallel_loop3A_566, %parallel_loop3A_567], %parallel_loop3A_570 {strides = array<i32>} : memref<8x128x64xf32, #tpu.memory_space<vmem>>, vector<1x1x16xf32>,
        %parallel_loop3A_571 = arith.constant 0 : i32
        %parallel_loop3A_572 = arith.index_cast %parallel_loop3A_571 : i32 to index
        %parallel_loop3A_573 = arith.index_cast %parallel_loop3A_538 : i32 to index
        %parallel_loop3A_574 = arith.constant 32 : index
        %parallel_loop3A_575 = tpu.vector_load %arg6[%parallel_loop3A_572, %parallel_loop3A_573, %parallel_loop3A_574] {strides = array<i32>} : memref<8x128x64xf32, #tpu.memory_space<vmem>>, vector<1x1x16xf32>,
        %parallel_loop3A_576 = vector.shape_cast %parallel_loop3A_575 : vector<1x1x16xf32> to vector<16xf32>
        %parallel_loop3A_577 = arith.constant 8.000000e+00 : f32
        %parallel_loop3A_578 = vector.broadcast %parallel_loop3A_577 : f32 to vector<16xf32>
        %parallel_loop3A_579 = arith.mulf %parallel_loop3A_576, %parallel_loop3A_578 : vector<16xf32>
        %parallel_loop3A_580 = arith.constant 0 : i32
        %parallel_loop3A_581 = arith.index_cast %parallel_loop3A_580 : i32 to index
        %parallel_loop3A_582 = arith.index_cast %parallel_loop3A_538 : i32 to index
        %parallel_loop3A_583 = arith.constant 32 : index
        %parallel_loop3A_584 = tpu.vector_load %arg6[%parallel_loop3A_581, %parallel_loop3A_582, %parallel_loop3A_583] {strides = array<i32>} : memref<8x128x64xf32, #tpu.memory_space<vmem>>, vector<1x1x16xf32>,
        %parallel_loop3A_585 = vector.shape_cast %parallel_loop3A_584 : vector<1x1x16xf32> to vector<16xf32>
        %parallel_loop3A_586 = vector.shape_cast %parallel_loop3A_579 : vector<16xf32> to vector<1x1x16xf32>
        tpu.vector_store %arg6[%parallel_loop3A_581, %parallel_loop3A_582, %parallel_loop3A_583], %parallel_loop3A_586 {strides = array<i32>} : memref<8x128x64xf32, #tpu.memory_space<vmem>>, vector<1x1x16xf32>,
        %parallel_loop3A_587 = arith.constant 0 : i32
        %parallel_loop3A_588 = arith.index_cast %parallel_loop3A_587 : i32 to index
        %parallel_loop3A_589 = arith.index_cast %parallel_loop3A_538 : i32 to index
        %parallel_loop3A_590 = arith.constant 48 : index
        %parallel_loop3A_591 = tpu.vector_load %arg6[%parallel_loop3A_588, %parallel_loop3A_589, %parallel_loop3A_590] {strides = array<i32>} : memref<8x128x64xf32, #tpu.memory_space<vmem>>, vector<1x1x16xf32>,
        %parallel_loop3A_592 = vector.shape_cast %parallel_loop3A_591 : vector<1x1x16xf32> to vector<16xf32>
        %parallel_loop3A_593 = arith.constant 8.000000e+00 : f32
        %parallel_loop3A_594 = vector.broadcast %parallel_loop3A_593 : f32 to vector<16xf32>
        %parallel_loop3A_595 = arith.mulf %parallel_loop3A_592, %parallel_loop3A_594 : vector<16xf32>
        %parallel_loop3A_596 = arith.constant 0 : i32
        %parallel_loop3A_597 = arith.index_cast %parallel_loop3A_596 : i32 to index
        %parallel_loop3A_598 = arith.index_cast %parallel_loop3A_538 : i32 to index
        %parallel_loop3A_599 = arith.constant 48 : index
        %parallel_loop3A_600 = tpu.vector_load %arg6[%parallel_loop3A_597, %parallel_loop3A_598, %parallel_loop3A_599] {strides = array<i32>} : memref<8x128x64xf32, #tpu.memory_space<vmem>>, vector<1x1x16xf32>,
        %parallel_loop3A_601 = vector.shape_cast %parallel_loop3A_600 : vector<1x1x16xf32> to vector<16xf32>
        %parallel_loop3A_602 = vector.shape_cast %parallel_loop3A_595 : vector<16xf32> to vector<1x1x16xf32>
        tpu.vector_store %arg6[%parallel_loop3A_597, %parallel_loop3A_598, %parallel_loop3A_599], %parallel_loop3A_602 {strides = array<i32>} : memref<8x128x64xf32, #tpu.memory_space<vmem>>, vector<1x1x16xf32>,
      } {sc.loop_unroll_factor = 4 : i64, sc.parallel_access}
      %add3A_240 = arith.addi %mul3A_2, %multiple_of3A_228 : i32
      %dma_start3A_241 = arith.constant 0 : i32
      %dma_start3A_242 = arith.constant 0 : i32
      %dma_start3A_243 = arith.constant 0 : i32
      %dma_start3A_244 = tpu.memref_slice %arg6[%dma_start3A_241, %dma_start3A_242, %dma_start3A_243] : memref<8x128x64xf32, #tpu.memory_space<vmem>> -> memref<1x128x64xf32, #tpu.memory_space<vmem>>
      %dma_start3A_245 = tpu.memref_squeeze %dma_start3A_244 : memref<1x128x64xf32, #tpu.memory_space<vmem>> -> memref<128x64xf32, #tpu.memory_space<vmem>>
      %dma_start3A_246 = arith.constant 0 : i32
      %dma_start3A_247 = tpu.memref_slice %arg4[%add3A_240, %dma_start3A_246] : memref<819200x64xf32, #tpu.memory_space<hbm>> -> memref<128x64xf32, #tpu.memory_space<hbm>>
      %dma_start3A_248 = arith.constant 0 : i32
      %dma_start3A_249 = tpu.memref_slice %arg4[%add3A_240, %dma_start3A_248] : memref<819200x64xf32, #tpu.memory_space<hbm>> -> memref<128x64xf32, #tpu.memory_space<hbm>>
      %dma_start3A_250 = arith.constant 0 : i32
      %dma_start3A_251 = arith.constant 0 : i32
      %dma_start3A_252 = tpu.memref_slice %arg6[%dma_start3A_241, %dma_start3A_250, %dma_start3A_251] : memref<8x128x64xf32, #tpu.memory_space<vmem>> -> memref<1x128x64xf32, #tpu.memory_space<vmem>>
      %dma_start3A_253 = tpu.memref_squeeze %dma_start3A_252 : memref<1x128x64xf32, #tpu.memory_space<vmem>> -> memref<128x64xf32, #tpu.memory_space<vmem>>
      tpu.enqueue_dma source(%dma_start3A_253 : memref<128x64xf32, #tpu.memory_space<vmem>>) target(%dma_start3A_249 : memref<128x64xf32, #tpu.memory_space<hbm>>) target_semaphore(%arg15 : memref<!tpu.dma_semaphore, #tpu.memory_space<semaphore_mem>>)
      %add3A_254 = arith.constant 8 : i32
      %add3A_255 = arith.addi %add3A_225, %add3A_254 : i32
      %lt3A = arith.constant 200 : i32
      %lt3A_256 = arith.cmpi slt, %add3A_255, %lt3A : i32
      %convert_element_type3A = arith.extui %lt3A_256 : i1 to i32
      %cond3A = arith.constant 0 : i32
      %cond3A_257 = arith.cmpi ne, %convert_element_type3A, %cond3A : i32
      scf.if %cond3A_257 {
        %add3A_538 = arith.addi %mul3A_2, %multiple_of3A_228 : i32
        %dma_wait3A_539 = arith.constant 0 : i32
        %dma_wait3A_540 = arith.constant 0 : i32
        %dma_wait3A_541 = arith.constant 0 : i32
        %dma_wait3A_542 = tpu.memref_slice %arg6[%dma_wait3A_539, %dma_wait3A_540, %dma_wait3A_541] : memref<8x128x64xf32, #tpu.memory_space<vmem>> -> memref<1x128x64xf32, #tpu.memory_space<vmem>>
        %dma_wait3A_543 = tpu.memref_squeeze %dma_wait3A_542 : memref<1x128x64xf32, #tpu.memory_space<vmem>> -> memref<128x64xf32, #tpu.memory_space<vmem>>
        %dma_wait3A_544 = arith.constant 0 : i32
        %dma_wait3A_545 = tpu.memref_slice %arg4[%add3A_538, %dma_wait3A_544] : memref<819200x64xf32, #tpu.memory_space<hbm>> -> memref<128x64xf32, #tpu.memory_space<hbm>>
        %dma_wait3A_546 = arith.constant 0 : i32
        %dma_wait3A_547 = tpu.memref_slice %arg4[%add3A_538, %dma_wait3A_546] : memref<819200x64xf32, #tpu.memory_space<hbm>> -> memref<128x64xf32, #tpu.memory_space<hbm>>
        %dma_wait3A_548 = arith.constant 0 : i32
        %dma_wait3A_549 = arith.constant 0 : i32
        %dma_wait3A_550 = tpu.memref_slice %arg6[%dma_wait3A_539, %dma_wait3A_548, %dma_wait3A_549] : memref<8x128x64xf32, #tpu.memory_space<vmem>> -> memref<1x128x64xf32, #tpu.memory_space<vmem>>
        %dma_wait3A_551 = tpu.memref_squeeze %dma_wait3A_550 : memref<1x128x64xf32, #tpu.memory_space<vmem>> -> memref<128x64xf32, #tpu.memory_space<vmem>>
        tpu.wait_dma2 semaphore(%arg15 : memref<!tpu.dma_semaphore, #tpu.memory_space<semaphore_mem>>) src(%dma_wait3A_551 : memref<128x64xf32, #tpu.memory_space<vmem>>) dst(%dma_wait3A_547 : memref<128x64xf32, #tpu.memory_space<hbm>>)
        %mul3A_552 = arith.constant 128 : i32
        %mul3A_553 = arith.muli %add3A_255, %mul3A_552 : i32
        %multiple_of3A_554 = tpu.assume_multiple %mul3A_553, 128 : i32
        %dma_start3A_555 = arith.constant 0 : i32
        %dma_start3A_556 = arith.constant 0 : i32
        %dma_start3A_557 = arith.constant 0 : i32
        %dma_start3A_558 = tpu.memref_slice %arg6[%dma_start3A_555, %dma_start3A_556, %dma_start3A_557] : memref<8x128x64xf32, #tpu.memory_space<vmem>> -> memref<1x128x64xf32, #tpu.memory_space<vmem>>
        %dma_start3A_559 = tpu.memref_squeeze %dma_start3A_558 : memref<1x128x64xf32, #tpu.memory_space<vmem>> -> memref<128x64xf32, #tpu.memory_space<vmem>>
        %dma_start3A_560 = tpu.memref_slice %arg5[%multiple_of3A_554] : memref<25600xi32, #tpu.memory_space<vmem>> -> memref<128xi32, #tpu.memory_space<vmem>>
        %dma_start3A_561 = arith.constant 0 : i32
        %dma_start3A_562 = arith.constant 0 : i32
        %dma_start3A_563 = tpu.memref_slice %arg2[%dma_start3A_561, %dma_start3A_562] : memref<1000000x64xf32, #tpu.memory_space<hbm>> -> memref<1000000x64xf32, #tpu.memory_space<hbm>>
        tpu.enqueue_indirect_dma source(%dma_start3A_563 : memref<1000000x64xf32, #tpu.memory_space<hbm>>) target(%dma_start3A_559 : memref<128x64xf32, #tpu.memory_space<vmem>>) offsets(%dma_start3A_560 : memref<128xi32, #tpu.memory_space<vmem>>) semaphore(%arg7 : memref<!tpu.dma_semaphore, #tpu.memory_space<semaphore_mem>>)
      } else {
      }
      %mul3A_258 = arith.constant 8 : i32
      %mul3A_259 = arith.muli %scan3A_221, %mul3A_258 : i32
      %add3A_260 = arith.constant 1 : i32
      %add3A_261 = arith.addi %mul3A_259, %add3A_260 : i32
      %mul3A_262 = arith.constant 128 : i32
      %mul3A_263 = arith.muli %add3A_261, %mul3A_262 : i32
      %multiple_of3A_264 = tpu.assume_multiple %mul3A_263, 128 : i32
      %dma_wait3A_265 = arith.constant 1 : i32
      %dma_wait3A_266 = arith.constant 0 : i32
      %dma_wait3A_267 = arith.constant 0 : i32
      %dma_wait3A_268 = tpu.memref_slice %arg6[%dma_wait3A_265, %dma_wait3A_266, %dma_wait3A_267] : memref<8x128x64xf32, #tpu.memory_space<vmem>> -> memref<1x128x64xf32, #tpu.memory_space<vmem>>
      %dma_wait3A_269 = tpu.memref_squeeze %dma_wait3A_268 : memref<1x128x64xf32, #tpu.memory_space<vmem>> -> memref<128x64xf32, #tpu.memory_space<vmem>>
      %dma_wait3A_270 = tpu.memref_slice %arg5[%multiple_of3A_264] : memref<25600xi32, #tpu.memory_space<vmem>> -> memref<128xi32, #tpu.memory_space<vmem>>
      %dma_wait3A_271 = arith.constant 0 : i32
      %dma_wait3A_272 = arith.constant 0 : i32
      %dma_wait3A_273 = tpu.memref_slice %arg2[%dma_wait3A_271, %dma_wait3A_272] : memref<1000000x64xf32, #tpu.memory_space<hbm>> -> memref<1000000x64xf32, #tpu.memory_space<hbm>>
      tpu.wait_indirect_dma semaphore(%arg8 : memref<!tpu.dma_semaphore, #tpu.memory_space<semaphore_mem>>) src(%dma_wait3A_273 : memref<1000000x64xf32, #tpu.memory_space<hbm>>) dst(%dma_wait3A_269 : memref<128x64xf32, #tpu.memory_space<vmem>>)
      %parallel_loop3A_274 = arith.constant 0 : i32
      %parallel_loop3A_275 = arith.constant 128 : i32
      %parallel_loop3A_276 = arith.constant 1 : i32
      scf.for %parallel_loop3A_538 = %parallel_loop3A_274 to %parallel_loop3A_275 step %parallel_loop3A_276  : i32 {
        %parallel_loop3A_539 = arith.constant 1 : i32
        %parallel_loop3A_540 = arith.index_cast %parallel_loop3A_539 : i32 to index
        %parallel_loop3A_541 = arith.index_cast %parallel_loop3A_538 : i32 to index
        %parallel_loop3A_542 = arith.constant 0 : index
        %parallel_loop3A_543 = tpu.vector_load %arg6[%parallel_loop3A_540, %parallel_loop3A_541, %parallel_loop3A_542] {strides = array<i32>} : memref<8x128x64xf32, #tpu.memory_space<vmem>>, vector<1x1x16xf32>,
        %parallel_loop3A_544 = vector.shape_cast %parallel_loop3A_543 : vector<1x1x16xf32> to vector<16xf32>
        %parallel_loop3A_545 = arith.constant 8.000000e+00 : f32
        %parallel_loop3A_546 = vector.broadcast %parallel_loop3A_545 : f32 to vector<16xf32>
        %parallel_loop3A_547 = arith.mulf %parallel_loop3A_544, %parallel_loop3A_546 : vector<16xf32>
        %parallel_loop3A_548 = arith.constant 1 : i32
        %parallel_loop3A_549 = arith.index_cast %parallel_loop3A_548 : i32 to index
        %parallel_loop3A_550 = arith.index_cast %parallel_loop3A_538 : i32 to index
        %parallel_loop3A_551 = arith.constant 0 : index
        %parallel_loop3A_552 = tpu.vector_load %arg6[%parallel_loop3A_549, %parallel_loop3A_550, %parallel_loop3A_551] {strides = array<i32>} : memref<8x128x64xf32, #tpu.memory_space<vmem>>, vector<1x1x16xf32>,
        %parallel_loop3A_553 = vector.shape_cast %parallel_loop3A_552 : vector<1x1x16xf32> to vector<16xf32>
        %parallel_loop3A_554 = vector.shape_cast %parallel_loop3A_547 : vector<16xf32> to vector<1x1x16xf32>
        tpu.vector_store %arg6[%parallel_loop3A_549, %parallel_loop3A_550, %parallel_loop3A_551], %parallel_loop3A_554 {strides = array<i32>} : memref<8x128x64xf32, #tpu.memory_space<vmem>>, vector<1x1x16xf32>,
        %parallel_loop3A_555 = arith.constant 1 : i32
        %parallel_loop3A_556 = arith.index_cast %parallel_loop3A_555 : i32 to index
        %parallel_loop3A_557 = arith.index_cast %parallel_loop3A_538 : i32 to index
        %parallel_loop3A_558 = arith.constant 16 : index
        %parallel_loop3A_559 = tpu.vector_load %arg6[%parallel_loop3A_556, %parallel_loop3A_557, %parallel_loop3A_558] {strides = array<i32>} : memref<8x128x64xf32, #tpu.memory_space<vmem>>, vector<1x1x16xf32>,
        %parallel_loop3A_560 = vector.shape_cast %parallel_loop3A_559 : vector<1x1x16xf32> to vector<16xf32>
        %parallel_loop3A_561 = arith.constant 8.000000e+00 : f32
        %parallel_loop3A_562 = vector.broadcast %parallel_loop3A_561 : f32 to vector<16xf32>
        %parallel_loop3A_563 = arith.mulf %parallel_loop3A_560, %parallel_loop3A_562 : vector<16xf32>
        %parallel_loop3A_564 = arith.constant 1 : i32
        %parallel_loop3A_565 = arith.index_cast %parallel_loop3A_564 : i32 to index
        %parallel_loop3A_566 = arith.index_cast %parallel_loop3A_538 : i32 to index
        %parallel_loop3A_567 = arith.constant 16 : index
        %parallel_loop3A_568 = tpu.vector_load %arg6[%parallel_loop3A_565, %parallel_loop3A_566, %parallel_loop3A_567] {strides = array<i32>} : memref<8x128x64xf32, #tpu.memory_space<vmem>>, vector<1x1x16xf32>,
        %parallel_loop3A_569 = vector.shape_cast %parallel_loop3A_568 : vector<1x1x16xf32> to vector<16xf32>
        %parallel_loop3A_570 = vector.shape_cast %parallel_loop3A_563 : vector<16xf32> to vector<1x1x16xf32>
        tpu.vector_store %arg6[%parallel_loop3A_565, %parallel_loop3A_566, %parallel_loop3A_567], %parallel_loop3A_570 {strides = array<i32>} : memref<8x128x64xf32, #tpu.memory_space<vmem>>, vector<1x1x16xf32>,
        %parallel_loop3A_571 = arith.constant 1 : i32
        %parallel_loop3A_572 = arith.index_cast %parallel_loop3A_571 : i32 to index
        %parallel_loop3A_573 = arith.index_cast %parallel_loop3A_538 : i32 to index
        %parallel_loop3A_574 = arith.constant 32 : index
        %parallel_loop3A_575 = tpu.vector_load %arg6[%parallel_loop3A_572, %parallel_loop3A_573, %parallel_loop3A_574] {strides = array<i32>} : memref<8x128x64xf32, #tpu.memory_space<vmem>>, vector<1x1x16xf32>,
        %parallel_loop3A_576 = vector.shape_cast %parallel_loop3A_575 : vector<1x1x16xf32> to vector<16xf32>
        %parallel_loop3A_577 = arith.constant 8.000000e+00 : f32
        %parallel_loop3A_578 = vector.broadcast %parallel_loop3A_577 : f32 to vector<16xf32>
        %parallel_loop3A_579 = arith.mulf %parallel_loop3A_576, %parallel_loop3A_578 : vector<16xf32>
        %parallel_loop3A_580 = arith.constant 1 : i32
        %parallel_loop3A_581 = arith.index_cast %parallel_loop3A_580 : i32 to index
        %parallel_loop3A_582 = arith.index_cast %parallel_loop3A_538 : i32 to index
        %parallel_loop3A_583 = arith.constant 32 : index
        %parallel_loop3A_584 = tpu.vector_load %arg6[%parallel_loop3A_581, %parallel_loop3A_582, %parallel_loop3A_583] {strides = array<i32>} : memref<8x128x64xf32, #tpu.memory_space<vmem>>, vector<1x1x16xf32>,
        %parallel_loop3A_585 = vector.shape_cast %parallel_loop3A_584 : vector<1x1x16xf32> to vector<16xf32>
        %parallel_loop3A_586 = vector.shape_cast %parallel_loop3A_579 : vector<16xf32> to vector<1x1x16xf32>
        tpu.vector_store %arg6[%parallel_loop3A_581, %parallel_loop3A_582, %parallel_loop3A_583], %parallel_loop3A_586 {strides = array<i32>} : memref<8x128x64xf32, #tpu.memory_space<vmem>>, vector<1x1x16xf32>,
        %parallel_loop3A_587 = arith.constant 1 : i32
        %parallel_loop3A_588 = arith.index_cast %parallel_loop3A_587 : i32 to index
        %parallel_loop3A_589 = arith.index_cast %parallel_loop3A_538 : i32 to index
        %parallel_loop3A_590 = arith.constant 48 : index
        %parallel_loop3A_591 = tpu.vector_load %arg6[%parallel_loop3A_588, %parallel_loop3A_589, %parallel_loop3A_590] {strides = array<i32>} : memref<8x128x64xf32, #tpu.memory_space<vmem>>, vector<1x1x16xf32>,
        %parallel_loop3A_592 = vector.shape_cast %parallel_loop3A_591 : vector<1x1x16xf32> to vector<16xf32>
        %parallel_loop3A_593 = arith.constant 8.000000e+00 : f32
        %parallel_loop3A_594 = vector.broadcast %parallel_loop3A_593 : f32 to vector<16xf32>
        %parallel_loop3A_595 = arith.mulf %parallel_loop3A_592, %parallel_loop3A_594 : vector<16xf32>
        %parallel_loop3A_596 = arith.constant 1 : i32
        %parallel_loop3A_597 = arith.index_cast %parallel_loop3A_596 : i32 to index
        %parallel_loop3A_598 = arith.index_cast %parallel_loop3A_538 : i32 to index
        %parallel_loop3A_599 = arith.constant 48 : index
        %parallel_loop3A_600 = tpu.vector_load %arg6[%parallel_loop3A_597, %parallel_loop3A_598, %parallel_loop3A_599] {strides = array<i32>} : memref<8x128x64xf32, #tpu.memory_space<vmem>>, vector<1x1x16xf32>,
        %parallel_loop3A_601 = vector.shape_cast %parallel_loop3A_600 : vector<1x1x16xf32> to vector<16xf32>
        %parallel_loop3A_602 = vector.shape_cast %parallel_loop3A_595 : vector<16xf32> to vector<1x1x16xf32>
        tpu.vector_store %arg6[%parallel_loop3A_597, %parallel_loop3A_598, %parallel_loop3A_599], %parallel_loop3A_602 {strides = array<i32>} : memref<8x128x64xf32, #tpu.memory_space<vmem>>, vector<1x1x16xf32>,
      } {sc.loop_unroll_factor = 4 : i64, sc.parallel_access}
      %add3A_277 = arith.addi %mul3A_2, %multiple_of3A_264 : i32
      %dma_start3A_278 = arith.constant 1 : i32
      %dma_start3A_279 = arith.constant 0 : i32
      %dma_start3A_280 = arith.constant 0 : i32
      %dma_start3A_281 = tpu.memref_slice %arg6[%dma_start3A_278, %dma_start3A_279, %dma_start3A_280] : memref<8x128x64xf32, #tpu.memory_space<vmem>> -> memref<1x128x64xf32, #tpu.memory_space<vmem>>
      %dma_start3A_282 = tpu.memref_squeeze %dma_start3A_281 : memref<1x128x64xf32, #tpu.memory_space<vmem>> -> memref<128x64xf32, #tpu.memory_space<vmem>>
      %dma_start3A_283 = arith.constant 0 : i32
      %dma_start3A_284 = tpu.memref_slice %arg4[%add3A_277, %dma_start3A_283] : memref<819200x64xf32, #tpu.memory_space<hbm>> -> memref<128x64xf32, #tpu.memory_space<hbm>>
      %dma_start3A_285 = arith.constant 0 : i32
      %dma_start3A_286 = tpu.memref_slice %arg4[%add3A_277, %dma_start3A_285] : memref<819200x64xf32, #tpu.memory_space<hbm>> -> memref<128x64xf32, #tpu.memory_space<hbm>>
      %dma_start3A_287 = arith.constant 0 : i32
      %dma_start3A_288 = arith.constant 0 : i32
      %dma_start3A_289 = tpu.memref_slice %arg6[%dma_start3A_278, %dma_start3A_287, %dma_start3A_288] : memref<8x128x64xf32, #tpu.memory_space<vmem>> -> memref<1x128x64xf32, #tpu.memory_space<vmem>>
      %dma_start3A_290 = tpu.memref_squeeze %dma_start3A_289 : memref<1x128x64xf32, #tpu.memory_space<vmem>> -> memref<128x64xf32, #tpu.memory_space<vmem>>
      tpu.enqueue_dma source(%dma_start3A_290 : memref<128x64xf32, #tpu.memory_space<vmem>>) target(%dma_start3A_286 : memref<128x64xf32, #tpu.memory_space<hbm>>) target_semaphore(%arg16 : memref<!tpu.dma_semaphore, #tpu.memory_space<semaphore_mem>>)
      %add3A_291 = arith.constant 8 : i32
      %add3A_292 = arith.addi %add3A_261, %add3A_291 : i32
      %lt3A_293 = arith.constant 200 : i32
      %lt3A_294 = arith.cmpi slt, %add3A_292, %lt3A_293 : i32
      %convert_element_type3A_295 = arith.extui %lt3A_294 : i1 to i32
      %cond3A_296 = arith.constant 0 : i32
      %cond3A_297 = arith.cmpi ne, %convert_element_type3A_295, %cond3A_296 : i32
      scf.if %cond3A_297 {
        %add3A_538 = arith.addi %mul3A_2, %multiple_of3A_264 : i32
        %dma_wait3A_539 = arith.constant 1 : i32
        %dma_wait3A_540 = arith.constant 0 : i32
        %dma_wait3A_541 = arith.constant 0 : i32
        %dma_wait3A_542 = tpu.memref_slice %arg6[%dma_wait3A_539, %dma_wait3A_540, %dma_wait3A_541] : memref<8x128x64xf32, #tpu.memory_space<vmem>> -> memref<1x128x64xf32, #tpu.memory_space<vmem>>
        %dma_wait3A_543 = tpu.memref_squeeze %dma_wait3A_542 : memref<1x128x64xf32, #tpu.memory_space<vmem>> -> memref<128x64xf32, #tpu.memory_space<vmem>>
        %dma_wait3A_544 = arith.constant 0 : i32
        %dma_wait3A_545 = tpu.memref_slice %arg4[%add3A_538, %dma_wait3A_544] : memref<819200x64xf32, #tpu.memory_space<hbm>> -> memref<128x64xf32, #tpu.memory_space<hbm>>
        %dma_wait3A_546 = arith.constant 0 : i32
        %dma_wait3A_547 = tpu.memref_slice %arg4[%add3A_538, %dma_wait3A_546] : memref<819200x64xf32, #tpu.memory_space<hbm>> -> memref<128x64xf32, #tpu.memory_space<hbm>>
        %dma_wait3A_548 = arith.constant 0 : i32
        %dma_wait3A_549 = arith.constant 0 : i32
        %dma_wait3A_550 = tpu.memref_slice %arg6[%dma_wait3A_539, %dma_wait3A_548, %dma_wait3A_549] : memref<8x128x64xf32, #tpu.memory_space<vmem>> -> memref<1x128x64xf32, #tpu.memory_space<vmem>>
        %dma_wait3A_551 = tpu.memref_squeeze %dma_wait3A_550 : memref<1x128x64xf32, #tpu.memory_space<vmem>> -> memref<128x64xf32, #tpu.memory_space<vmem>>
        tpu.wait_dma2 semaphore(%arg16 : memref<!tpu.dma_semaphore, #tpu.memory_space<semaphore_mem>>) src(%dma_wait3A_551 : memref<128x64xf32, #tpu.memory_space<vmem>>) dst(%dma_wait3A_547 : memref<128x64xf32, #tpu.memory_space<hbm>>)
        %mul3A_552 = arith.constant 128 : i32
        %mul3A_553 = arith.muli %add3A_292, %mul3A_552 : i32
        %multiple_of3A_554 = tpu.assume_multiple %mul3A_553, 128 : i32
        %dma_start3A_555 = arith.constant 1 : i32
        %dma_start3A_556 = arith.constant 0 : i32
        %dma_start3A_557 = arith.constant 0 : i32
        %dma_start3A_558 = tpu.memref_slice %arg6[%dma_start3A_555, %dma_start3A_556, %dma_start3A_557] : memref<8x128x64xf32, #tpu.memory_space<vmem>> -> memref<1x128x64xf32, #tpu.memory_space<vmem>>
        %dma_start3A_559 = tpu.memref_squeeze %dma_start3A_558 : memref<1x128x64xf32, #tpu.memory_space<vmem>> -> memref<128x64xf32, #tpu.memory_space<vmem>>
        %dma_start3A_560 = tpu.memref_slice %arg5[%multiple_of3A_554] : memref<25600xi32, #tpu.memory_space<vmem>> -> memref<128xi32, #tpu.memory_space<vmem>>
        %dma_start3A_561 = arith.constant 0 : i32
        %dma_start3A_562 = arith.constant 0 : i32
        %dma_start3A_563 = tpu.memref_slice %arg2[%dma_start3A_561, %dma_start3A_562] : memref<1000000x64xf32, #tpu.memory_space<hbm>> -> memref<1000000x64xf32, #tpu.memory_space<hbm>>
        tpu.enqueue_indirect_dma source(%dma_start3A_563 : memref<1000000x64xf32, #tpu.memory_space<hbm>>) target(%dma_start3A_559 : memref<128x64xf32, #tpu.memory_space<vmem>>) offsets(%dma_start3A_560 : memref<128xi32, #tpu.memory_space<vmem>>) semaphore(%arg8 : memref<!tpu.dma_semaphore, #tpu.memory_space<semaphore_mem>>)
      } else {
      }
      %mul3A_298 = arith.constant 8 : i32
      %mul3A_299 = arith.muli %scan3A_221, %mul3A_298 : i32
      %add3A_300 = arith.constant 2 : i32
      %add3A_301 = arith.addi %mul3A_299, %add3A_300 : i32
      %mul3A_302 = arith.constant 128 : i32
      %mul3A_303 = arith.muli %add3A_301, %mul3A_302 : i32
      %multiple_of3A_304 = tpu.assume_multiple %mul3A_303, 128 : i32
      %dma_wait3A_305 = arith.constant 2 : i32
      %dma_wait3A_306 = arith.constant 0 : i32
      %dma_wait3A_307 = arith.constant 0 : i32
      %dma_wait3A_308 = tpu.memref_slice %arg6[%dma_wait3A_305, %dma_wait3A_306, %dma_wait3A_307] : memref<8x128x64xf32, #tpu.memory_space<vmem>> -> memref<1x128x64xf32, #tpu.memory_space<vmem>>
      %dma_wait3A_309 = tpu.memref_squeeze %dma_wait3A_308 : memref<1x128x64xf32, #tpu.memory_space<vmem>> -> memref<128x64xf32, #tpu.memory_space<vmem>>
      %dma_wait3A_310 = tpu.memref_slice %arg5[%multiple_of3A_304] : memref<25600xi32, #tpu.memory_space<vmem>> -> memref<128xi32, #tpu.memory_space<vmem>>
      %dma_wait3A_311 = arith.constant 0 : i32
      %dma_wait3A_312 = arith.constant 0 : i32
      %dma_wait3A_313 = tpu.memref_slice %arg2[%dma_wait3A_311, %dma_wait3A_312] : memref<1000000x64xf32, #tpu.memory_space<hbm>> -> memref<1000000x64xf32, #tpu.memory_space<hbm>>
      tpu.wait_indirect_dma semaphore(%arg9 : memref<!tpu.dma_semaphore, #tpu.memory_space<semaphore_mem>>) src(%dma_wait3A_313 : memref<1000000x64xf32, #tpu.memory_space<hbm>>) dst(%dma_wait3A_309 : memref<128x64xf32, #tpu.memory_space<vmem>>)
      %parallel_loop3A_314 = arith.constant 0 : i32
      %parallel_loop3A_315 = arith.constant 128 : i32
      %parallel_loop3A_316 = arith.constant 1 : i32
      scf.for %parallel_loop3A_538 = %parallel_loop3A_314 to %parallel_loop3A_315 step %parallel_loop3A_316  : i32 {
        %parallel_loop3A_539 = arith.constant 2 : i32
        %parallel_loop3A_540 = arith.index_cast %parallel_loop3A_539 : i32 to index
        %parallel_loop3A_541 = arith.index_cast %parallel_loop3A_538 : i32 to index
        %parallel_loop3A_542 = arith.constant 0 : index
        %parallel_loop3A_543 = tpu.vector_load %arg6[%parallel_loop3A_540, %parallel_loop3A_541, %parallel_loop3A_542] {strides = array<i32>} : memref<8x128x64xf32, #tpu.memory_space<vmem>>, vector<1x1x16xf32>,
        %parallel_loop3A_544 = vector.shape_cast %parallel_loop3A_543 : vector<1x1x16xf32> to vector<16xf32>
        %parallel_loop3A_545 = arith.constant 8.000000e+00 : f32
        %parallel_loop3A_546 = vector.broadcast %parallel_loop3A_545 : f32 to vector<16xf32>
        %parallel_loop3A_547 = arith.mulf %parallel_loop3A_544, %parallel_loop3A_546 : vector<16xf32>
        %parallel_loop3A_548 = arith.constant 2 : i32
        %parallel_loop3A_549 = arith.index_cast %parallel_loop3A_548 : i32 to index
        %parallel_loop3A_550 = arith.index_cast %parallel_loop3A_538 : i32 to index
        %parallel_loop3A_551 = arith.constant 0 : index
        %parallel_loop3A_552 = tpu.vector_load %arg6[%parallel_loop3A_549, %parallel_loop3A_550, %parallel_loop3A_551] {strides = array<i32>} : memref<8x128x64xf32, #tpu.memory_space<vmem>>, vector<1x1x16xf32>,
        %parallel_loop3A_553 = vector.shape_cast %parallel_loop3A_552 : vector<1x1x16xf32> to vector<16xf32>
        %parallel_loop3A_554 = vector.shape_cast %parallel_loop3A_547 : vector<16xf32> to vector<1x1x16xf32>
        tpu.vector_store %arg6[%parallel_loop3A_549, %parallel_loop3A_550, %parallel_loop3A_551], %parallel_loop3A_554 {strides = array<i32>} : memref<8x128x64xf32, #tpu.memory_space<vmem>>, vector<1x1x16xf32>,
        %parallel_loop3A_555 = arith.constant 2 : i32
        %parallel_loop3A_556 = arith.index_cast %parallel_loop3A_555 : i32 to index
        %parallel_loop3A_557 = arith.index_cast %parallel_loop3A_538 : i32 to index
        %parallel_loop3A_558 = arith.constant 16 : index
        %parallel_loop3A_559 = tpu.vector_load %arg6[%parallel_loop3A_556, %parallel_loop3A_557, %parallel_loop3A_558] {strides = array<i32>} : memref<8x128x64xf32, #tpu.memory_space<vmem>>, vector<1x1x16xf32>,
        %parallel_loop3A_560 = vector.shape_cast %parallel_loop3A_559 : vector<1x1x16xf32> to vector<16xf32>
        %parallel_loop3A_561 = arith.constant 8.000000e+00 : f32
        %parallel_loop3A_562 = vector.broadcast %parallel_loop3A_561 : f32 to vector<16xf32>
        %parallel_loop3A_563 = arith.mulf %parallel_loop3A_560, %parallel_loop3A_562 : vector<16xf32>
        %parallel_loop3A_564 = arith.constant 2 : i32
        %parallel_loop3A_565 = arith.index_cast %parallel_loop3A_564 : i32 to index
        %parallel_loop3A_566 = arith.index_cast %parallel_loop3A_538 : i32 to index
        %parallel_loop3A_567 = arith.constant 16 : index
        %parallel_loop3A_568 = tpu.vector_load %arg6[%parallel_loop3A_565, %parallel_loop3A_566, %parallel_loop3A_567] {strides = array<i32>} : memref<8x128x64xf32, #tpu.memory_space<vmem>>, vector<1x1x16xf32>,
        %parallel_loop3A_569 = vector.shape_cast %parallel_loop3A_568 : vector<1x1x16xf32> to vector<16xf32>
        %parallel_loop3A_570 = vector.shape_cast %parallel_loop3A_563 : vector<16xf32> to vector<1x1x16xf32>
        tpu.vector_store %arg6[%parallel_loop3A_565, %parallel_loop3A_566, %parallel_loop3A_567], %parallel_loop3A_570 {strides = array<i32>} : memref<8x128x64xf32, #tpu.memory_space<vmem>>, vector<1x1x16xf32>,
        %parallel_loop3A_571 = arith.constant 2 : i32
        %parallel_loop3A_572 = arith.index_cast %parallel_loop3A_571 : i32 to index
        %parallel_loop3A_573 = arith.index_cast %parallel_loop3A_538 : i32 to index
        %parallel_loop3A_574 = arith.constant 32 : index
        %parallel_loop3A_575 = tpu.vector_load %arg6[%parallel_loop3A_572, %parallel_loop3A_573, %parallel_loop3A_574] {strides = array<i32>} : memref<8x128x64xf32, #tpu.memory_space<vmem>>, vector<1x1x16xf32>,
        %parallel_loop3A_576 = vector.shape_cast %parallel_loop3A_575 : vector<1x1x16xf32> to vector<16xf32>
        %parallel_loop3A_577 = arith.constant 8.000000e+00 : f32
        %parallel_loop3A_578 = vector.broadcast %parallel_loop3A_577 : f32 to vector<16xf32>
        %parallel_loop3A_579 = arith.mulf %parallel_loop3A_576, %parallel_loop3A_578 : vector<16xf32>
        %parallel_loop3A_580 = arith.constant 2 : i32
        %parallel_loop3A_581 = arith.index_cast %parallel_loop3A_580 : i32 to index
        %parallel_loop3A_582 = arith.index_cast %parallel_loop3A_538 : i32 to index
        %parallel_loop3A_583 = arith.constant 32 : index
        %parallel_loop3A_584 = tpu.vector_load %arg6[%parallel_loop3A_581, %parallel_loop3A_582, %parallel_loop3A_583] {strides = array<i32>} : memref<8x128x64xf32, #tpu.memory_space<vmem>>, vector<1x1x16xf32>,
        %parallel_loop3A_585 = vector.shape_cast %parallel_loop3A_584 : vector<1x1x16xf32> to vector<16xf32>
        %parallel_loop3A_586 = vector.shape_cast %parallel_loop3A_579 : vector<16xf32> to vector<1x1x16xf32>
        tpu.vector_store %arg6[%parallel_loop3A_581, %parallel_loop3A_582, %parallel_loop3A_583], %parallel_loop3A_586 {strides = array<i32>} : memref<8x128x64xf32, #tpu.memory_space<vmem>>, vector<1x1x16xf32>,
        %parallel_loop3A_587 = arith.constant 2 : i32
        %parallel_loop3A_588 = arith.index_cast %parallel_loop3A_587 : i32 to index
        %parallel_loop3A_589 = arith.index_cast %parallel_loop3A_538 : i32 to index
        %parallel_loop3A_590 = arith.constant 48 : index
        %parallel_loop3A_591 = tpu.vector_load %arg6[%parallel_loop3A_588, %parallel_loop3A_589, %parallel_loop3A_590] {strides = array<i32>} : memref<8x128x64xf32, #tpu.memory_space<vmem>>, vector<1x1x16xf32>,
        %parallel_loop3A_592 = vector.shape_cast %parallel_loop3A_591 : vector<1x1x16xf32> to vector<16xf32>
        %parallel_loop3A_593 = arith.constant 8.000000e+00 : f32
        %parallel_loop3A_594 = vector.broadcast %parallel_loop3A_593 : f32 to vector<16xf32>
        %parallel_loop3A_595 = arith.mulf %parallel_loop3A_592, %parallel_loop3A_594 : vector<16xf32>
        %parallel_loop3A_596 = arith.constant 2 : i32
        %parallel_loop3A_597 = arith.index_cast %parallel_loop3A_596 : i32 to index
        %parallel_loop3A_598 = arith.index_cast %parallel_loop3A_538 : i32 to index
        %parallel_loop3A_599 = arith.constant 48 : index
        %parallel_loop3A_600 = tpu.vector_load %arg6[%parallel_loop3A_597, %parallel_loop3A_598, %parallel_loop3A_599] {strides = array<i32>} : memref<8x128x64xf32, #tpu.memory_space<vmem>>, vector<1x1x16xf32>,
        %parallel_loop3A_601 = vector.shape_cast %parallel_loop3A_600 : vector<1x1x16xf32> to vector<16xf32>
        %parallel_loop3A_602 = vector.shape_cast %parallel_loop3A_595 : vector<16xf32> to vector<1x1x16xf32>
        tpu.vector_store %arg6[%parallel_loop3A_597, %parallel_loop3A_598, %parallel_loop3A_599], %parallel_loop3A_602 {strides = array<i32>} : memref<8x128x64xf32, #tpu.memory_space<vmem>>, vector<1x1x16xf32>,
      } {sc.loop_unroll_factor = 4 : i64, sc.parallel_access}
      %add3A_317 = arith.addi %mul3A_2, %multiple_of3A_304 : i32
      %dma_start3A_318 = arith.constant 2 : i32
      %dma_start3A_319 = arith.constant 0 : i32
      %dma_start3A_320 = arith.constant 0 : i32
      %dma_start3A_321 = tpu.memref_slice %arg6[%dma_start3A_318, %dma_start3A_319, %dma_start3A_320] : memref<8x128x64xf32, #tpu.memory_space<vmem>> -> memref<1x128x64xf32, #tpu.memory_space<vmem>>
      %dma_start3A_322 = tpu.memref_squeeze %dma_start3A_321 : memref<1x128x64xf32, #tpu.memory_space<vmem>> -> memref<128x64xf32, #tpu.memory_space<vmem>>
      %dma_start3A_323 = arith.constant 0 : i32
      %dma_start3A_324 = tpu.memref_slice %arg4[%add3A_317, %dma_start3A_323] : memref<819200x64xf32, #tpu.memory_space<hbm>> -> memref<128x64xf32, #tpu.memory_space<hbm>>
      %dma_start3A_325 = arith.constant 0 : i32
      %dma_start3A_326 = tpu.memref_slice %arg4[%add3A_317, %dma_start3A_325] : memref<819200x64xf32, #tpu.memory_space<hbm>> -> memref<128x64xf32, #tpu.memory_space<hbm>>
      %dma_start3A_327 = arith.constant 0 : i32
      %dma_start3A_328 = arith.constant 0 : i32
      %dma_start3A_329 = tpu.memref_slice %arg6[%dma_start3A_318, %dma_start3A_327, %dma_start3A_328] : memref<8x128x64xf32, #tpu.memory_space<vmem>> -> memref<1x128x64xf32, #tpu.memory_space<vmem>>
      %dma_start3A_330 = tpu.memref_squeeze %dma_start3A_329 : memref<1x128x64xf32, #tpu.memory_space<vmem>> -> memref<128x64xf32, #tpu.memory_space<vmem>>
      tpu.enqueue_dma source(%dma_start3A_330 : memref<128x64xf32, #tpu.memory_space<vmem>>) target(%dma_start3A_326 : memref<128x64xf32, #tpu.memory_space<hbm>>) target_semaphore(%arg17 : memref<!tpu.dma_semaphore, #tpu.memory_space<semaphore_mem>>)
      %add3A_331 = arith.constant 8 : i32
      %add3A_332 = arith.addi %add3A_301, %add3A_331 : i32
      %lt3A_333 = arith.constant 200 : i32
      %lt3A_334 = arith.cmpi slt, %add3A_332, %lt3A_333 : i32
      %convert_element_type3A_335 = arith.extui %lt3A_334 : i1 to i32
      %cond3A_336 = arith.constant 0 : i32
      %cond3A_337 = arith.cmpi ne, %convert_element_type3A_335, %cond3A_336 : i32
      scf.if %cond3A_337 {
        %add3A_538 = arith.addi %mul3A_2, %multiple_of3A_304 : i32
        %dma_wait3A_539 = arith.constant 2 : i32
        %dma_wait3A_540 = arith.constant 0 : i32
        %dma_wait3A_541 = arith.constant 0 : i32
        %dma_wait3A_542 = tpu.memref_slice %arg6[%dma_wait3A_539, %dma_wait3A_540, %dma_wait3A_541] : memref<8x128x64xf32, #tpu.memory_space<vmem>> -> memref<1x128x64xf32, #tpu.memory_space<vmem>>
        %dma_wait3A_543 = tpu.memref_squeeze %dma_wait3A_542 : memref<1x128x64xf32, #tpu.memory_space<vmem>> -> memref<128x64xf32, #tpu.memory_space<vmem>>
        %dma_wait3A_544 = arith.constant 0 : i32
        %dma_wait3A_545 = tpu.memref_slice %arg4[%add3A_538, %dma_wait3A_544] : memref<819200x64xf32, #tpu.memory_space<hbm>> -> memref<128x64xf32, #tpu.memory_space<hbm>>
        %dma_wait3A_546 = arith.constant 0 : i32
        %dma_wait3A_547 = tpu.memref_slice %arg4[%add3A_538, %dma_wait3A_546] : memref<819200x64xf32, #tpu.memory_space<hbm>> -> memref<128x64xf32, #tpu.memory_space<hbm>>
        %dma_wait3A_548 = arith.constant 0 : i32
        %dma_wait3A_549 = arith.constant 0 : i32
        %dma_wait3A_550 = tpu.memref_slice %arg6[%dma_wait3A_539, %dma_wait3A_548, %dma_wait3A_549] : memref<8x128x64xf32, #tpu.memory_space<vmem>> -> memref<1x128x64xf32, #tpu.memory_space<vmem>>
        %dma_wait3A_551 = tpu.memref_squeeze %dma_wait3A_550 : memref<1x128x64xf32, #tpu.memory_space<vmem>> -> memref<128x64xf32, #tpu.memory_space<vmem>>
        tpu.wait_dma2 semaphore(%arg17 : memref<!tpu.dma_semaphore, #tpu.memory_space<semaphore_mem>>) src(%dma_wait3A_551 : memref<128x64xf32, #tpu.memory_space<vmem>>) dst(%dma_wait3A_547 : memref<128x64xf32, #tpu.memory_space<hbm>>)
        %mul3A_552 = arith.constant 128 : i32
        %mul3A_553 = arith.muli %add3A_332, %mul3A_552 : i32
        %multiple_of3A_554 = tpu.assume_multiple %mul3A_553, 128 : i32
        %dma_start3A_555 = arith.constant 2 : i32
        %dma_start3A_556 = arith.constant 0 : i32
        %dma_start3A_557 = arith.constant 0 : i32
        %dma_start3A_558 = tpu.memref_slice %arg6[%dma_start3A_555, %dma_start3A_556, %dma_start3A_557] : memref<8x128x64xf32, #tpu.memory_space<vmem>> -> memref<1x128x64xf32, #tpu.memory_space<vmem>>
        %dma_start3A_559 = tpu.memref_squeeze %dma_start3A_558 : memref<1x128x64xf32, #tpu.memory_space<vmem>> -> memref<128x64xf32, #tpu.memory_space<vmem>>
        %dma_start3A_560 = tpu.memref_slice %arg5[%multiple_of3A_554] : memref<25600xi32, #tpu.memory_space<vmem>> -> memref<128xi32, #tpu.memory_space<vmem>>
        %dma_start3A_561 = arith.constant 0 : i32
        %dma_start3A_562 = arith.constant 0 : i32
        %dma_start3A_563 = tpu.memref_slice %arg2[%dma_start3A_561, %dma_start3A_562] : memref<1000000x64xf32, #tpu.memory_space<hbm>> -> memref<1000000x64xf32, #tpu.memory_space<hbm>>
        tpu.enqueue_indirect_dma source(%dma_start3A_563 : memref<1000000x64xf32, #tpu.memory_space<hbm>>) target(%dma_start3A_559 : memref<128x64xf32, #tpu.memory_space<vmem>>) offsets(%dma_start3A_560 : memref<128xi32, #tpu.memory_space<vmem>>) semaphore(%arg9 : memref<!tpu.dma_semaphore, #tpu.memory_space<semaphore_mem>>)
      } else {
      }
      %mul3A_338 = arith.constant 8 : i32
      %mul3A_339 = arith.muli %scan3A_221, %mul3A_338 : i32
      %add3A_340 = arith.constant 3 : i32
      %add3A_341 = arith.addi %mul3A_339, %add3A_340 : i32
      %mul3A_342 = arith.constant 128 : i32
      %mul3A_343 = arith.muli %add3A_341, %mul3A_342 : i32
      %multiple_of3A_344 = tpu.assume_multiple %mul3A_343, 128 : i32
      %dma_wait3A_345 = arith.constant 3 : i32
      %dma_wait3A_346 = arith.constant 0 : i32
      %dma_wait3A_347 = arith.constant 0 : i32
      %dma_wait3A_348 = tpu.memref_slice %arg6[%dma_wait3A_345, %dma_wait3A_346, %dma_wait3A_347] : memref<8x128x64xf32, #tpu.memory_space<vmem>> -> memref<1x128x64xf32, #tpu.memory_space<vmem>>
      %dma_wait3A_349 = tpu.memref_squeeze %dma_wait3A_348 : memref<1x128x64xf32, #tpu.memory_space<vmem>> -> memref<128x64xf32, #tpu.memory_space<vmem>>
      %dma_wait3A_350 = tpu.memref_slice %arg5[%multiple_of3A_344] : memref<25600xi32, #tpu.memory_space<vmem>> -> memref<128xi32, #tpu.memory_space<vmem>>
      %dma_wait3A_351 = arith.constant 0 : i32
      %dma_wait3A_352 = arith.constant 0 : i32
      %dma_wait3A_353 = tpu.memref_slice %arg2[%dma_wait3A_351, %dma_wait3A_352] : memref<1000000x64xf32, #tpu.memory_space<hbm>> -> memref<1000000x64xf32, #tpu.memory_space<hbm>>
      tpu.wait_indirect_dma semaphore(%arg10 : memref<!tpu.dma_semaphore, #tpu.memory_space<semaphore_mem>>) src(%dma_wait3A_353 : memref<1000000x64xf32, #tpu.memory_space<hbm>>) dst(%dma_wait3A_349 : memref<128x64xf32, #tpu.memory_space<vmem>>)
      %parallel_loop3A_354 = arith.constant 0 : i32
      %parallel_loop3A_355 = arith.constant 128 : i32
      %parallel_loop3A_356 = arith.constant 1 : i32
      scf.for %parallel_loop3A_538 = %parallel_loop3A_354 to %parallel_loop3A_355 step %parallel_loop3A_356  : i32 {
        %parallel_loop3A_539 = arith.constant 3 : i32
        %parallel_loop3A_540 = arith.index_cast %parallel_loop3A_539 : i32 to index
        %parallel_loop3A_541 = arith.index_cast %parallel_loop3A_538 : i32 to index
        %parallel_loop3A_542 = arith.constant 0 : index
        %parallel_loop3A_543 = tpu.vector_load %arg6[%parallel_loop3A_540, %parallel_loop3A_541, %parallel_loop3A_542] {strides = array<i32>} : memref<8x128x64xf32, #tpu.memory_space<vmem>>, vector<1x1x16xf32>,
        %parallel_loop3A_544 = vector.shape_cast %parallel_loop3A_543 : vector<1x1x16xf32> to vector<16xf32>
        %parallel_loop3A_545 = arith.constant 8.000000e+00 : f32
        %parallel_loop3A_546 = vector.broadcast %parallel_loop3A_545 : f32 to vector<16xf32>
        %parallel_loop3A_547 = arith.mulf %parallel_loop3A_544, %parallel_loop3A_546 : vector<16xf32>
        %parallel_loop3A_548 = arith.constant 3 : i32
        %parallel_loop3A_549 = arith.index_cast %parallel_loop3A_548 : i32 to index
        %parallel_loop3A_550 = arith.index_cast %parallel_loop3A_538 : i32 to index
        %parallel_loop3A_551 = arith.constant 0 : index
        %parallel_loop3A_552 = tpu.vector_load %arg6[%parallel_loop3A_549, %parallel_loop3A_550, %parallel_loop3A_551] {strides = array<i32>} : memref<8x128x64xf32, #tpu.memory_space<vmem>>, vector<1x1x16xf32>,
        %parallel_loop3A_553 = vector.shape_cast %parallel_loop3A_552 : vector<1x1x16xf32> to vector<16xf32>
        %parallel_loop3A_554 = vector.shape_cast %parallel_loop3A_547 : vector<16xf32> to vector<1x1x16xf32>
        tpu.vector_store %arg6[%parallel_loop3A_549, %parallel_loop3A_550, %parallel_loop3A_551], %parallel_loop3A_554 {strides = array<i32>} : memref<8x128x64xf32, #tpu.memory_space<vmem>>, vector<1x1x16xf32>,
        %parallel_loop3A_555 = arith.constant 3 : i32
        %parallel_loop3A_556 = arith.index_cast %parallel_loop3A_555 : i32 to index
        %parallel_loop3A_557 = arith.index_cast %parallel_loop3A_538 : i32 to index
        %parallel_loop3A_558 = arith.constant 16 : index
        %parallel_loop3A_559 = tpu.vector_load %arg6[%parallel_loop3A_556, %parallel_loop3A_557, %parallel_loop3A_558] {strides = array<i32>} : memref<8x128x64xf32, #tpu.memory_space<vmem>>, vector<1x1x16xf32>,
        %parallel_loop3A_560 = vector.shape_cast %parallel_loop3A_559 : vector<1x1x16xf32> to vector<16xf32>
        %parallel_loop3A_561 = arith.constant 8.000000e+00 : f32
        %parallel_loop3A_562 = vector.broadcast %parallel_loop3A_561 : f32 to vector<16xf32>
        %parallel_loop3A_563 = arith.mulf %parallel_loop3A_560, %parallel_loop3A_562 : vector<16xf32>
        %parallel_loop3A_564 = arith.constant 3 : i32
        %parallel_loop3A_565 = arith.index_cast %parallel_loop3A_564 : i32 to index
        %parallel_loop3A_566 = arith.index_cast %parallel_loop3A_538 : i32 to index
        %parallel_loop3A_567 = arith.constant 16 : index
        %parallel_loop3A_568 = tpu.vector_load %arg6[%parallel_loop3A_565, %parallel_loop3A_566, %parallel_loop3A_567] {strides = array<i32>} : memref<8x128x64xf32, #tpu.memory_space<vmem>>, vector<1x1x16xf32>,
        %parallel_loop3A_569 = vector.shape_cast %parallel_loop3A_568 : vector<1x1x16xf32> to vector<16xf32>
        %parallel_loop3A_570 = vector.shape_cast %parallel_loop3A_563 : vector<16xf32> to vector<1x1x16xf32>
        tpu.vector_store %arg6[%parallel_loop3A_565, %parallel_loop3A_566, %parallel_loop3A_567], %parallel_loop3A_570 {strides = array<i32>} : memref<8x128x64xf32, #tpu.memory_space<vmem>>, vector<1x1x16xf32>,
        %parallel_loop3A_571 = arith.constant 3 : i32
        %parallel_loop3A_572 = arith.index_cast %parallel_loop3A_571 : i32 to index
        %parallel_loop3A_573 = arith.index_cast %parallel_loop3A_538 : i32 to index
        %parallel_loop3A_574 = arith.constant 32 : index
        %parallel_loop3A_575 = tpu.vector_load %arg6[%parallel_loop3A_572, %parallel_loop3A_573, %parallel_loop3A_574] {strides = array<i32>} : memref<8x128x64xf32, #tpu.memory_space<vmem>>, vector<1x1x16xf32>,
        %parallel_loop3A_576 = vector.shape_cast %parallel_loop3A_575 : vector<1x1x16xf32> to vector<16xf32>
        %parallel_loop3A_577 = arith.constant 8.000000e+00 : f32
        %parallel_loop3A_578 = vector.broadcast %parallel_loop3A_577 : f32 to vector<16xf32>
        %parallel_loop3A_579 = arith.mulf %parallel_loop3A_576, %parallel_loop3A_578 : vector<16xf32>
        %parallel_loop3A_580 = arith.constant 3 : i32
        %parallel_loop3A_581 = arith.index_cast %parallel_loop3A_580 : i32 to index
        %parallel_loop3A_582 = arith.index_cast %parallel_loop3A_538 : i32 to index
        %parallel_loop3A_583 = arith.constant 32 : index
        %parallel_loop3A_584 = tpu.vector_load %arg6[%parallel_loop3A_581, %parallel_loop3A_582, %parallel_loop3A_583] {strides = array<i32>} : memref<8x128x64xf32, #tpu.memory_space<vmem>>, vector<1x1x16xf32>,
        %parallel_loop3A_585 = vector.shape_cast %parallel_loop3A_584 : vector<1x1x16xf32> to vector<16xf32>
        %parallel_loop3A_586 = vector.shape_cast %parallel_loop3A_579 : vector<16xf32> to vector<1x1x16xf32>
        tpu.vector_store %arg6[%parallel_loop3A_581, %parallel_loop3A_582, %parallel_loop3A_583], %parallel_loop3A_586 {strides = array<i32>} : memref<8x128x64xf32, #tpu.memory_space<vmem>>, vector<1x1x16xf32>,
        %parallel_loop3A_587 = arith.constant 3 : i32
        %parallel_loop3A_588 = arith.index_cast %parallel_loop3A_587 : i32 to index
        %parallel_loop3A_589 = arith.index_cast %parallel_loop3A_538 : i32 to index
        %parallel_loop3A_590 = arith.constant 48 : index
        %parallel_loop3A_591 = tpu.vector_load %arg6[%parallel_loop3A_588, %parallel_loop3A_589, %parallel_loop3A_590] {strides = array<i32>} : memref<8x128x64xf32, #tpu.memory_space<vmem>>, vector<1x1x16xf32>,
        %parallel_loop3A_592 = vector.shape_cast %parallel_loop3A_591 : vector<1x1x16xf32> to vector<16xf32>
        %parallel_loop3A_593 = arith.constant 8.000000e+00 : f32
        %parallel_loop3A_594 = vector.broadcast %parallel_loop3A_593 : f32 to vector<16xf32>
        %parallel_loop3A_595 = arith.mulf %parallel_loop3A_592, %parallel_loop3A_594 : vector<16xf32>
        %parallel_loop3A_596 = arith.constant 3 : i32
        %parallel_loop3A_597 = arith.index_cast %parallel_loop3A_596 : i32 to index
        %parallel_loop3A_598 = arith.index_cast %parallel_loop3A_538 : i32 to index
        %parallel_loop3A_599 = arith.constant 48 : index
        %parallel_loop3A_600 = tpu.vector_load %arg6[%parallel_loop3A_597, %parallel_loop3A_598, %parallel_loop3A_599] {strides = array<i32>} : memref<8x128x64xf32, #tpu.memory_space<vmem>>, vector<1x1x16xf32>,
        %parallel_loop3A_601 = vector.shape_cast %parallel_loop3A_600 : vector<1x1x16xf32> to vector<16xf32>
        %parallel_loop3A_602 = vector.shape_cast %parallel_loop3A_595 : vector<16xf32> to vector<1x1x16xf32>
        tpu.vector_store %arg6[%parallel_loop3A_597, %parallel_loop3A_598, %parallel_loop3A_599], %parallel_loop3A_602 {strides = array<i32>} : memref<8x128x64xf32, #tpu.memory_space<vmem>>, vector<1x1x16xf32>,
      } {sc.loop_unroll_factor = 4 : i64, sc.parallel_access}
      %add3A_357 = arith.addi %mul3A_2, %multiple_of3A_344 : i32
      %dma_start3A_358 = arith.constant 3 : i32
      %dma_start3A_359 = arith.constant 0 : i32
      %dma_start3A_360 = arith.constant 0 : i32
      %dma_start3A_361 = tpu.memref_slice %arg6[%dma_start3A_358, %dma_start3A_359, %dma_start3A_360] : memref<8x128x64xf32, #tpu.memory_space<vmem>> -> memref<1x128x64xf32, #tpu.memory_space<vmem>>
      %dma_start3A_362 = tpu.memref_squeeze %dma_start3A_361 : memref<1x128x64xf32, #tpu.memory_space<vmem>> -> memref<128x64xf32, #tpu.memory_space<vmem>>
      %dma_start3A_363 = arith.constant 0 : i32
      %dma_start3A_364 = tpu.memref_slice %arg4[%add3A_357, %dma_start3A_363] : memref<819200x64xf32, #tpu.memory_space<hbm>> -> memref<128x64xf32, #tpu.memory_space<hbm>>
      %dma_start3A_365 = arith.constant 0 : i32
      %dma_start3A_366 = tpu.memref_slice %arg4[%add3A_357, %dma_start3A_365] : memref<819200x64xf32, #tpu.memory_space<hbm>> -> memref<128x64xf32, #tpu.memory_space<hbm>>
      %dma_start3A_367 = arith.constant 0 : i32
      %dma_start3A_368 = arith.constant 0 : i32
      %dma_start3A_369 = tpu.memref_slice %arg6[%dma_start3A_358, %dma_start3A_367, %dma_start3A_368] : memref<8x128x64xf32, #tpu.memory_space<vmem>> -> memref<1x128x64xf32, #tpu.memory_space<vmem>>
      %dma_start3A_370 = tpu.memref_squeeze %dma_start3A_369 : memref<1x128x64xf32, #tpu.memory_space<vmem>> -> memref<128x64xf32, #tpu.memory_space<vmem>>
      tpu.enqueue_dma source(%dma_start3A_370 : memref<128x64xf32, #tpu.memory_space<vmem>>) target(%dma_start3A_366 : memref<128x64xf32, #tpu.memory_space<hbm>>) target_semaphore(%arg18 : memref<!tpu.dma_semaphore, #tpu.memory_space<semaphore_mem>>)
      %add3A_371 = arith.constant 8 : i32
      %add3A_372 = arith.addi %add3A_341, %add3A_371 : i32
      %lt3A_373 = arith.constant 200 : i32
      %lt3A_374 = arith.cmpi slt, %add3A_372, %lt3A_373 : i32
      %convert_element_type3A_375 = arith.extui %lt3A_374 : i1 to i32
      %cond3A_376 = arith.constant 0 : i32
      %cond3A_377 = arith.cmpi ne, %convert_element_type3A_375, %cond3A_376 : i32
      scf.if %cond3A_377 {
        %add3A_538 = arith.addi %mul3A_2, %multiple_of3A_344 : i32
        %dma_wait3A_539 = arith.constant 3 : i32
        %dma_wait3A_540 = arith.constant 0 : i32
        %dma_wait3A_541 = arith.constant 0 : i32
        %dma_wait3A_542 = tpu.memref_slice %arg6[%dma_wait3A_539, %dma_wait3A_540, %dma_wait3A_541] : memref<8x128x64xf32, #tpu.memory_space<vmem>> -> memref<1x128x64xf32, #tpu.memory_space<vmem>>
        %dma_wait3A_543 = tpu.memref_squeeze %dma_wait3A_542 : memref<1x128x64xf32, #tpu.memory_space<vmem>> -> memref<128x64xf32, #tpu.memory_space<vmem>>
        %dma_wait3A_544 = arith.constant 0 : i32
        %dma_wait3A_545 = tpu.memref_slice %arg4[%add3A_538, %dma_wait3A_544] : memref<819200x64xf32, #tpu.memory_space<hbm>> -> memref<128x64xf32, #tpu.memory_space<hbm>>
        %dma_wait3A_546 = arith.constant 0 : i32
        %dma_wait3A_547 = tpu.memref_slice %arg4[%add3A_538, %dma_wait3A_546] : memref<819200x64xf32, #tpu.memory_space<hbm>> -> memref<128x64xf32, #tpu.memory_space<hbm>>
        %dma_wait3A_548 = arith.constant 0 : i32
        %dma_wait3A_549 = arith.constant 0 : i32
        %dma_wait3A_550 = tpu.memref_slice %arg6[%dma_wait3A_539, %dma_wait3A_548, %dma_wait3A_549] : memref<8x128x64xf32, #tpu.memory_space<vmem>> -> memref<1x128x64xf32, #tpu.memory_space<vmem>>
        %dma_wait3A_551 = tpu.memref_squeeze %dma_wait3A_550 : memref<1x128x64xf32, #tpu.memory_space<vmem>> -> memref<128x64xf32, #tpu.memory_space<vmem>>
        tpu.wait_dma2 semaphore(%arg18 : memref<!tpu.dma_semaphore, #tpu.memory_space<semaphore_mem>>) src(%dma_wait3A_551 : memref<128x64xf32, #tpu.memory_space<vmem>>) dst(%dma_wait3A_547 : memref<128x64xf32, #tpu.memory_space<hbm>>)
        %mul3A_552 = arith.constant 128 : i32
        %mul3A_553 = arith.muli %add3A_372, %mul3A_552 : i32
        %multiple_of3A_554 = tpu.assume_multiple %mul3A_553, 128 : i32
        %dma_start3A_555 = arith.constant 3 : i32
        %dma_start3A_556 = arith.constant 0 : i32
        %dma_start3A_557 = arith.constant 0 : i32
        %dma_start3A_558 = tpu.memref_slice %arg6[%dma_start3A_555, %dma_start3A_556, %dma_start3A_557] : memref<8x128x64xf32, #tpu.memory_space<vmem>> -> memref<1x128x64xf32, #tpu.memory_space<vmem>>
        %dma_start3A_559 = tpu.memref_squeeze %dma_start3A_558 : memref<1x128x64xf32, #tpu.memory_space<vmem>> -> memref<128x64xf32, #tpu.memory_space<vmem>>
        %dma_start3A_560 = tpu.memref_slice %arg5[%multiple_of3A_554] : memref<25600xi32, #tpu.memory_space<vmem>> -> memref<128xi32, #tpu.memory_space<vmem>>
        %dma_start3A_561 = arith.constant 0 : i32
        %dma_start3A_562 = arith.constant 0 : i32
        %dma_start3A_563 = tpu.memref_slice %arg2[%dma_start3A_561, %dma_start3A_562] : memref<1000000x64xf32, #tpu.memory_space<hbm>> -> memref<1000000x64xf32, #tpu.memory_space<hbm>>
        tpu.enqueue_indirect_dma source(%dma_start3A_563 : memref<1000000x64xf32, #tpu.memory_space<hbm>>) target(%dma_start3A_559 : memref<128x64xf32, #tpu.memory_space<vmem>>) offsets(%dma_start3A_560 : memref<128xi32, #tpu.memory_space<vmem>>) semaphore(%arg10 : memref<!tpu.dma_semaphore, #tpu.memory_space<semaphore_mem>>)
      } else {
      }
      %mul3A_378 = arith.constant 8 : i32
      %mul3A_379 = arith.muli %scan3A_221, %mul3A_378 : i32
      %add3A_380 = arith.constant 4 : i32
      %add3A_381 = arith.addi %mul3A_379, %add3A_380 : i32
      %mul3A_382 = arith.constant 128 : i32
      %mul3A_383 = arith.muli %add3A_381, %mul3A_382 : i32
      %multiple_of3A_384 = tpu.assume_multiple %mul3A_383, 128 : i32
      %dma_wait3A_385 = arith.constant 4 : i32
      %dma_wait3A_386 = arith.constant 0 : i32
      %dma_wait3A_387 = arith.constant 0 : i32
      %dma_wait3A_388 = tpu.memref_slice %arg6[%dma_wait3A_385, %dma_wait3A_386, %dma_wait3A_387] : memref<8x128x64xf32, #tpu.memory_space<vmem>> -> memref<1x128x64xf32, #tpu.memory_space<vmem>>
      %dma_wait3A_389 = tpu.memref_squeeze %dma_wait3A_388 : memref<1x128x64xf32, #tpu.memory_space<vmem>> -> memref<128x64xf32, #tpu.memory_space<vmem>>
      %dma_wait3A_390 = tpu.memref_slice %arg5[%multiple_of3A_384] : memref<25600xi32, #tpu.memory_space<vmem>> -> memref<128xi32, #tpu.memory_space<vmem>>
      %dma_wait3A_391 = arith.constant 0 : i32
      %dma_wait3A_392 = arith.constant 0 : i32
      %dma_wait3A_393 = tpu.memref_slice %arg2[%dma_wait3A_391, %dma_wait3A_392] : memref<1000000x64xf32, #tpu.memory_space<hbm>> -> memref<1000000x64xf32, #tpu.memory_space<hbm>>
      tpu.wait_indirect_dma semaphore(%arg11 : memref<!tpu.dma_semaphore, #tpu.memory_space<semaphore_mem>>) src(%dma_wait3A_393 : memref<1000000x64xf32, #tpu.memory_space<hbm>>) dst(%dma_wait3A_389 : memref<128x64xf32, #tpu.memory_space<vmem>>)
      %parallel_loop3A_394 = arith.constant 0 : i32
      %parallel_loop3A_395 = arith.constant 128 : i32
      %parallel_loop3A_396 = arith.constant 1 : i32
      scf.for %parallel_loop3A_538 = %parallel_loop3A_394 to %parallel_loop3A_395 step %parallel_loop3A_396  : i32 {
        %parallel_loop3A_539 = arith.constant 4 : i32
        %parallel_loop3A_540 = arith.index_cast %parallel_loop3A_539 : i32 to index
        %parallel_loop3A_541 = arith.index_cast %parallel_loop3A_538 : i32 to index
        %parallel_loop3A_542 = arith.constant 0 : index
        %parallel_loop3A_543 = tpu.vector_load %arg6[%parallel_loop3A_540, %parallel_loop3A_541, %parallel_loop3A_542] {strides = array<i32>} : memref<8x128x64xf32, #tpu.memory_space<vmem>>, vector<1x1x16xf32>,
        %parallel_loop3A_544 = vector.shape_cast %parallel_loop3A_543 : vector<1x1x16xf32> to vector<16xf32>
        %parallel_loop3A_545 = arith.constant 8.000000e+00 : f32
        %parallel_loop3A_546 = vector.broadcast %parallel_loop3A_545 : f32 to vector<16xf32>
        %parallel_loop3A_547 = arith.mulf %parallel_loop3A_544, %parallel_loop3A_546 : vector<16xf32>
        %parallel_loop3A_548 = arith.constant 4 : i32
        %parallel_loop3A_549 = arith.index_cast %parallel_loop3A_548 : i32 to index
        %parallel_loop3A_550 = arith.index_cast %parallel_loop3A_538 : i32 to index
        %parallel_loop3A_551 = arith.constant 0 : index
        %parallel_loop3A_552 = tpu.vector_load %arg6[%parallel_loop3A_549, %parallel_loop3A_550, %parallel_loop3A_551] {strides = array<i32>} : memref<8x128x64xf32, #tpu.memory_space<vmem>>, vector<1x1x16xf32>,
        %parallel_loop3A_553 = vector.shape_cast %parallel_loop3A_552 : vector<1x1x16xf32> to vector<16xf32>
        %parallel_loop3A_554 = vector.shape_cast %parallel_loop3A_547 : vector<16xf32> to vector<1x1x16xf32>
        tpu.vector_store %arg6[%parallel_loop3A_549, %parallel_loop3A_550, %parallel_loop3A_551], %parallel_loop3A_554 {strides = array<i32>} : memref<8x128x64xf32, #tpu.memory_space<vmem>>, vector<1x1x16xf32>,
        %parallel_loop3A_555 = arith.constant 4 : i32
        %parallel_loop3A_556 = arith.index_cast %parallel_loop3A_555 : i32 to index
        %parallel_loop3A_557 = arith.index_cast %parallel_loop3A_538 : i32 to index
        %parallel_loop3A_558 = arith.constant 16 : index
        %parallel_loop3A_559 = tpu.vector_load %arg6[%parallel_loop3A_556, %parallel_loop3A_557, %parallel_loop3A_558] {strides = array<i32>} : memref<8x128x64xf32, #tpu.memory_space<vmem>>, vector<1x1x16xf32>,
        %parallel_loop3A_560 = vector.shape_cast %parallel_loop3A_559 : vector<1x1x16xf32> to vector<16xf32>
        %parallel_loop3A_561 = arith.constant 8.000000e+00 : f32
        %parallel_loop3A_562 = vector.broadcast %parallel_loop3A_561 : f32 to vector<16xf32>
        %parallel_loop3A_563 = arith.mulf %parallel_loop3A_560, %parallel_loop3A_562 : vector<16xf32>
        %parallel_loop3A_564 = arith.constant 4 : i32
        %parallel_loop3A_565 = arith.index_cast %parallel_loop3A_564 : i32 to index
        %parallel_loop3A_566 = arith.index_cast %parallel_loop3A_538 : i32 to index
        %parallel_loop3A_567 = arith.constant 16 : index
        %parallel_loop3A_568 = tpu.vector_load %arg6[%parallel_loop3A_565, %parallel_loop3A_566, %parallel_loop3A_567] {strides = array<i32>} : memref<8x128x64xf32, #tpu.memory_space<vmem>>, vector<1x1x16xf32>,
        %parallel_loop3A_569 = vector.shape_cast %parallel_loop3A_568 : vector<1x1x16xf32> to vector<16xf32>
        %parallel_loop3A_570 = vector.shape_cast %parallel_loop3A_563 : vector<16xf32> to vector<1x1x16xf32>
        tpu.vector_store %arg6[%parallel_loop3A_565, %parallel_loop3A_566, %parallel_loop3A_567], %parallel_loop3A_570 {strides = array<i32>} : memref<8x128x64xf32, #tpu.memory_space<vmem>>, vector<1x1x16xf32>,
        %parallel_loop3A_571 = arith.constant 4 : i32
        %parallel_loop3A_572 = arith.index_cast %parallel_loop3A_571 : i32 to index
        %parallel_loop3A_573 = arith.index_cast %parallel_loop3A_538 : i32 to index
        %parallel_loop3A_574 = arith.constant 32 : index
        %parallel_loop3A_575 = tpu.vector_load %arg6[%parallel_loop3A_572, %parallel_loop3A_573, %parallel_loop3A_574] {strides = array<i32>} : memref<8x128x64xf32, #tpu.memory_space<vmem>>, vector<1x1x16xf32>,
        %parallel_loop3A_576 = vector.shape_cast %parallel_loop3A_575 : vector<1x1x16xf32> to vector<16xf32>
        %parallel_loop3A_577 = arith.constant 8.000000e+00 : f32
        %parallel_loop3A_578 = vector.broadcast %parallel_loop3A_577 : f32 to vector<16xf32>
        %parallel_loop3A_579 = arith.mulf %parallel_loop3A_576, %parallel_loop3A_578 : vector<16xf32>
        %parallel_loop3A_580 = arith.constant 4 : i32
        %parallel_loop3A_581 = arith.index_cast %parallel_loop3A_580 : i32 to index
        %parallel_loop3A_582 = arith.index_cast %parallel_loop3A_538 : i32 to index
        %parallel_loop3A_583 = arith.constant 32 : index
        %parallel_loop3A_584 = tpu.vector_load %arg6[%parallel_loop3A_581, %parallel_loop3A_582, %parallel_loop3A_583] {strides = array<i32>} : memref<8x128x64xf32, #tpu.memory_space<vmem>>, vector<1x1x16xf32>,
        %parallel_loop3A_585 = vector.shape_cast %parallel_loop3A_584 : vector<1x1x16xf32> to vector<16xf32>
        %parallel_loop3A_586 = vector.shape_cast %parallel_loop3A_579 : vector<16xf32> to vector<1x1x16xf32>
        tpu.vector_store %arg6[%parallel_loop3A_581, %parallel_loop3A_582, %parallel_loop3A_583], %parallel_loop3A_586 {strides = array<i32>} : memref<8x128x64xf32, #tpu.memory_space<vmem>>, vector<1x1x16xf32>,
        %parallel_loop3A_587 = arith.constant 4 : i32
        %parallel_loop3A_588 = arith.index_cast %parallel_loop3A_587 : i32 to index
        %parallel_loop3A_589 = arith.index_cast %parallel_loop3A_538 : i32 to index
        %parallel_loop3A_590 = arith.constant 48 : index
        %parallel_loop3A_591 = tpu.vector_load %arg6[%parallel_loop3A_588, %parallel_loop3A_589, %parallel_loop3A_590] {strides = array<i32>} : memref<8x128x64xf32, #tpu.memory_space<vmem>>, vector<1x1x16xf32>,
        %parallel_loop3A_592 = vector.shape_cast %parallel_loop3A_591 : vector<1x1x16xf32> to vector<16xf32>
        %parallel_loop3A_593 = arith.constant 8.000000e+00 : f32
        %parallel_loop3A_594 = vector.broadcast %parallel_loop3A_593 : f32 to vector<16xf32>
        %parallel_loop3A_595 = arith.mulf %parallel_loop3A_592, %parallel_loop3A_594 : vector<16xf32>
        %parallel_loop3A_596 = arith.constant 4 : i32
        %parallel_loop3A_597 = arith.index_cast %parallel_loop3A_596 : i32 to index
        %parallel_loop3A_598 = arith.index_cast %parallel_loop3A_538 : i32 to index
        %parallel_loop3A_599 = arith.constant 48 : index
        %parallel_loop3A_600 = tpu.vector_load %arg6[%parallel_loop3A_597, %parallel_loop3A_598, %parallel_loop3A_599] {strides = array<i32>} : memref<8x128x64xf32, #tpu.memory_space<vmem>>, vector<1x1x16xf32>,
        %parallel_loop3A_601 = vector.shape_cast %parallel_loop3A_600 : vector<1x1x16xf32> to vector<16xf32>
        %parallel_loop3A_602 = vector.shape_cast %parallel_loop3A_595 : vector<16xf32> to vector<1x1x16xf32>
        tpu.vector_store %arg6[%parallel_loop3A_597, %parallel_loop3A_598, %parallel_loop3A_599], %parallel_loop3A_602 {strides = array<i32>} : memref<8x128x64xf32, #tpu.memory_space<vmem>>, vector<1x1x16xf32>,
      } {sc.loop_unroll_factor = 4 : i64, sc.parallel_access}
      %add3A_397 = arith.addi %mul3A_2, %multiple_of3A_384 : i32
      %dma_start3A_398 = arith.constant 4 : i32
      %dma_start3A_399 = arith.constant 0 : i32
      %dma_start3A_400 = arith.constant 0 : i32
      %dma_start3A_401 = tpu.memref_slice %arg6[%dma_start3A_398, %dma_start3A_399, %dma_start3A_400] : memref<8x128x64xf32, #tpu.memory_space<vmem>> -> memref<1x128x64xf32, #tpu.memory_space<vmem>>
      %dma_start3A_402 = tpu.memref_squeeze %dma_start3A_401 : memref<1x128x64xf32, #tpu.memory_space<vmem>> -> memref<128x64xf32, #tpu.memory_space<vmem>>
      %dma_start3A_403 = arith.constant 0 : i32
      %dma_start3A_404 = tpu.memref_slice %arg4[%add3A_397, %dma_start3A_403] : memref<819200x64xf32, #tpu.memory_space<hbm>> -> memref<128x64xf32, #tpu.memory_space<hbm>>
      %dma_start3A_405 = arith.constant 0 : i32
      %dma_start3A_406 = tpu.memref_slice %arg4[%add3A_397, %dma_start3A_405] : memref<819200x64xf32, #tpu.memory_space<hbm>> -> memref<128x64xf32, #tpu.memory_space<hbm>>
      %dma_start3A_407 = arith.constant 0 : i32
      %dma_start3A_408 = arith.constant 0 : i32
      %dma_start3A_409 = tpu.memref_slice %arg6[%dma_start3A_398, %dma_start3A_407, %dma_start3A_408] : memref<8x128x64xf32, #tpu.memory_space<vmem>> -> memref<1x128x64xf32, #tpu.memory_space<vmem>>
      %dma_start3A_410 = tpu.memref_squeeze %dma_start3A_409 : memref<1x128x64xf32, #tpu.memory_space<vmem>> -> memref<128x64xf32, #tpu.memory_space<vmem>>
      tpu.enqueue_dma source(%dma_start3A_410 : memref<128x64xf32, #tpu.memory_space<vmem>>) target(%dma_start3A_406 : memref<128x64xf32, #tpu.memory_space<hbm>>) target_semaphore(%arg19 : memref<!tpu.dma_semaphore, #tpu.memory_space<semaphore_mem>>)
      %add3A_411 = arith.constant 8 : i32
      %add3A_412 = arith.addi %add3A_381, %add3A_411 : i32
      %lt3A_413 = arith.constant 200 : i32
      %lt3A_414 = arith.cmpi slt, %add3A_412, %lt3A_413 : i32
      %convert_element_type3A_415 = arith.extui %lt3A_414 : i1 to i32
      %cond3A_416 = arith.constant 0 : i32
      %cond3A_417 = arith.cmpi ne, %convert_element_type3A_415, %cond3A_416 : i32
      scf.if %cond3A_417 {
        %add3A_538 = arith.addi %mul3A_2, %multiple_of3A_384 : i32
        %dma_wait3A_539 = arith.constant 4 : i32
        %dma_wait3A_540 = arith.constant 0 : i32
        %dma_wait3A_541 = arith.constant 0 : i32
        %dma_wait3A_542 = tpu.memref_slice %arg6[%dma_wait3A_539, %dma_wait3A_540, %dma_wait3A_541] : memref<8x128x64xf32, #tpu.memory_space<vmem>> -> memref<1x128x64xf32, #tpu.memory_space<vmem>>
        %dma_wait3A_543 = tpu.memref_squeeze %dma_wait3A_542 : memref<1x128x64xf32, #tpu.memory_space<vmem>> -> memref<128x64xf32, #tpu.memory_space<vmem>>
        %dma_wait3A_544 = arith.constant 0 : i32
        %dma_wait3A_545 = tpu.memref_slice %arg4[%add3A_538, %dma_wait3A_544] : memref<819200x64xf32, #tpu.memory_space<hbm>> -> memref<128x64xf32, #tpu.memory_space<hbm>>
        %dma_wait3A_546 = arith.constant 0 : i32
        %dma_wait3A_547 = tpu.memref_slice %arg4[%add3A_538, %dma_wait3A_546] : memref<819200x64xf32, #tpu.memory_space<hbm>> -> memref<128x64xf32, #tpu.memory_space<hbm>>
        %dma_wait3A_548 = arith.constant 0 : i32
        %dma_wait3A_549 = arith.constant 0 : i32
        %dma_wait3A_550 = tpu.memref_slice %arg6[%dma_wait3A_539, %dma_wait3A_548, %dma_wait3A_549] : memref<8x128x64xf32, #tpu.memory_space<vmem>> -> memref<1x128x64xf32, #tpu.memory_space<vmem>>
        %dma_wait3A_551 = tpu.memref_squeeze %dma_wait3A_550 : memref<1x128x64xf32, #tpu.memory_space<vmem>> -> memref<128x64xf32, #tpu.memory_space<vmem>>
        tpu.wait_dma2 semaphore(%arg19 : memref<!tpu.dma_semaphore, #tpu.memory_space<semaphore_mem>>) src(%dma_wait3A_551 : memref<128x64xf32, #tpu.memory_space<vmem>>) dst(%dma_wait3A_547 : memref<128x64xf32, #tpu.memory_space<hbm>>)
        %mul3A_552 = arith.constant 128 : i32
        %mul3A_553 = arith.muli %add3A_412, %mul3A_552 : i32
        %multiple_of3A_554 = tpu.assume_multiple %mul3A_553, 128 : i32
        %dma_start3A_555 = arith.constant 4 : i32
        %dma_start3A_556 = arith.constant 0 : i32
        %dma_start3A_557 = arith.constant 0 : i32
        %dma_start3A_558 = tpu.memref_slice %arg6[%dma_start3A_555, %dma_start3A_556, %dma_start3A_557] : memref<8x128x64xf32, #tpu.memory_space<vmem>> -> memref<1x128x64xf32, #tpu.memory_space<vmem>>
        %dma_start3A_559 = tpu.memref_squeeze %dma_start3A_558 : memref<1x128x64xf32, #tpu.memory_space<vmem>> -> memref<128x64xf32, #tpu.memory_space<vmem>>
        %dma_start3A_560 = tpu.memref_slice %arg5[%multiple_of3A_554] : memref<25600xi32, #tpu.memory_space<vmem>> -> memref<128xi32, #tpu.memory_space<vmem>>
        %dma_start3A_561 = arith.constant 0 : i32
        %dma_start3A_562 = arith.constant 0 : i32
        %dma_start3A_563 = tpu.memref_slice %arg2[%dma_start3A_561, %dma_start3A_562] : memref<1000000x64xf32, #tpu.memory_space<hbm>> -> memref<1000000x64xf32, #tpu.memory_space<hbm>>
        tpu.enqueue_indirect_dma source(%dma_start3A_563 : memref<1000000x64xf32, #tpu.memory_space<hbm>>) target(%dma_start3A_559 : memref<128x64xf32, #tpu.memory_space<vmem>>) offsets(%dma_start3A_560 : memref<128xi32, #tpu.memory_space<vmem>>) semaphore(%arg11 : memref<!tpu.dma_semaphore, #tpu.memory_space<semaphore_mem>>)
      } else {
      }
      %mul3A_418 = arith.constant 8 : i32
      %mul3A_419 = arith.muli %scan3A_221, %mul3A_418 : i32
      %add3A_420 = arith.constant 5 : i32
      %add3A_421 = arith.addi %mul3A_419, %add3A_420 : i32
      %mul3A_422 = arith.constant 128 : i32
      %mul3A_423 = arith.muli %add3A_421, %mul3A_422 : i32
      %multiple_of3A_424 = tpu.assume_multiple %mul3A_423, 128 : i32
      %dma_wait3A_425 = arith.constant 5 : i32
      %dma_wait3A_426 = arith.constant 0 : i32
      %dma_wait3A_427 = arith.constant 0 : i32
      %dma_wait3A_428 = tpu.memref_slice %arg6[%dma_wait3A_425, %dma_wait3A_426, %dma_wait3A_427] : memref<8x128x64xf32, #tpu.memory_space<vmem>> -> memref<1x128x64xf32, #tpu.memory_space<vmem>>
      %dma_wait3A_429 = tpu.memref_squeeze %dma_wait3A_428 : memref<1x128x64xf32, #tpu.memory_space<vmem>> -> memref<128x64xf32, #tpu.memory_space<vmem>>
      %dma_wait3A_430 = tpu.memref_slice %arg5[%multiple_of3A_424] : memref<25600xi32, #tpu.memory_space<vmem>> -> memref<128xi32, #tpu.memory_space<vmem>>
      %dma_wait3A_431 = arith.constant 0 : i32
      %dma_wait3A_432 = arith.constant 0 : i32
      %dma_wait3A_433 = tpu.memref_slice %arg2[%dma_wait3A_431, %dma_wait3A_432] : memref<1000000x64xf32, #tpu.memory_space<hbm>> -> memref<1000000x64xf32, #tpu.memory_space<hbm>>
      tpu.wait_indirect_dma semaphore(%arg12 : memref<!tpu.dma_semaphore, #tpu.memory_space<semaphore_mem>>) src(%dma_wait3A_433 : memref<1000000x64xf32, #tpu.memory_space<hbm>>) dst(%dma_wait3A_429 : memref<128x64xf32, #tpu.memory_space<vmem>>)
      %parallel_loop3A_434 = arith.constant 0 : i32
      %parallel_loop3A_435 = arith.constant 128 : i32
      %parallel_loop3A_436 = arith.constant 1 : i32
      scf.for %parallel_loop3A_538 = %parallel_loop3A_434 to %parallel_loop3A_435 step %parallel_loop3A_436  : i32 {
        %parallel_loop3A_539 = arith.constant 5 : i32
        %parallel_loop3A_540 = arith.index_cast %parallel_loop3A_539 : i32 to index
        %parallel_loop3A_541 = arith.index_cast %parallel_loop3A_538 : i32 to index
        %parallel_loop3A_542 = arith.constant 0 : index
        %parallel_loop3A_543 = tpu.vector_load %arg6[%parallel_loop3A_540, %parallel_loop3A_541, %parallel_loop3A_542] {strides = array<i32>} : memref<8x128x64xf32, #tpu.memory_space<vmem>>, vector<1x1x16xf32>,
        %parallel_loop3A_544 = vector.shape_cast %parallel_loop3A_543 : vector<1x1x16xf32> to vector<16xf32>
        %parallel_loop3A_545 = arith.constant 8.000000e+00 : f32
        %parallel_loop3A_546 = vector.broadcast %parallel_loop3A_545 : f32 to vector<16xf32>
        %parallel_loop3A_547 = arith.mulf %parallel_loop3A_544, %parallel_loop3A_546 : vector<16xf32>
        %parallel_loop3A_548 = arith.constant 5 : i32
        %parallel_loop3A_549 = arith.index_cast %parallel_loop3A_548 : i32 to index
        %parallel_loop3A_550 = arith.index_cast %parallel_loop3A_538 : i32 to index
        %parallel_loop3A_551 = arith.constant 0 : index
        %parallel_loop3A_552 = tpu.vector_load %arg6[%parallel_loop3A_549, %parallel_loop3A_550, %parallel_loop3A_551] {strides = array<i32>} : memref<8x128x64xf32, #tpu.memory_space<vmem>>, vector<1x1x16xf32>,
        %parallel_loop3A_553 = vector.shape_cast %parallel_loop3A_552 : vector<1x1x16xf32> to vector<16xf32>
        %parallel_loop3A_554 = vector.shape_cast %parallel_loop3A_547 : vector<16xf32> to vector<1x1x16xf32>
        tpu.vector_store %arg6[%parallel_loop3A_549, %parallel_loop3A_550, %parallel_loop3A_551], %parallel_loop3A_554 {strides = array<i32>} : memref<8x128x64xf32, #tpu.memory_space<vmem>>, vector<1x1x16xf32>,
        %parallel_loop3A_555 = arith.constant 5 : i32
        %parallel_loop3A_556 = arith.index_cast %parallel_loop3A_555 : i32 to index
        %parallel_loop3A_557 = arith.index_cast %parallel_loop3A_538 : i32 to index
        %parallel_loop3A_558 = arith.constant 16 : index
        %parallel_loop3A_559 = tpu.vector_load %arg6[%parallel_loop3A_556, %parallel_loop3A_557, %parallel_loop3A_558] {strides = array<i32>} : memref<8x128x64xf32, #tpu.memory_space<vmem>>, vector<1x1x16xf32>,
        %parallel_loop3A_560 = vector.shape_cast %parallel_loop3A_559 : vector<1x1x16xf32> to vector<16xf32>
        %parallel_loop3A_561 = arith.constant 8.000000e+00 : f32
        %parallel_loop3A_562 = vector.broadcast %parallel_loop3A_561 : f32 to vector<16xf32>
        %parallel_loop3A_563 = arith.mulf %parallel_loop3A_560, %parallel_loop3A_562 : vector<16xf32>
        %parallel_loop3A_564 = arith.constant 5 : i32
        %parallel_loop3A_565 = arith.index_cast %parallel_loop3A_564 : i32 to index
        %parallel_loop3A_566 = arith.index_cast %parallel_loop3A_538 : i32 to index
        %parallel_loop3A_567 = arith.constant 16 : index
        %parallel_loop3A_568 = tpu.vector_load %arg6[%parallel_loop3A_565, %parallel_loop3A_566, %parallel_loop3A_567] {strides = array<i32>} : memref<8x128x64xf32, #tpu.memory_space<vmem>>, vector<1x1x16xf32>,
        %parallel_loop3A_569 = vector.shape_cast %parallel_loop3A_568 : vector<1x1x16xf32> to vector<16xf32>
        %parallel_loop3A_570 = vector.shape_cast %parallel_loop3A_563 : vector<16xf32> to vector<1x1x16xf32>
        tpu.vector_store %arg6[%parallel_loop3A_565, %parallel_loop3A_566, %parallel_loop3A_567], %parallel_loop3A_570 {strides = array<i32>} : memref<8x128x64xf32, #tpu.memory_space<vmem>>, vector<1x1x16xf32>,
        %parallel_loop3A_571 = arith.constant 5 : i32
        %parallel_loop3A_572 = arith.index_cast %parallel_loop3A_571 : i32 to index
        %parallel_loop3A_573 = arith.index_cast %parallel_loop3A_538 : i32 to index
        %parallel_loop3A_574 = arith.constant 32 : index
        %parallel_loop3A_575 = tpu.vector_load %arg6[%parallel_loop3A_572, %parallel_loop3A_573, %parallel_loop3A_574] {strides = array<i32>} : memref<8x128x64xf32, #tpu.memory_space<vmem>>, vector<1x1x16xf32>,
        %parallel_loop3A_576 = vector.shape_cast %parallel_loop3A_575 : vector<1x1x16xf32> to vector<16xf32>
        %parallel_loop3A_577 = arith.constant 8.000000e+00 : f32
        %parallel_loop3A_578 = vector.broadcast %parallel_loop3A_577 : f32 to vector<16xf32>
        %parallel_loop3A_579 = arith.mulf %parallel_loop3A_576, %parallel_loop3A_578 : vector<16xf32>
        %parallel_loop3A_580 = arith.constant 5 : i32
        %parallel_loop3A_581 = arith.index_cast %parallel_loop3A_580 : i32 to index
        %parallel_loop3A_582 = arith.index_cast %parallel_loop3A_538 : i32 to index
        %parallel_loop3A_583 = arith.constant 32 : index
        %parallel_loop3A_584 = tpu.vector_load %arg6[%parallel_loop3A_581, %parallel_loop3A_582, %parallel_loop3A_583] {strides = array<i32>} : memref<8x128x64xf32, #tpu.memory_space<vmem>>, vector<1x1x16xf32>,
        %parallel_loop3A_585 = vector.shape_cast %parallel_loop3A_584 : vector<1x1x16xf32> to vector<16xf32>
        %parallel_loop3A_586 = vector.shape_cast %parallel_loop3A_579 : vector<16xf32> to vector<1x1x16xf32>
        tpu.vector_store %arg6[%parallel_loop3A_581, %parallel_loop3A_582, %parallel_loop3A_583], %parallel_loop3A_586 {strides = array<i32>} : memref<8x128x64xf32, #tpu.memory_space<vmem>>, vector<1x1x16xf32>,
        %parallel_loop3A_587 = arith.constant 5 : i32
        %parallel_loop3A_588 = arith.index_cast %parallel_loop3A_587 : i32 to index
        %parallel_loop3A_589 = arith.index_cast %parallel_loop3A_538 : i32 to index
        %parallel_loop3A_590 = arith.constant 48 : index
        %parallel_loop3A_591 = tpu.vector_load %arg6[%parallel_loop3A_588, %parallel_loop3A_589, %parallel_loop3A_590] {strides = array<i32>} : memref<8x128x64xf32, #tpu.memory_space<vmem>>, vector<1x1x16xf32>,
        %parallel_loop3A_592 = vector.shape_cast %parallel_loop3A_591 : vector<1x1x16xf32> to vector<16xf32>
        %parallel_loop3A_593 = arith.constant 8.000000e+00 : f32
        %parallel_loop3A_594 = vector.broadcast %parallel_loop3A_593 : f32 to vector<16xf32>
        %parallel_loop3A_595 = arith.mulf %parallel_loop3A_592, %parallel_loop3A_594 : vector<16xf32>
        %parallel_loop3A_596 = arith.constant 5 : i32
        %parallel_loop3A_597 = arith.index_cast %parallel_loop3A_596 : i32 to index
        %parallel_loop3A_598 = arith.index_cast %parallel_loop3A_538 : i32 to index
        %parallel_loop3A_599 = arith.constant 48 : index
        %parallel_loop3A_600 = tpu.vector_load %arg6[%parallel_loop3A_597, %parallel_loop3A_598, %parallel_loop3A_599] {strides = array<i32>} : memref<8x128x64xf32, #tpu.memory_space<vmem>>, vector<1x1x16xf32>,
        %parallel_loop3A_601 = vector.shape_cast %parallel_loop3A_600 : vector<1x1x16xf32> to vector<16xf32>
        %parallel_loop3A_602 = vector.shape_cast %parallel_loop3A_595 : vector<16xf32> to vector<1x1x16xf32>
        tpu.vector_store %arg6[%parallel_loop3A_597, %parallel_loop3A_598, %parallel_loop3A_599], %parallel_loop3A_602 {strides = array<i32>} : memref<8x128x64xf32, #tpu.memory_space<vmem>>, vector<1x1x16xf32>,
      } {sc.loop_unroll_factor = 4 : i64, sc.parallel_access}
      %add3A_437 = arith.addi %mul3A_2, %multiple_of3A_424 : i32
      %dma_start3A_438 = arith.constant 5 : i32
      %dma_start3A_439 = arith.constant 0 : i32
      %dma_start3A_440 = arith.constant 0 : i32
      %dma_start3A_441 = tpu.memref_slice %arg6[%dma_start3A_438, %dma_start3A_439, %dma_start3A_440] : memref<8x128x64xf32, #tpu.memory_space<vmem>> -> memref<1x128x64xf32, #tpu.memory_space<vmem>>
      %dma_start3A_442 = tpu.memref_squeeze %dma_start3A_441 : memref<1x128x64xf32, #tpu.memory_space<vmem>> -> memref<128x64xf32, #tpu.memory_space<vmem>>
      %dma_start3A_443 = arith.constant 0 : i32
      %dma_start3A_444 = tpu.memref_slice %arg4[%add3A_437, %dma_start3A_443] : memref<819200x64xf32, #tpu.memory_space<hbm>> -> memref<128x64xf32, #tpu.memory_space<hbm>>
      %dma_start3A_445 = arith.constant 0 : i32
      %dma_start3A_446 = tpu.memref_slice %arg4[%add3A_437, %dma_start3A_445] : memref<819200x64xf32, #tpu.memory_space<hbm>> -> memref<128x64xf32, #tpu.memory_space<hbm>>
      %dma_start3A_447 = arith.constant 0 : i32
      %dma_start3A_448 = arith.constant 0 : i32
      %dma_start3A_449 = tpu.memref_slice %arg6[%dma_start3A_438, %dma_start3A_447, %dma_start3A_448] : memref<8x128x64xf32, #tpu.memory_space<vmem>> -> memref<1x128x64xf32, #tpu.memory_space<vmem>>
      %dma_start3A_450 = tpu.memref_squeeze %dma_start3A_449 : memref<1x128x64xf32, #tpu.memory_space<vmem>> -> memref<128x64xf32, #tpu.memory_space<vmem>>
      tpu.enqueue_dma source(%dma_start3A_450 : memref<128x64xf32, #tpu.memory_space<vmem>>) target(%dma_start3A_446 : memref<128x64xf32, #tpu.memory_space<hbm>>) target_semaphore(%arg20 : memref<!tpu.dma_semaphore, #tpu.memory_space<semaphore_mem>>)
      %add3A_451 = arith.constant 8 : i32
      %add3A_452 = arith.addi %add3A_421, %add3A_451 : i32
      %lt3A_453 = arith.constant 200 : i32
      %lt3A_454 = arith.cmpi slt, %add3A_452, %lt3A_453 : i32
      %convert_element_type3A_455 = arith.extui %lt3A_454 : i1 to i32
      %cond3A_456 = arith.constant 0 : i32
      %cond3A_457 = arith.cmpi ne, %convert_element_type3A_455, %cond3A_456 : i32
      scf.if %cond3A_457 {
        %add3A_538 = arith.addi %mul3A_2, %multiple_of3A_424 : i32
        %dma_wait3A_539 = arith.constant 5 : i32
        %dma_wait3A_540 = arith.constant 0 : i32
        %dma_wait3A_541 = arith.constant 0 : i32
        %dma_wait3A_542 = tpu.memref_slice %arg6[%dma_wait3A_539, %dma_wait3A_540, %dma_wait3A_541] : memref<8x128x64xf32, #tpu.memory_space<vmem>> -> memref<1x128x64xf32, #tpu.memory_space<vmem>>
        %dma_wait3A_543 = tpu.memref_squeeze %dma_wait3A_542 : memref<1x128x64xf32, #tpu.memory_space<vmem>> -> memref<128x64xf32, #tpu.memory_space<vmem>>
        %dma_wait3A_544 = arith.constant 0 : i32
        %dma_wait3A_545 = tpu.memref_slice %arg4[%add3A_538, %dma_wait3A_544] : memref<819200x64xf32, #tpu.memory_space<hbm>> -> memref<128x64xf32, #tpu.memory_space<hbm>>
        %dma_wait3A_546 = arith.constant 0 : i32
        %dma_wait3A_547 = tpu.memref_slice %arg4[%add3A_538, %dma_wait3A_546] : memref<819200x64xf32, #tpu.memory_space<hbm>> -> memref<128x64xf32, #tpu.memory_space<hbm>>
        %dma_wait3A_548 = arith.constant 0 : i32
        %dma_wait3A_549 = arith.constant 0 : i32
        %dma_wait3A_550 = tpu.memref_slice %arg6[%dma_wait3A_539, %dma_wait3A_548, %dma_wait3A_549] : memref<8x128x64xf32, #tpu.memory_space<vmem>> -> memref<1x128x64xf32, #tpu.memory_space<vmem>>
        %dma_wait3A_551 = tpu.memref_squeeze %dma_wait3A_550 : memref<1x128x64xf32, #tpu.memory_space<vmem>> -> memref<128x64xf32, #tpu.memory_space<vmem>>
        tpu.wait_dma2 semaphore(%arg20 : memref<!tpu.dma_semaphore, #tpu.memory_space<semaphore_mem>>) src(%dma_wait3A_551 : memref<128x64xf32, #tpu.memory_space<vmem>>) dst(%dma_wait3A_547 : memref<128x64xf32, #tpu.memory_space<hbm>>)
        %mul3A_552 = arith.constant 128 : i32
        %mul3A_553 = arith.muli %add3A_452, %mul3A_552 : i32
        %multiple_of3A_554 = tpu.assume_multiple %mul3A_553, 128 : i32
        %dma_start3A_555 = arith.constant 5 : i32
        %dma_start3A_556 = arith.constant 0 : i32
        %dma_start3A_557 = arith.constant 0 : i32
        %dma_start3A_558 = tpu.memref_slice %arg6[%dma_start3A_555, %dma_start3A_556, %dma_start3A_557] : memref<8x128x64xf32, #tpu.memory_space<vmem>> -> memref<1x128x64xf32, #tpu.memory_space<vmem>>
        %dma_start3A_559 = tpu.memref_squeeze %dma_start3A_558 : memref<1x128x64xf32, #tpu.memory_space<vmem>> -> memref<128x64xf32, #tpu.memory_space<vmem>>
        %dma_start3A_560 = tpu.memref_slice %arg5[%multiple_of3A_554] : memref<25600xi32, #tpu.memory_space<vmem>> -> memref<128xi32, #tpu.memory_space<vmem>>
        %dma_start3A_561 = arith.constant 0 : i32
        %dma_start3A_562 = arith.constant 0 : i32
        %dma_start3A_563 = tpu.memref_slice %arg2[%dma_start3A_561, %dma_start3A_562] : memref<1000000x64xf32, #tpu.memory_space<hbm>> -> memref<1000000x64xf32, #tpu.memory_space<hbm>>
        tpu.enqueue_indirect_dma source(%dma_start3A_563 : memref<1000000x64xf32, #tpu.memory_space<hbm>>) target(%dma_start3A_559 : memref<128x64xf32, #tpu.memory_space<vmem>>) offsets(%dma_start3A_560 : memref<128xi32, #tpu.memory_space<vmem>>) semaphore(%arg12 : memref<!tpu.dma_semaphore, #tpu.memory_space<semaphore_mem>>)
      } else {
      }
      %mul3A_458 = arith.constant 8 : i32
      %mul3A_459 = arith.muli %scan3A_221, %mul3A_458 : i32
      %add3A_460 = arith.constant 6 : i32
      %add3A_461 = arith.addi %mul3A_459, %add3A_460 : i32
      %mul3A_462 = arith.constant 128 : i32
      %mul3A_463 = arith.muli %add3A_461, %mul3A_462 : i32
      %multiple_of3A_464 = tpu.assume_multiple %mul3A_463, 128 : i32
      %dma_wait3A_465 = arith.constant 6 : i32
      %dma_wait3A_466 = arith.constant 0 : i32
      %dma_wait3A_467 = arith.constant 0 : i32
      %dma_wait3A_468 = tpu.memref_slice %arg6[%dma_wait3A_465, %dma_wait3A_466, %dma_wait3A_467] : memref<8x128x64xf32, #tpu.memory_space<vmem>> -> memref<1x128x64xf32, #tpu.memory_space<vmem>>
      %dma_wait3A_469 = tpu.memref_squeeze %dma_wait3A_468 : memref<1x128x64xf32, #tpu.memory_space<vmem>> -> memref<128x64xf32, #tpu.memory_space<vmem>>
      %dma_wait3A_470 = tpu.memref_slice %arg5[%multiple_of3A_464] : memref<25600xi32, #tpu.memory_space<vmem>> -> memref<128xi32, #tpu.memory_space<vmem>>
      %dma_wait3A_471 = arith.constant 0 : i32
      %dma_wait3A_472 = arith.constant 0 : i32
      %dma_wait3A_473 = tpu.memref_slice %arg2[%dma_wait3A_471, %dma_wait3A_472] : memref<1000000x64xf32, #tpu.memory_space<hbm>> -> memref<1000000x64xf32, #tpu.memory_space<hbm>>
      tpu.wait_indirect_dma semaphore(%arg13 : memref<!tpu.dma_semaphore, #tpu.memory_space<semaphore_mem>>) src(%dma_wait3A_473 : memref<1000000x64xf32, #tpu.memory_space<hbm>>) dst(%dma_wait3A_469 : memref<128x64xf32, #tpu.memory_space<vmem>>)
      %parallel_loop3A_474 = arith.constant 0 : i32
      %parallel_loop3A_475 = arith.constant 128 : i32
      %parallel_loop3A_476 = arith.constant 1 : i32
      scf.for %parallel_loop3A_538 = %parallel_loop3A_474 to %parallel_loop3A_475 step %parallel_loop3A_476  : i32 {
        %parallel_loop3A_539 = arith.constant 6 : i32
        %parallel_loop3A_540 = arith.index_cast %parallel_loop3A_539 : i32 to index
        %parallel_loop3A_541 = arith.index_cast %parallel_loop3A_538 : i32 to index
        %parallel_loop3A_542 = arith.constant 0 : index
        %parallel_loop3A_543 = tpu.vector_load %arg6[%parallel_loop3A_540, %parallel_loop3A_541, %parallel_loop3A_542] {strides = array<i32>} : memref<8x128x64xf32, #tpu.memory_space<vmem>>, vector<1x1x16xf32>,
        %parallel_loop3A_544 = vector.shape_cast %parallel_loop3A_543 : vector<1x1x16xf32> to vector<16xf32>
        %parallel_loop3A_545 = arith.constant 8.000000e+00 : f32
        %parallel_loop3A_546 = vector.broadcast %parallel_loop3A_545 : f32 to vector<16xf32>
        %parallel_loop3A_547 = arith.mulf %parallel_loop3A_544, %parallel_loop3A_546 : vector<16xf32>
        %parallel_loop3A_548 = arith.constant 6 : i32
        %parallel_loop3A_549 = arith.index_cast %parallel_loop3A_548 : i32 to index
        %parallel_loop3A_550 = arith.index_cast %parallel_loop3A_538 : i32 to index
        %parallel_loop3A_551 = arith.constant 0 : index
        %parallel_loop3A_552 = tpu.vector_load %arg6[%parallel_loop3A_549, %parallel_loop3A_550, %parallel_loop3A_551] {strides = array<i32>} : memref<8x128x64xf32, #tpu.memory_space<vmem>>, vector<1x1x16xf32>,
        %parallel_loop3A_553 = vector.shape_cast %parallel_loop3A_552 : vector<1x1x16xf32> to vector<16xf32>
        %parallel_loop3A_554 = vector.shape_cast %parallel_loop3A_547 : vector<16xf32> to vector<1x1x16xf32>
        tpu.vector_store %arg6[%parallel_loop3A_549, %parallel_loop3A_550, %parallel_loop3A_551], %parallel_loop3A_554 {strides = array<i32>} : memref<8x128x64xf32, #tpu.memory_space<vmem>>, vector<1x1x16xf32>,
        %parallel_loop3A_555 = arith.constant 6 : i32
        %parallel_loop3A_556 = arith.index_cast %parallel_loop3A_555 : i32 to index
        %parallel_loop3A_557 = arith.index_cast %parallel_loop3A_538 : i32 to index
        %parallel_loop3A_558 = arith.constant 16 : index
        %parallel_loop3A_559 = tpu.vector_load %arg6[%parallel_loop3A_556, %parallel_loop3A_557, %parallel_loop3A_558] {strides = array<i32>} : memref<8x128x64xf32, #tpu.memory_space<vmem>>, vector<1x1x16xf32>,
        %parallel_loop3A_560 = vector.shape_cast %parallel_loop3A_559 : vector<1x1x16xf32> to vector<16xf32>
        %parallel_loop3A_561 = arith.constant 8.000000e+00 : f32
        %parallel_loop3A_562 = vector.broadcast %parallel_loop3A_561 : f32 to vector<16xf32>
        %parallel_loop3A_563 = arith.mulf %parallel_loop3A_560, %parallel_loop3A_562 : vector<16xf32>
        %parallel_loop3A_564 = arith.constant 6 : i32
        %parallel_loop3A_565 = arith.index_cast %parallel_loop3A_564 : i32 to index
        %parallel_loop3A_566 = arith.index_cast %parallel_loop3A_538 : i32 to index
        %parallel_loop3A_567 = arith.constant 16 : index
        %parallel_loop3A_568 = tpu.vector_load %arg6[%parallel_loop3A_565, %parallel_loop3A_566, %parallel_loop3A_567] {strides = array<i32>} : memref<8x128x64xf32, #tpu.memory_space<vmem>>, vector<1x1x16xf32>,
        %parallel_loop3A_569 = vector.shape_cast %parallel_loop3A_568 : vector<1x1x16xf32> to vector<16xf32>
        %parallel_loop3A_570 = vector.shape_cast %parallel_loop3A_563 : vector<16xf32> to vector<1x1x16xf32>
        tpu.vector_store %arg6[%parallel_loop3A_565, %parallel_loop3A_566, %parallel_loop3A_567], %parallel_loop3A_570 {strides = array<i32>} : memref<8x128x64xf32, #tpu.memory_space<vmem>>, vector<1x1x16xf32>,
        %parallel_loop3A_571 = arith.constant 6 : i32
        %parallel_loop3A_572 = arith.index_cast %parallel_loop3A_571 : i32 to index
        %parallel_loop3A_573 = arith.index_cast %parallel_loop3A_538 : i32 to index
        %parallel_loop3A_574 = arith.constant 32 : index
        %parallel_loop3A_575 = tpu.vector_load %arg6[%parallel_loop3A_572, %parallel_loop3A_573, %parallel_loop3A_574] {strides = array<i32>} : memref<8x128x64xf32, #tpu.memory_space<vmem>>, vector<1x1x16xf32>,
        %parallel_loop3A_576 = vector.shape_cast %parallel_loop3A_575 : vector<1x1x16xf32> to vector<16xf32>
        %parallel_loop3A_577 = arith.constant 8.000000e+00 : f32
        %parallel_loop3A_578 = vector.broadcast %parallel_loop3A_577 : f32 to vector<16xf32>
        %parallel_loop3A_579 = arith.mulf %parallel_loop3A_576, %parallel_loop3A_578 : vector<16xf32>
        %parallel_loop3A_580 = arith.constant 6 : i32
        %parallel_loop3A_581 = arith.index_cast %parallel_loop3A_580 : i32 to index
        %parallel_loop3A_582 = arith.index_cast %parallel_loop3A_538 : i32 to index
        %parallel_loop3A_583 = arith.constant 32 : index
        %parallel_loop3A_584 = tpu.vector_load %arg6[%parallel_loop3A_581, %parallel_loop3A_582, %parallel_loop3A_583] {strides = array<i32>} : memref<8x128x64xf32, #tpu.memory_space<vmem>>, vector<1x1x16xf32>,
        %parallel_loop3A_585 = vector.shape_cast %parallel_loop3A_584 : vector<1x1x16xf32> to vector<16xf32>
        %parallel_loop3A_586 = vector.shape_cast %parallel_loop3A_579 : vector<16xf32> to vector<1x1x16xf32>
        tpu.vector_store %arg6[%parallel_loop3A_581, %parallel_loop3A_582, %parallel_loop3A_583], %parallel_loop3A_586 {strides = array<i32>} : memref<8x128x64xf32, #tpu.memory_space<vmem>>, vector<1x1x16xf32>,
        %parallel_loop3A_587 = arith.constant 6 : i32
        %parallel_loop3A_588 = arith.index_cast %parallel_loop3A_587 : i32 to index
        %parallel_loop3A_589 = arith.index_cast %parallel_loop3A_538 : i32 to index
        %parallel_loop3A_590 = arith.constant 48 : index
        %parallel_loop3A_591 = tpu.vector_load %arg6[%parallel_loop3A_588, %parallel_loop3A_589, %parallel_loop3A_590] {strides = array<i32>} : memref<8x128x64xf32, #tpu.memory_space<vmem>>, vector<1x1x16xf32>,
        %parallel_loop3A_592 = vector.shape_cast %parallel_loop3A_591 : vector<1x1x16xf32> to vector<16xf32>
        %parallel_loop3A_593 = arith.constant 8.000000e+00 : f32
        %parallel_loop3A_594 = vector.broadcast %parallel_loop3A_593 : f32 to vector<16xf32>
        %parallel_loop3A_595 = arith.mulf %parallel_loop3A_592, %parallel_loop3A_594 : vector<16xf32>
        %parallel_loop3A_596 = arith.constant 6 : i32
        %parallel_loop3A_597 = arith.index_cast %parallel_loop3A_596 : i32 to index
        %parallel_loop3A_598 = arith.index_cast %parallel_loop3A_538 : i32 to index
        %parallel_loop3A_599 = arith.constant 48 : index
        %parallel_loop3A_600 = tpu.vector_load %arg6[%parallel_loop3A_597, %parallel_loop3A_598, %parallel_loop3A_599] {strides = array<i32>} : memref<8x128x64xf32, #tpu.memory_space<vmem>>, vector<1x1x16xf32>,
        %parallel_loop3A_601 = vector.shape_cast %parallel_loop3A_600 : vector<1x1x16xf32> to vector<16xf32>
        %parallel_loop3A_602 = vector.shape_cast %parallel_loop3A_595 : vector<16xf32> to vector<1x1x16xf32>
        tpu.vector_store %arg6[%parallel_loop3A_597, %parallel_loop3A_598, %parallel_loop3A_599], %parallel_loop3A_602 {strides = array<i32>} : memref<8x128x64xf32, #tpu.memory_space<vmem>>, vector<1x1x16xf32>,
      } {sc.loop_unroll_factor = 4 : i64, sc.parallel_access}
      %add3A_477 = arith.addi %mul3A_2, %multiple_of3A_464 : i32
      %dma_start3A_478 = arith.constant 6 : i32
      %dma_start3A_479 = arith.constant 0 : i32
      %dma_start3A_480 = arith.constant 0 : i32
      %dma_start3A_481 = tpu.memref_slice %arg6[%dma_start3A_478, %dma_start3A_479, %dma_start3A_480] : memref<8x128x64xf32, #tpu.memory_space<vmem>> -> memref<1x128x64xf32, #tpu.memory_space<vmem>>
      %dma_start3A_482 = tpu.memref_squeeze %dma_start3A_481 : memref<1x128x64xf32, #tpu.memory_space<vmem>> -> memref<128x64xf32, #tpu.memory_space<vmem>>
      %dma_start3A_483 = arith.constant 0 : i32
      %dma_start3A_484 = tpu.memref_slice %arg4[%add3A_477, %dma_start3A_483] : memref<819200x64xf32, #tpu.memory_space<hbm>> -> memref<128x64xf32, #tpu.memory_space<hbm>>
      %dma_start3A_485 = arith.constant 0 : i32
      %dma_start3A_486 = tpu.memref_slice %arg4[%add3A_477, %dma_start3A_485] : memref<819200x64xf32, #tpu.memory_space<hbm>> -> memref<128x64xf32, #tpu.memory_space<hbm>>
      %dma_start3A_487 = arith.constant 0 : i32
      %dma_start3A_488 = arith.constant 0 : i32
      %dma_start3A_489 = tpu.memref_slice %arg6[%dma_start3A_478, %dma_start3A_487, %dma_start3A_488] : memref<8x128x64xf32, #tpu.memory_space<vmem>> -> memref<1x128x64xf32, #tpu.memory_space<vmem>>
      %dma_start3A_490 = tpu.memref_squeeze %dma_start3A_489 : memref<1x128x64xf32, #tpu.memory_space<vmem>> -> memref<128x64xf32, #tpu.memory_space<vmem>>
      tpu.enqueue_dma source(%dma_start3A_490 : memref<128x64xf32, #tpu.memory_space<vmem>>) target(%dma_start3A_486 : memref<128x64xf32, #tpu.memory_space<hbm>>) target_semaphore(%arg21 : memref<!tpu.dma_semaphore, #tpu.memory_space<semaphore_mem>>)
      %add3A_491 = arith.constant 8 : i32
      %add3A_492 = arith.addi %add3A_461, %add3A_491 : i32
      %lt3A_493 = arith.constant 200 : i32
      %lt3A_494 = arith.cmpi slt, %add3A_492, %lt3A_493 : i32
      %convert_element_type3A_495 = arith.extui %lt3A_494 : i1 to i32
      %cond3A_496 = arith.constant 0 : i32
      %cond3A_497 = arith.cmpi ne, %convert_element_type3A_495, %cond3A_496 : i32
      scf.if %cond3A_497 {
        %add3A_538 = arith.addi %mul3A_2, %multiple_of3A_464 : i32
        %dma_wait3A_539 = arith.constant 6 : i32
        %dma_wait3A_540 = arith.constant 0 : i32
        %dma_wait3A_541 = arith.constant 0 : i32
        %dma_wait3A_542 = tpu.memref_slice %arg6[%dma_wait3A_539, %dma_wait3A_540, %dma_wait3A_541] : memref<8x128x64xf32, #tpu.memory_space<vmem>> -> memref<1x128x64xf32, #tpu.memory_space<vmem>>
        %dma_wait3A_543 = tpu.memref_squeeze %dma_wait3A_542 : memref<1x128x64xf32, #tpu.memory_space<vmem>> -> memref<128x64xf32, #tpu.memory_space<vmem>>
        %dma_wait3A_544 = arith.constant 0 : i32
        %dma_wait3A_545 = tpu.memref_slice %arg4[%add3A_538, %dma_wait3A_544] : memref<819200x64xf32, #tpu.memory_space<hbm>> -> memref<128x64xf32, #tpu.memory_space<hbm>>
        %dma_wait3A_546 = arith.constant 0 : i32
        %dma_wait3A_547 = tpu.memref_slice %arg4[%add3A_538, %dma_wait3A_546] : memref<819200x64xf32, #tpu.memory_space<hbm>> -> memref<128x64xf32, #tpu.memory_space<hbm>>
        %dma_wait3A_548 = arith.constant 0 : i32
        %dma_wait3A_549 = arith.constant 0 : i32
        %dma_wait3A_550 = tpu.memref_slice %arg6[%dma_wait3A_539, %dma_wait3A_548, %dma_wait3A_549] : memref<8x128x64xf32, #tpu.memory_space<vmem>> -> memref<1x128x64xf32, #tpu.memory_space<vmem>>
        %dma_wait3A_551 = tpu.memref_squeeze %dma_wait3A_550 : memref<1x128x64xf32, #tpu.memory_space<vmem>> -> memref<128x64xf32, #tpu.memory_space<vmem>>
        tpu.wait_dma2 semaphore(%arg21 : memref<!tpu.dma_semaphore, #tpu.memory_space<semaphore_mem>>) src(%dma_wait3A_551 : memref<128x64xf32, #tpu.memory_space<vmem>>) dst(%dma_wait3A_547 : memref<128x64xf32, #tpu.memory_space<hbm>>)
        %mul3A_552 = arith.constant 128 : i32
        %mul3A_553 = arith.muli %add3A_492, %mul3A_552 : i32
        %multiple_of3A_554 = tpu.assume_multiple %mul3A_553, 128 : i32
        %dma_start3A_555 = arith.constant 6 : i32
        %dma_start3A_556 = arith.constant 0 : i32
        %dma_start3A_557 = arith.constant 0 : i32
        %dma_start3A_558 = tpu.memref_slice %arg6[%dma_start3A_555, %dma_start3A_556, %dma_start3A_557] : memref<8x128x64xf32, #tpu.memory_space<vmem>> -> memref<1x128x64xf32, #tpu.memory_space<vmem>>
        %dma_start3A_559 = tpu.memref_squeeze %dma_start3A_558 : memref<1x128x64xf32, #tpu.memory_space<vmem>> -> memref<128x64xf32, #tpu.memory_space<vmem>>
        %dma_start3A_560 = tpu.memref_slice %arg5[%multiple_of3A_554] : memref<25600xi32, #tpu.memory_space<vmem>> -> memref<128xi32, #tpu.memory_space<vmem>>
        %dma_start3A_561 = arith.constant 0 : i32
        %dma_start3A_562 = arith.constant 0 : i32
        %dma_start3A_563 = tpu.memref_slice %arg2[%dma_start3A_561, %dma_start3A_562] : memref<1000000x64xf32, #tpu.memory_space<hbm>> -> memref<1000000x64xf32, #tpu.memory_space<hbm>>
        tpu.enqueue_indirect_dma source(%dma_start3A_563 : memref<1000000x64xf32, #tpu.memory_space<hbm>>) target(%dma_start3A_559 : memref<128x64xf32, #tpu.memory_space<vmem>>) offsets(%dma_start3A_560 : memref<128xi32, #tpu.memory_space<vmem>>) semaphore(%arg13 : memref<!tpu.dma_semaphore, #tpu.memory_space<semaphore_mem>>)
      } else {
      }
      %mul3A_498 = arith.constant 8 : i32
      %mul3A_499 = arith.muli %scan3A_221, %mul3A_498 : i32
      %add3A_500 = arith.constant 7 : i32
      %add3A_501 = arith.addi %mul3A_499, %add3A_500 : i32
      %mul3A_502 = arith.constant 128 : i32
      %mul3A_503 = arith.muli %add3A_501, %mul3A_502 : i32
      %multiple_of3A_504 = tpu.assume_multiple %mul3A_503, 128 : i32
      %dma_wait3A_505 = arith.constant 7 : i32
      %dma_wait3A_506 = arith.constant 0 : i32
      %dma_wait3A_507 = arith.constant 0 : i32
      %dma_wait3A_508 = tpu.memref_slice %arg6[%dma_wait3A_505, %dma_wait3A_506, %dma_wait3A_507] : memref<8x128x64xf32, #tpu.memory_space<vmem>> -> memref<1x128x64xf32, #tpu.memory_space<vmem>>
      %dma_wait3A_509 = tpu.memref_squeeze %dma_wait3A_508 : memref<1x128x64xf32, #tpu.memory_space<vmem>> -> memref<128x64xf32, #tpu.memory_space<vmem>>
      %dma_wait3A_510 = tpu.memref_slice %arg5[%multiple_of3A_504] : memref<25600xi32, #tpu.memory_space<vmem>> -> memref<128xi32, #tpu.memory_space<vmem>>
      %dma_wait3A_511 = arith.constant 0 : i32
      %dma_wait3A_512 = arith.constant 0 : i32
      %dma_wait3A_513 = tpu.memref_slice %arg2[%dma_wait3A_511, %dma_wait3A_512] : memref<1000000x64xf32, #tpu.memory_space<hbm>> -> memref<1000000x64xf32, #tpu.memory_space<hbm>>
      tpu.wait_indirect_dma semaphore(%arg14 : memref<!tpu.dma_semaphore, #tpu.memory_space<semaphore_mem>>) src(%dma_wait3A_513 : memref<1000000x64xf32, #tpu.memory_space<hbm>>) dst(%dma_wait3A_509 : memref<128x64xf32, #tpu.memory_space<vmem>>)
      %parallel_loop3A_514 = arith.constant 0 : i32
      %parallel_loop3A_515 = arith.constant 128 : i32
      %parallel_loop3A_516 = arith.constant 1 : i32
      scf.for %parallel_loop3A_538 = %parallel_loop3A_514 to %parallel_loop3A_515 step %parallel_loop3A_516  : i32 {
        %parallel_loop3A_539 = arith.constant 7 : i32
        %parallel_loop3A_540 = arith.index_cast %parallel_loop3A_539 : i32 to index
        %parallel_loop3A_541 = arith.index_cast %parallel_loop3A_538 : i32 to index
        %parallel_loop3A_542 = arith.constant 0 : index
        %parallel_loop3A_543 = tpu.vector_load %arg6[%parallel_loop3A_540, %parallel_loop3A_541, %parallel_loop3A_542] {strides = array<i32>} : memref<8x128x64xf32, #tpu.memory_space<vmem>>, vector<1x1x16xf32>,
        %parallel_loop3A_544 = vector.shape_cast %parallel_loop3A_543 : vector<1x1x16xf32> to vector<16xf32>
        %parallel_loop3A_545 = arith.constant 8.000000e+00 : f32
        %parallel_loop3A_546 = vector.broadcast %parallel_loop3A_545 : f32 to vector<16xf32>
        %parallel_loop3A_547 = arith.mulf %parallel_loop3A_544, %parallel_loop3A_546 : vector<16xf32>
        %parallel_loop3A_548 = arith.constant 7 : i32
        %parallel_loop3A_549 = arith.index_cast %parallel_loop3A_548 : i32 to index
        %parallel_loop3A_550 = arith.index_cast %parallel_loop3A_538 : i32 to index
        %parallel_loop3A_551 = arith.constant 0 : index
        %parallel_loop3A_552 = tpu.vector_load %arg6[%parallel_loop3A_549, %parallel_loop3A_550, %parallel_loop3A_551] {strides = array<i32>} : memref<8x128x64xf32, #tpu.memory_space<vmem>>, vector<1x1x16xf32>,
        %parallel_loop3A_553 = vector.shape_cast %parallel_loop3A_552 : vector<1x1x16xf32> to vector<16xf32>
        %parallel_loop3A_554 = vector.shape_cast %parallel_loop3A_547 : vector<16xf32> to vector<1x1x16xf32>
        tpu.vector_store %arg6[%parallel_loop3A_549, %parallel_loop3A_550, %parallel_loop3A_551], %parallel_loop3A_554 {strides = array<i32>} : memref<8x128x64xf32, #tpu.memory_space<vmem>>, vector<1x1x16xf32>,
        %parallel_loop3A_555 = arith.constant 7 : i32
        %parallel_loop3A_556 = arith.index_cast %parallel_loop3A_555 : i32 to index
        %parallel_loop3A_557 = arith.index_cast %parallel_loop3A_538 : i32 to index
        %parallel_loop3A_558 = arith.constant 16 : index
        %parallel_loop3A_559 = tpu.vector_load %arg6[%parallel_loop3A_556, %parallel_loop3A_557, %parallel_loop3A_558] {strides = array<i32>} : memref<8x128x64xf32, #tpu.memory_space<vmem>>, vector<1x1x16xf32>,
        %parallel_loop3A_560 = vector.shape_cast %parallel_loop3A_559 : vector<1x1x16xf32> to vector<16xf32>
        %parallel_loop3A_561 = arith.constant 8.000000e+00 : f32
        %parallel_loop3A_562 = vector.broadcast %parallel_loop3A_561 : f32 to vector<16xf32>
        %parallel_loop3A_563 = arith.mulf %parallel_loop3A_560, %parallel_loop3A_562 : vector<16xf32>
        %parallel_loop3A_564 = arith.constant 7 : i32
        %parallel_loop3A_565 = arith.index_cast %parallel_loop3A_564 : i32 to index
        %parallel_loop3A_566 = arith.index_cast %parallel_loop3A_538 : i32 to index
        %parallel_loop3A_567 = arith.constant 16 : index
        %parallel_loop3A_568 = tpu.vector_load %arg6[%parallel_loop3A_565, %parallel_loop3A_566, %parallel_loop3A_567] {strides = array<i32>} : memref<8x128x64xf32, #tpu.memory_space<vmem>>, vector<1x1x16xf32>,
        %parallel_loop3A_569 = vector.shape_cast %parallel_loop3A_568 : vector<1x1x16xf32> to vector<16xf32>
        %parallel_loop3A_570 = vector.shape_cast %parallel_loop3A_563 : vector<16xf32> to vector<1x1x16xf32>
        tpu.vector_store %arg6[%parallel_loop3A_565, %parallel_loop3A_566, %parallel_loop3A_567], %parallel_loop3A_570 {strides = array<i32>} : memref<8x128x64xf32, #tpu.memory_space<vmem>>, vector<1x1x16xf32>,
        %parallel_loop3A_571 = arith.constant 7 : i32
        %parallel_loop3A_572 = arith.index_cast %parallel_loop3A_571 : i32 to index
        %parallel_loop3A_573 = arith.index_cast %parallel_loop3A_538 : i32 to index
        %parallel_loop3A_574 = arith.constant 32 : index
        %parallel_loop3A_575 = tpu.vector_load %arg6[%parallel_loop3A_572, %parallel_loop3A_573, %parallel_loop3A_574] {strides = array<i32>} : memref<8x128x64xf32, #tpu.memory_space<vmem>>, vector<1x1x16xf32>,
        %parallel_loop3A_576 = vector.shape_cast %parallel_loop3A_575 : vector<1x1x16xf32> to vector<16xf32>
        %parallel_loop3A_577 = arith.constant 8.000000e+00 : f32
        %parallel_loop3A_578 = vector.broadcast %parallel_loop3A_577 : f32 to vector<16xf32>
        %parallel_loop3A_579 = arith.mulf %parallel_loop3A_576, %parallel_loop3A_578 : vector<16xf32>
        %parallel_loop3A_580 = arith.constant 7 : i32
        %parallel_loop3A_581 = arith.index_cast %parallel_loop3A_580 : i32 to index
        %parallel_loop3A_582 = arith.index_cast %parallel_loop3A_538 : i32 to index
        %parallel_loop3A_583 = arith.constant 32 : index
        %parallel_loop3A_584 = tpu.vector_load %arg6[%parallel_loop3A_581, %parallel_loop3A_582, %parallel_loop3A_583] {strides = array<i32>} : memref<8x128x64xf32, #tpu.memory_space<vmem>>, vector<1x1x16xf32>,
        %parallel_loop3A_585 = vector.shape_cast %parallel_loop3A_584 : vector<1x1x16xf32> to vector<16xf32>
        %parallel_loop3A_586 = vector.shape_cast %parallel_loop3A_579 : vector<16xf32> to vector<1x1x16xf32>
        tpu.vector_store %arg6[%parallel_loop3A_581, %parallel_loop3A_582, %parallel_loop3A_583], %parallel_loop3A_586 {strides = array<i32>} : memref<8x128x64xf32, #tpu.memory_space<vmem>>, vector<1x1x16xf32>,
        %parallel_loop3A_587 = arith.constant 7 : i32
        %parallel_loop3A_588 = arith.index_cast %parallel_loop3A_587 : i32 to index
        %parallel_loop3A_589 = arith.index_cast %parallel_loop3A_538 : i32 to index
        %parallel_loop3A_590 = arith.constant 48 : index
        %parallel_loop3A_591 = tpu.vector_load %arg6[%parallel_loop3A_588, %parallel_loop3A_589, %parallel_loop3A_590] {strides = array<i32>} : memref<8x128x64xf32, #tpu.memory_space<vmem>>, vector<1x1x16xf32>,
        %parallel_loop3A_592 = vector.shape_cast %parallel_loop3A_591 : vector<1x1x16xf32> to vector<16xf32>
        %parallel_loop3A_593 = arith.constant 8.000000e+00 : f32
        %parallel_loop3A_594 = vector.broadcast %parallel_loop3A_593 : f32 to vector<16xf32>
        %parallel_loop3A_595 = arith.mulf %parallel_loop3A_592, %parallel_loop3A_594 : vector<16xf32>
        %parallel_loop3A_596 = arith.constant 7 : i32
        %parallel_loop3A_597 = arith.index_cast %parallel_loop3A_596 : i32 to index
        %parallel_loop3A_598 = arith.index_cast %parallel_loop3A_538 : i32 to index
        %parallel_loop3A_599 = arith.constant 48 : index
        %parallel_loop3A_600 = tpu.vector_load %arg6[%parallel_loop3A_597, %parallel_loop3A_598, %parallel_loop3A_599] {strides = array<i32>} : memref<8x128x64xf32, #tpu.memory_space<vmem>>, vector<1x1x16xf32>,
        %parallel_loop3A_601 = vector.shape_cast %parallel_loop3A_600 : vector<1x1x16xf32> to vector<16xf32>
        %parallel_loop3A_602 = vector.shape_cast %parallel_loop3A_595 : vector<16xf32> to vector<1x1x16xf32>
        tpu.vector_store %arg6[%parallel_loop3A_597, %parallel_loop3A_598, %parallel_loop3A_599], %parallel_loop3A_602 {strides = array<i32>} : memref<8x128x64xf32, #tpu.memory_space<vmem>>, vector<1x1x16xf32>,
      } {sc.loop_unroll_factor = 4 : i64, sc.parallel_access}
      %add3A_517 = arith.addi %mul3A_2, %multiple_of3A_504 : i32
      %dma_start3A_518 = arith.constant 7 : i32
      %dma_start3A_519 = arith.constant 0 : i32
      %dma_start3A_520 = arith.constant 0 : i32
      %dma_start3A_521 = tpu.memref_slice %arg6[%dma_start3A_518, %dma_start3A_519, %dma_start3A_520] : memref<8x128x64xf32, #tpu.memory_space<vmem>> -> memref<1x128x64xf32, #tpu.memory_space<vmem>>
      %dma_start3A_522 = tpu.memref_squeeze %dma_start3A_521 : memref<1x128x64xf32, #tpu.memory_space<vmem>> -> memref<128x64xf32, #tpu.memory_space<vmem>>
      %dma_start3A_523 = arith.constant 0 : i32
      %dma_start3A_524 = tpu.memref_slice %arg4[%add3A_517, %dma_start3A_523] : memref<819200x64xf32, #tpu.memory_space<hbm>> -> memref<128x64xf32, #tpu.memory_space<hbm>>
      %dma_start3A_525 = arith.constant 0 : i32
      %dma_start3A_526 = tpu.memref_slice %arg4[%add3A_517, %dma_start3A_525] : memref<819200x64xf32, #tpu.memory_space<hbm>> -> memref<128x64xf32, #tpu.memory_space<hbm>>
      %dma_start3A_527 = arith.constant 0 : i32
      %dma_start3A_528 = arith.constant 0 : i32
      %dma_start3A_529 = tpu.memref_slice %arg6[%dma_start3A_518, %dma_start3A_527, %dma_start3A_528] : memref<8x128x64xf32, #tpu.memory_space<vmem>> -> memref<1x128x64xf32, #tpu.memory_space<vmem>>
      %dma_start3A_530 = tpu.memref_squeeze %dma_start3A_529 : memref<1x128x64xf32, #tpu.memory_space<vmem>> -> memref<128x64xf32, #tpu.memory_space<vmem>>
      tpu.enqueue_dma source(%dma_start3A_530 : memref<128x64xf32, #tpu.memory_space<vmem>>) target(%dma_start3A_526 : memref<128x64xf32, #tpu.memory_space<hbm>>) target_semaphore(%arg22 : memref<!tpu.dma_semaphore, #tpu.memory_space<semaphore_mem>>)
      %add3A_531 = arith.constant 8 : i32
      %add3A_532 = arith.addi %add3A_501, %add3A_531 : i32
      %lt3A_533 = arith.constant 200 : i32
      %lt3A_534 = arith.cmpi slt, %add3A_532, %lt3A_533 : i32
      %convert_element_type3A_535 = arith.extui %lt3A_534 : i1 to i32
      %cond3A_536 = arith.constant 0 : i32
      %cond3A_537 = arith.cmpi ne, %convert_element_type3A_535, %cond3A_536 : i32
      scf.if %cond3A_537 {
        %add3A_538 = arith.addi %mul3A_2, %multiple_of3A_504 : i32
        %dma_wait3A_539 = arith.constant 7 : i32
        %dma_wait3A_540 = arith.constant 0 : i32
        %dma_wait3A_541 = arith.constant 0 : i32
        %dma_wait3A_542 = tpu.memref_slice %arg6[%dma_wait3A_539, %dma_wait3A_540, %dma_wait3A_541] : memref<8x128x64xf32, #tpu.memory_space<vmem>> -> memref<1x128x64xf32, #tpu.memory_space<vmem>>
        %dma_wait3A_543 = tpu.memref_squeeze %dma_wait3A_542 : memref<1x128x64xf32, #tpu.memory_space<vmem>> -> memref<128x64xf32, #tpu.memory_space<vmem>>
        %dma_wait3A_544 = arith.constant 0 : i32
        %dma_wait3A_545 = tpu.memref_slice %arg4[%add3A_538, %dma_wait3A_544] : memref<819200x64xf32, #tpu.memory_space<hbm>> -> memref<128x64xf32, #tpu.memory_space<hbm>>
        %dma_wait3A_546 = arith.constant 0 : i32
        %dma_wait3A_547 = tpu.memref_slice %arg4[%add3A_538, %dma_wait3A_546] : memref<819200x64xf32, #tpu.memory_space<hbm>> -> memref<128x64xf32, #tpu.memory_space<hbm>>
        %dma_wait3A_548 = arith.constant 0 : i32
        %dma_wait3A_549 = arith.constant 0 : i32
        %dma_wait3A_550 = tpu.memref_slice %arg6[%dma_wait3A_539, %dma_wait3A_548, %dma_wait3A_549] : memref<8x128x64xf32, #tpu.memory_space<vmem>> -> memref<1x128x64xf32, #tpu.memory_space<vmem>>
        %dma_wait3A_551 = tpu.memref_squeeze %dma_wait3A_550 : memref<1x128x64xf32, #tpu.memory_space<vmem>> -> memref<128x64xf32, #tpu.memory_space<vmem>>
        tpu.wait_dma2 semaphore(%arg22 : memref<!tpu.dma_semaphore, #tpu.memory_space<semaphore_mem>>) src(%dma_wait3A_551 : memref<128x64xf32, #tpu.memory_space<vmem>>) dst(%dma_wait3A_547 : memref<128x64xf32, #tpu.memory_space<hbm>>)
        %mul3A_552 = arith.constant 128 : i32
        %mul3A_553 = arith.muli %add3A_532, %mul3A_552 : i32
        %multiple_of3A_554 = tpu.assume_multiple %mul3A_553, 128 : i32
        %dma_start3A_555 = arith.constant 7 : i32
        %dma_start3A_556 = arith.constant 0 : i32
        %dma_start3A_557 = arith.constant 0 : i32
        %dma_start3A_558 = tpu.memref_slice %arg6[%dma_start3A_555, %dma_start3A_556, %dma_start3A_557] : memref<8x128x64xf32, #tpu.memory_space<vmem>> -> memref<1x128x64xf32, #tpu.memory_space<vmem>>
        %dma_start3A_559 = tpu.memref_squeeze %dma_start3A_558 : memref<1x128x64xf32, #tpu.memory_space<vmem>> -> memref<128x64xf32, #tpu.memory_space<vmem>>
        %dma_start3A_560 = tpu.memref_slice %arg5[%multiple_of3A_554] : memref<25600xi32, #tpu.memory_space<vmem>> -> memref<128xi32, #tpu.memory_space<vmem>>
        %dma_start3A_561 = arith.constant 0 : i32
        %dma_start3A_562 = arith.constant 0 : i32
        %dma_start3A_563 = tpu.memref_slice %arg2[%dma_start3A_561, %dma_start3A_562] : memref<1000000x64xf32, #tpu.memory_space<hbm>> -> memref<1000000x64xf32, #tpu.memory_space<hbm>>
        tpu.enqueue_indirect_dma source(%dma_start3A_563 : memref<1000000x64xf32, #tpu.memory_space<hbm>>) target(%dma_start3A_559 : memref<128x64xf32, #tpu.memory_space<vmem>>) offsets(%dma_start3A_560 : memref<128xi32, #tpu.memory_space<vmem>>) semaphore(%arg14 : memref<!tpu.dma_semaphore, #tpu.memory_space<semaphore_mem>>)
      } else {
      }
    }
    %scan3A_93 = arith.constant 25 : i32
    %multiple_of3A_94 = arith.constant 24576 : i32
    %multiple_of3A_95 = tpu.assume_multiple %multiple_of3A_94, 128 : i32
    %add3A_96 = arith.addi %mul3A_2, %multiple_of3A_95 : i32
    %dma_wait3A = arith.constant 0 : i32
    %dma_wait3A_97 = arith.constant 0 : i32
    %dma_wait3A_98 = arith.constant 0 : i32
    %dma_wait3A_99 = tpu.memref_slice %arg6[%dma_wait3A, %dma_wait3A_97, %dma_wait3A_98] : memref<8x128x64xf32, #tpu.memory_space<vmem>> -> memref<1x128x64xf32, #tpu.memory_space<vmem>>
    %dma_wait3A_100 = tpu.memref_squeeze %dma_wait3A_99 : memref<1x128x64xf32, #tpu.memory_space<vmem>> -> memref<128x64xf32, #tpu.memory_space<vmem>>
    %dma_wait3A_101 = arith.constant 0 : i32
    %dma_wait3A_102 = tpu.memref_slice %arg4[%add3A_96, %dma_wait3A_101] : memref<819200x64xf32, #tpu.memory_space<hbm>> -> memref<128x64xf32, #tpu.memory_space<hbm>>
    %dma_wait3A_103 = arith.constant 0 : i32
    %dma_wait3A_104 = tpu.memref_slice %arg4[%add3A_96, %dma_wait3A_103] : memref<819200x64xf32, #tpu.memory_space<hbm>> -> memref<128x64xf32, #tpu.memory_space<hbm>>
    %dma_wait3A_105 = arith.constant 0 : i32
    %dma_wait3A_106 = arith.constant 0 : i32
    %dma_wait3A_107 = tpu.memref_slice %arg6[%dma_wait3A, %dma_wait3A_105, %dma_wait3A_106] : memref<8x128x64xf32, #tpu.memory_space<vmem>> -> memref<1x128x64xf32, #tpu.memory_space<vmem>>
    %dma_wait3A_108 = tpu.memref_squeeze %dma_wait3A_107 : memref<1x128x64xf32, #tpu.memory_space<vmem>> -> memref<128x64xf32, #tpu.memory_space<vmem>>
    tpu.wait_dma2 semaphore(%arg15 : memref<!tpu.dma_semaphore, #tpu.memory_space<semaphore_mem>>) src(%dma_wait3A_108 : memref<128x64xf32, #tpu.memory_space<vmem>>) dst(%dma_wait3A_104 : memref<128x64xf32, #tpu.memory_space<hbm>>)
    %multiple_of3A_109 = arith.constant 24704 : i32
    %multiple_of3A_110 = tpu.assume_multiple %multiple_of3A_109, 128 : i32
    %add3A_111 = arith.addi %mul3A_2, %multiple_of3A_110 : i32
    %dma_wait3A_112 = arith.constant 1 : i32
    %dma_wait3A_113 = arith.constant 0 : i32
    %dma_wait3A_114 = arith.constant 0 : i32
    %dma_wait3A_115 = tpu.memref_slice %arg6[%dma_wait3A_112, %dma_wait3A_113, %dma_wait3A_114] : memref<8x128x64xf32, #tpu.memory_space<vmem>> -> memref<1x128x64xf32, #tpu.memory_space<vmem>>
    %dma_wait3A_116 = tpu.memref_squeeze %dma_wait3A_115 : memref<1x128x64xf32, #tpu.memory_space<vmem>> -> memref<128x64xf32, #tpu.memory_space<vmem>>
    %dma_wait3A_117 = arith.constant 0 : i32
    %dma_wait3A_118 = tpu.memref_slice %arg4[%add3A_111, %dma_wait3A_117] : memref<819200x64xf32, #tpu.memory_space<hbm>> -> memref<128x64xf32, #tpu.memory_space<hbm>>
    %dma_wait3A_119 = arith.constant 0 : i32
    %dma_wait3A_120 = tpu.memref_slice %arg4[%add3A_111, %dma_wait3A_119] : memref<819200x64xf32, #tpu.memory_space<hbm>> -> memref<128x64xf32, #tpu.memory_space<hbm>>
    %dma_wait3A_121 = arith.constant 0 : i32
    %dma_wait3A_122 = arith.constant 0 : i32
    %dma_wait3A_123 = tpu.memref_slice %arg6[%dma_wait3A_112, %dma_wait3A_121, %dma_wait3A_122] : memref<8x128x64xf32, #tpu.memory_space<vmem>> -> memref<1x128x64xf32, #tpu.memory_space<vmem>>
    %dma_wait3A_124 = tpu.memref_squeeze %dma_wait3A_123 : memref<1x128x64xf32, #tpu.memory_space<vmem>> -> memref<128x64xf32, #tpu.memory_space<vmem>>
    tpu.wait_dma2 semaphore(%arg16 : memref<!tpu.dma_semaphore, #tpu.memory_space<semaphore_mem>>) src(%dma_wait3A_124 : memref<128x64xf32, #tpu.memory_space<vmem>>) dst(%dma_wait3A_120 : memref<128x64xf32, #tpu.memory_space<hbm>>)
    %multiple_of3A_125 = arith.constant 24832 : i32
    %multiple_of3A_126 = tpu.assume_multiple %multiple_of3A_125, 128 : i32
    %add3A_127 = arith.addi %mul3A_2, %multiple_of3A_126 : i32
    %dma_wait3A_128 = arith.constant 2 : i32
    %dma_wait3A_129 = arith.constant 0 : i32
    %dma_wait3A_130 = arith.constant 0 : i32
    %dma_wait3A_131 = tpu.memref_slice %arg6[%dma_wait3A_128, %dma_wait3A_129, %dma_wait3A_130] : memref<8x128x64xf32, #tpu.memory_space<vmem>> -> memref<1x128x64xf32, #tpu.memory_space<vmem>>
    %dma_wait3A_132 = tpu.memref_squeeze %dma_wait3A_131 : memref<1x128x64xf32, #tpu.memory_space<vmem>> -> memref<128x64xf32, #tpu.memory_space<vmem>>
    %dma_wait3A_133 = arith.constant 0 : i32
    %dma_wait3A_134 = tpu.memref_slice %arg4[%add3A_127, %dma_wait3A_133] : memref<819200x64xf32, #tpu.memory_space<hbm>> -> memref<128x64xf32, #tpu.memory_space<hbm>>
    %dma_wait3A_135 = arith.constant 0 : i32
    %dma_wait3A_136 = tpu.memref_slice %arg4[%add3A_127, %dma_wait3A_135] : memref<819200x64xf32, #tpu.memory_space<hbm>> -> memref<128x64xf32, #tpu.memory_space<hbm>>
    %dma_wait3A_137 = arith.constant 0 : i32
    %dma_wait3A_138 = arith.constant 0 : i32
    %dma_wait3A_139 = tpu.memref_slice %arg6[%dma_wait3A_128, %dma_wait3A_137, %dma_wait3A_138] : memref<8x128x64xf32, #tpu.memory_space<vmem>> -> memref<1x128x64xf32, #tpu.memory_space<vmem>>
    %dma_wait3A_140 = tpu.memref_squeeze %dma_wait3A_139 : memref<1x128x64xf32, #tpu.memory_space<vmem>> -> memref<128x64xf32, #tpu.memory_space<vmem>>
    tpu.wait_dma2 semaphore(%arg17 : memref<!tpu.dma_semaphore, #tpu.memory_space<semaphore_mem>>) src(%dma_wait3A_140 : memref<128x64xf32, #tpu.memory_space<vmem>>) dst(%dma_wait3A_136 : memref<128x64xf32, #tpu.memory_space<hbm>>)
    %multiple_of3A_141 = arith.constant 24960 : i32
    %multiple_of3A_142 = tpu.assume_multiple %multiple_of3A_141, 128 : i32
    %add3A_143 = arith.addi %mul3A_2, %multiple_of3A_142 : i32
    %dma_wait3A_144 = arith.constant 3 : i32
    %dma_wait3A_145 = arith.constant 0 : i32
    %dma_wait3A_146 = arith.constant 0 : i32
    %dma_wait3A_147 = tpu.memref_slice %arg6[%dma_wait3A_144, %dma_wait3A_145, %dma_wait3A_146] : memref<8x128x64xf32, #tpu.memory_space<vmem>> -> memref<1x128x64xf32, #tpu.memory_space<vmem>>
    %dma_wait3A_148 = tpu.memref_squeeze %dma_wait3A_147 : memref<1x128x64xf32, #tpu.memory_space<vmem>> -> memref<128x64xf32, #tpu.memory_space<vmem>>
    %dma_wait3A_149 = arith.constant 0 : i32
    %dma_wait3A_150 = tpu.memref_slice %arg4[%add3A_143, %dma_wait3A_149] : memref<819200x64xf32, #tpu.memory_space<hbm>> -> memref<128x64xf32, #tpu.memory_space<hbm>>
    %dma_wait3A_151 = arith.constant 0 : i32
    %dma_wait3A_152 = tpu.memref_slice %arg4[%add3A_143, %dma_wait3A_151] : memref<819200x64xf32, #tpu.memory_space<hbm>> -> memref<128x64xf32, #tpu.memory_space<hbm>>
    %dma_wait3A_153 = arith.constant 0 : i32
    %dma_wait3A_154 = arith.constant 0 : i32
    %dma_wait3A_155 = tpu.memref_slice %arg6[%dma_wait3A_144, %dma_wait3A_153, %dma_wait3A_154] : memref<8x128x64xf32, #tpu.memory_space<vmem>> -> memref<1x128x64xf32, #tpu.memory_space<vmem>>
    %dma_wait3A_156 = tpu.memref_squeeze %dma_wait3A_155 : memref<1x128x64xf32, #tpu.memory_space<vmem>> -> memref<128x64xf32, #tpu.memory_space<vmem>>
    tpu.wait_dma2 semaphore(%arg18 : memref<!tpu.dma_semaphore, #tpu.memory_space<semaphore_mem>>) src(%dma_wait3A_156 : memref<128x64xf32, #tpu.memory_space<vmem>>) dst(%dma_wait3A_152 : memref<128x64xf32, #tpu.memory_space<hbm>>)
    %multiple_of3A_157 = arith.constant 25088 : i32
    %multiple_of3A_158 = tpu.assume_multiple %multiple_of3A_157, 128 : i32
    %add3A_159 = arith.addi %mul3A_2, %multiple_of3A_158 : i32
    %dma_wait3A_160 = arith.constant 4 : i32
    %dma_wait3A_161 = arith.constant 0 : i32
    %dma_wait3A_162 = arith.constant 0 : i32
    %dma_wait3A_163 = tpu.memref_slice %arg6[%dma_wait3A_160, %dma_wait3A_161, %dma_wait3A_162] : memref<8x128x64xf32, #tpu.memory_space<vmem>> -> memref<1x128x64xf32, #tpu.memory_space<vmem>>
    %dma_wait3A_164 = tpu.memref_squeeze %dma_wait3A_163 : memref<1x128x64xf32, #tpu.memory_space<vmem>> -> memref<128x64xf32, #tpu.memory_space<vmem>>
    %dma_wait3A_165 = arith.constant 0 : i32
    %dma_wait3A_166 = tpu.memref_slice %arg4[%add3A_159, %dma_wait3A_165] : memref<819200x64xf32, #tpu.memory_space<hbm>> -> memref<128x64xf32, #tpu.memory_space<hbm>>
    %dma_wait3A_167 = arith.constant 0 : i32
    %dma_wait3A_168 = tpu.memref_slice %arg4[%add3A_159, %dma_wait3A_167] : memref<819200x64xf32, #tpu.memory_space<hbm>> -> memref<128x64xf32, #tpu.memory_space<hbm>>
    %dma_wait3A_169 = arith.constant 0 : i32
    %dma_wait3A_170 = arith.constant 0 : i32
    %dma_wait3A_171 = tpu.memref_slice %arg6[%dma_wait3A_160, %dma_wait3A_169, %dma_wait3A_170] : memref<8x128x64xf32, #tpu.memory_space<vmem>> -> memref<1x128x64xf32, #tpu.memory_space<vmem>>
    %dma_wait3A_172 = tpu.memref_squeeze %dma_wait3A_171 : memref<1x128x64xf32, #tpu.memory_space<vmem>> -> memref<128x64xf32, #tpu.memory_space<vmem>>
    tpu.wait_dma2 semaphore(%arg19 : memref<!tpu.dma_semaphore, #tpu.memory_space<semaphore_mem>>) src(%dma_wait3A_172 : memref<128x64xf32, #tpu.memory_space<vmem>>) dst(%dma_wait3A_168 : memref<128x64xf32, #tpu.memory_space<hbm>>)
    %multiple_of3A_173 = arith.constant 25216 : i32
    %multiple_of3A_174 = tpu.assume_multiple %multiple_of3A_173, 128 : i32
    %add3A_175 = arith.addi %mul3A_2, %multiple_of3A_174 : i32
    %dma_wait3A_176 = arith.constant 5 : i32
    %dma_wait3A_177 = arith.constant 0 : i32
    %dma_wait3A_178 = arith.constant 0 : i32
    %dma_wait3A_179 = tpu.memref_slice %arg6[%dma_wait3A_176, %dma_wait3A_177, %dma_wait3A_178] : memref<8x128x64xf32, #tpu.memory_space<vmem>> -> memref<1x128x64xf32, #tpu.memory_space<vmem>>
    %dma_wait3A_180 = tpu.memref_squeeze %dma_wait3A_179 : memref<1x128x64xf32, #tpu.memory_space<vmem>> -> memref<128x64xf32, #tpu.memory_space<vmem>>
    %dma_wait3A_181 = arith.constant 0 : i32
    %dma_wait3A_182 = tpu.memref_slice %arg4[%add3A_175, %dma_wait3A_181] : memref<819200x64xf32, #tpu.memory_space<hbm>> -> memref<128x64xf32, #tpu.memory_space<hbm>>
    %dma_wait3A_183 = arith.constant 0 : i32
    %dma_wait3A_184 = tpu.memref_slice %arg4[%add3A_175, %dma_wait3A_183] : memref<819200x64xf32, #tpu.memory_space<hbm>> -> memref<128x64xf32, #tpu.memory_space<hbm>>
    %dma_wait3A_185 = arith.constant 0 : i32
    %dma_wait3A_186 = arith.constant 0 : i32
    %dma_wait3A_187 = tpu.memref_slice %arg6[%dma_wait3A_176, %dma_wait3A_185, %dma_wait3A_186] : memref<8x128x64xf32, #tpu.memory_space<vmem>> -> memref<1x128x64xf32, #tpu.memory_space<vmem>>
    %dma_wait3A_188 = tpu.memref_squeeze %dma_wait3A_187 : memref<1x128x64xf32, #tpu.memory_space<vmem>> -> memref<128x64xf32, #tpu.memory_space<vmem>>
    tpu.wait_dma2 semaphore(%arg20 : memref<!tpu.dma_semaphore, #tpu.memory_space<semaphore_mem>>) src(%dma_wait3A_188 : memref<128x64xf32, #tpu.memory_space<vmem>>) dst(%dma_wait3A_184 : memref<128x64xf32, #tpu.memory_space<hbm>>)
    %multiple_of3A_189 = arith.constant 25344 : i32
    %multiple_of3A_190 = tpu.assume_multiple %multiple_of3A_189, 128 : i32
    %add3A_191 = arith.addi %mul3A_2, %multiple_of3A_190 : i32
    %dma_wait3A_192 = arith.constant 6 : i32
    %dma_wait3A_193 = arith.constant 0 : i32
    %dma_wait3A_194 = arith.constant 0 : i32
    %dma_wait3A_195 = tpu.memref_slice %arg6[%dma_wait3A_192, %dma_wait3A_193, %dma_wait3A_194] : memref<8x128x64xf32, #tpu.memory_space<vmem>> -> memref<1x128x64xf32, #tpu.memory_space<vmem>>
    %dma_wait3A_196 = tpu.memref_squeeze %dma_wait3A_195 : memref<1x128x64xf32, #tpu.memory_space<vmem>> -> memref<128x64xf32, #tpu.memory_space<vmem>>
    %dma_wait3A_197 = arith.constant 0 : i32
    %dma_wait3A_198 = tpu.memref_slice %arg4[%add3A_191, %dma_wait3A_197] : memref<819200x64xf32, #tpu.memory_space<hbm>> -> memref<128x64xf32, #tpu.memory_space<hbm>>
    %dma_wait3A_199 = arith.constant 0 : i32
    %dma_wait3A_200 = tpu.memref_slice %arg4[%add3A_191, %dma_wait3A_199] : memref<819200x64xf32, #tpu.memory_space<hbm>> -> memref<128x64xf32, #tpu.memory_space<hbm>>
    %dma_wait3A_201 = arith.constant 0 : i32
    %dma_wait3A_202 = arith.constant 0 : i32
    %dma_wait3A_203 = tpu.memref_slice %arg6[%dma_wait3A_192, %dma_wait3A_201, %dma_wait3A_202] : memref<8x128x64xf32, #tpu.memory_space<vmem>> -> memref<1x128x64xf32, #tpu.memory_space<vmem>>
    %dma_wait3A_204 = tpu.memref_squeeze %dma_wait3A_203 : memref<1x128x64xf32, #tpu.memory_space<vmem>> -> memref<128x64xf32, #tpu.memory_space<vmem>>
    tpu.wait_dma2 semaphore(%arg21 : memref<!tpu.dma_semaphore, #tpu.memory_space<semaphore_mem>>) src(%dma_wait3A_204 : memref<128x64xf32, #tpu.memory_space<vmem>>) dst(%dma_wait3A_200 : memref<128x64xf32, #tpu.memory_space<hbm>>)
    %multiple_of3A_205 = arith.constant 25472 : i32
    %multiple_of3A_206 = tpu.assume_multiple %multiple_of3A_205, 128 : i32
    %add3A_207 = arith.addi %mul3A_2, %multiple_of3A_206 : i32
    %dma_wait3A_208 = arith.constant 7 : i32
    %dma_wait3A_209 = arith.constant 0 : i32
    %dma_wait3A_210 = arith.constant 0 : i32
    %dma_wait3A_211 = tpu.memref_slice %arg6[%dma_wait3A_208, %dma_wait3A_209, %dma_wait3A_210] : memref<8x128x64xf32, #tpu.memory_space<vmem>> -> memref<1x128x64xf32, #tpu.memory_space<vmem>>
    %dma_wait3A_212 = tpu.memref_squeeze %dma_wait3A_211 : memref<1x128x64xf32, #tpu.memory_space<vmem>> -> memref<128x64xf32, #tpu.memory_space<vmem>>
    %dma_wait3A_213 = arith.constant 0 : i32
    %dma_wait3A_214 = tpu.memref_slice %arg4[%add3A_207, %dma_wait3A_213] : memref<819200x64xf32, #tpu.memory_space<hbm>> -> memref<128x64xf32, #tpu.memory_space<hbm>>
    %dma_wait3A_215 = arith.constant 0 : i32
    %dma_wait3A_216 = tpu.memref_slice %arg4[%add3A_207, %dma_wait3A_215] : memref<819200x64xf32, #tpu.memory_space<hbm>> -> memref<128x64xf32, #tpu.memory_space<hbm>>
    %dma_wait3A_217 = arith.constant 0 : i32
    %dma_wait3A_218 = arith.constant 0 : i32
    %dma_wait3A_219 = tpu.memref_slice %arg6[%dma_wait3A_208, %dma_wait3A_217, %dma_wait3A_218] : memref<8x128x64xf32, #tpu.memory_space<vmem>> -> memref<1x128x64xf32, #tpu.memory_space<vmem>>
    %dma_wait3A_220 = tpu.memref_squeeze %dma_wait3A_219 : memref<1x128x64xf32, #tpu.memory_space<vmem>> -> memref<128x64xf32, #tpu.memory_space<vmem>>
    tpu.wait_dma2 semaphore(%arg22 : memref<!tpu.dma_semaphore, #tpu.memory_space<semaphore_mem>>) src(%dma_wait3A_220 : memref<128x64xf32, #tpu.memory_space<vmem>>) dst(%dma_wait3A_216 : memref<128x64xf32, #tpu.memory_space<hbm>>)
    return
  }
}

</mosaic_0001>

<sc_bundles>
// kernel: kernel.3.cloned.1.call-start
scs
__scs_entry_jumppad:
0x0: {  	(pc) =	sbr.rel $0x88, $3  }
0x1: {  	(tag) =	ssettag $0x0;
	lr =	simm.s32 $0x1  }
0x2: {  	[smem:$0x3F9F] =	sst lr;
	_ =	strace $0xD0000000  }
0x3: {  	_ = 	snop  }
0x4: {  	_ = 	snop  }
0x5: {  	_ = 	snop  }
0x6: {  	_ = 	snop  }
0x7: {  	_ = 	snop  }
__scs_overlays_trampoline_lowered:
0x8: {  	[smem:$0x3FAE] =	sst s0  }
0x9: {  	[smem:$0x3FAF] =	sst s1  }
0xa: {  	[smem:$0x3FB0] =	sst s2  }
0xb: {  	[smem:$0x3FB1] =	sst s3  }
0xc: {  	[smem:$0x3FB2] =	sst s4  }
0xd: {  	[smem:$0x3FB3] =	sst s5  }
0xe: {  	[smem:$0x3FB4] =	sst s6  }
0xf: {  	[smem:$0x3FB5] =	sst s7  }
0x10: {  	[smem:$0x3FB6] =	sst s8  }
0x11: {  	[smem:$0x3FB7] =	sst s9;
	s0 =	simm.s32 @!p0 $0x0  }
0x12: {  	s1 =	sld [smem:$0x3F9D];
	s0 =	simm.s32 @p0 $0x1  }
0x13: {  	[smem:$0x3FB8] =	sst s0;
	s0 =	simm.s32 @!p1 $0x0  }
0x14: {  	s2 =	sld [smem:$0x3F9C];
	s0 =	simm.s32 @p1 $0x1  }
0x15: {  	[smem:$0x3FB9] =	sst s0;
	s0 =	simm.s32 @!p2 $0x0  }
0x16: {  	s3 =	sld [smem:$0x3FDB];
	s0 =	simm.s32 @p2 $0x1  }
0x17: {  	s4 =	simm.s32 $0x1BF5;
	[smem:$0x3FBB] =	sst s0  }
0x18: {  	s0 =	sld [smem:$0x3F9E];
	_ =	swait.ge [sflag:s4], $0x0  }
0x19: {  	s7 =	sld [smem:$0x3F9F]  }
0x1a: {  	s8 =	sadd.s32 $0xFFFFE003, lr  }
0x1b: {  	s9 =	sadd.s32 $0xFFFFFEF7, lr;
	s5 =	simm.s32 $0xFFFFFFFF;
	p2 =	slt.u32 s8, $0xFFFFF086  }
0x1c: {  	p1 =	slt.u32 s9, $0xF7A;
	s5 =	simm.s32 @!p2 $0x0  }
0x1d: {  	s5 =	simm.s32 @p1 $0x1;
	p0 =	seq.s32 s7, s2  }
0x1e: {  	s7 =	smul.u32 @!p0 $0xF7A, s2;
	p2 =	seq.s32 @!p0 s5, $0x0  }
0x1f: {  	s9 =	smul.u32 $0xF7A, s1;
	s8 =	simm.s32 @!p0 $0x1BF5;
	p2 =	por !p2, p0  }
0x20: {  	[sflag:s8] =	ssyncset.s32 @!p0 $0xFFFFF086;
	s6 =	sadd.s32 @!p0 s3, s7;
	s7 =	simm.s32 @!p0 $0x108  }
0x21: {  	s3 =	sadd.s32 s3, s9;
	s6 =	sadd.s32 @!p0 $0x88, s6;
	s7 =	simm.s32 @p2 $0x1082  }
0x22: {  	[simem:s7], [sflag:s8] =	dma.local @!p0 [hbm:s6], $0xF7A  }
0x23: {  	s9 =	sor.u32 $0xD0000000, s2;
	s6 =	simm.s32 $0x108;
	_ =	swait.ge @!p0 [sflag:s8], $0x0  }
0x24: {  	s3 =	sadd.s32 $0x88, s3;
	s6 =	simm.s32 @!p1 $0x1082;
	[sflag:s4] =	ssyncset.s32 $0xFFFFF086  }
0x25: {  	[simem:s6], [sflag:s4] =	dma.local [hbm:s3], $0xF7A  }
0x26: {  	[smem:$0x3F9F] =	sst s1;
	(tag) =	ssettag s2;
	_ =	strace s9  }
0x27: {  	s1 =	sld [smem:$0x3FAF]  }
0x28: {  	s2 =	sld [smem:$0x3FB0]  }
0x29: {  	s4 =	sld [smem:$0x3FB2]  }
0x2a: {  	p0 =	seq.s32 s5, $0x0;
	s5 =	sld [smem:$0x3FB3]  }
0x2b: {  	s6 =	sld [smem:$0x3FB4]  }
0x2c: {  	s7 =	sld [smem:$0x3FB5]  }
0x2d: {  	s3 =	simm.s32 $0x108;
	s8 =	sld [smem:$0x3FB6]  }
0x2e: {  	s3 =	simm.s32 @!p0 $0x1082;
	s9 =	sld [smem:$0x3FB7]  }
0x2f: {  	lr =	sadd.s32 s0, s3;
	s0 =	sld [smem:$0x3FAE]  }
0x30: {  	s3 =	sld [smem:$0x3FB1]  }
0x31: {  	[smem:$0x3FBA] =	sst s10  }
0x32: {  	s10 =	sld [smem:$0x3FB8];
	_ =	sdelay $0x3  }
0x33: {  	p0 =	seq.s32 s10, $0x1;
	s10 =	sld [smem:$0x3FBA];
	_ =	sdelay $0x3  }
0x34: {  	[smem:$0x3FBA] =	sst s10  }
0x35: {  	s10 =	sld [smem:$0x3FB9];
	_ =	sdelay $0x3  }
0x36: {  	p1 =	seq.s32 s10, $0x1;
	s10 =	sld [smem:$0x3FBA];
	_ =	sdelay $0x3  }
0x37: {  	[smem:$0x3FBA] =	sst s10  }
0x38: {  	s10 =	sld [smem:$0x3FBB]  }
0x39: {  	_ = 	snop;
	(pc) =	sbr.ind lr, $3  }
0x3a: {  	_ = 	snop  }
0x3b: {  	_ = 	snop  }
0x3c: {  	p2 =	seq.s32 s10, $0x1;
	s10 =	sld [smem:$0x3FBA]  }
0x3d: {  	_ =	shalt  }
0x3e: {  	_ =	shalt  }
0x3f: {  	_ =	shalt  }
0x40: {  	_ =	shalt  }
0x41: {  	_ =	shalt  }
0x42: {  	_ =	shalt  }
0x43: {  	_ =	shalt  }
0x44: {  	_ =	shalt  }
0x45: {  	_ =	shalt  }
0x46: {  	_ =	shalt  }
0x47: {  	_ =	shalt  }
0x48: {  	_ =	shalt  }
0x49: {  	_ =	shalt  }
0x4a: {  	_ =	shalt  }
0x4b: {  	_ =	shalt  }
0x4c: {  	_ =	shalt  }
0x4d: {  	_ =	shalt  }
0x4e: {  	_ =	shalt  }
0x4f: {  	_ =	shalt  }
0x50: {  	_ =	shalt  }
0x51: {  	_ =	shalt  }
0x52: {  	_ =	shalt  }
0x53: {  	_ =	shalt  }
0x54: {  	_ =	shalt  }
0x55: {  	_ =	shalt  }
0x56: {  	_ =	shalt  }
0x57: {  	_ =	shalt  }
0x58: {  	_ =	shalt  }
0x59: {  	_ =	shalt  }
0x5a: {  	_ =	shalt  }
0x5b: {  	_ =	shalt  }
0x5c: {  	_ =	shalt  }
0x5d: {  	_ =	shalt  }
0x5e: {  	_ =	shalt  }
0x5f: {  	_ =	shalt  }
0x60: {  	_ =	shalt  }
0x61: {  	_ =	shalt  }
0x62: {  	_ =	shalt  }
0x63: {  	_ =	shalt  }
0x64: {  	_ =	shalt  }
0x65: {  	_ =	shalt  }
0x66: {  	_ =	shalt  }
0x67: {  	_ =	shalt  }
0x68: {  	_ =	shalt  }
0x69: {  	_ =	shalt  }
0x6a: {  	_ =	shalt  }
0x6b: {  	_ =	shalt  }
0x6c: {  	_ =	shalt  }
0x6d: {  	_ =	shalt  }
0x6e: {  	_ =	shalt  }
0x6f: {  	_ =	shalt  }
0x70: {  	_ =	shalt  }
0x71: {  	_ =	shalt  }
0x72: {  	_ =	shalt  }
0x73: {  	_ =	shalt  }
0x74: {  	_ =	shalt  }
0x75: {  	_ =	shalt  }
0x76: {  	_ =	shalt  }
0x77: {  	_ =	shalt  }
0x78: {  	_ =	shalt  }
0x79: {  	_ =	shalt  }
0x7a: {  	_ =	shalt  }
0x7b: {  	_ =	shalt  }
0x7c: {  	_ =	shalt  }
0x7d: {  	_ =	shalt  }
0x7e: {  	_ =	shalt  }
0x7f: {  	_ =	shalt  }
0x80: {  	_ =	shalt  }
0x81: {  	_ =	shalt  }
0x82: {  	_ =	shalt  }
0x83: {  	_ =	shalt  }
0x84: {  	_ =	shalt  }
0x85: {  	_ =	shalt  }
0x86: {  	_ =	shalt  }
0x87: {  	_ =	shalt  }
.Lfunc_end0:
.L_simem_size_0:
called_computation.1_lowered:
.L_overlay_start_0:
0x88: {  	s2 =	sld [smem:$0x3FD9]  }
0x89: {  	s3 =	sld [smem:$0x3FFE];
	_ =	sdelay $0x1  }
0x8a: {  	s1 =	srdreg.scid  }
0x8b: {  	s0 =	sand.u32 $0x1, s1  }
0x8c: {  	s17 =	sshll.u32 s0, $0xA;
	s2 =	sadd.s32 s3, s2  }
0x8d: {  	s2 =	sadd.s32 s2, s17  }
0x8e: {  	[smem:$0x3FC6] =	sst s2  }
0x8f: {  	_ = 	snop  }
0x90: {  	s2 =	sld [smem:$0x3FD0];
	(tm) =	ssettm $0x1  }
0x91: {  	s18 =	sld [smem:$0x3FFB];
	_ =	sdelay $0x3  }
0x92: {  	_ =	strace s18  }
0x93: {  	s3 =	sld [smem:$0x3FFC];
	_ =	sdelay $0x3  }
0x94: {  	_ =	strace s3  }
0x95: {  	s3 =	sld [smem:$0x3FFD];
	_ =	sdelay $0x3  }
0x96: {  	_ =	strace s3  }
0x97: {  	_ =	strace $0x8FFFFFFF  }
0x98: {  	s19 =	sld [smem:$0x3FDB];
	_ =	sdelay $0x1  }
0x99: {  	s4 =	simm.s32 $_scs_section_size  }
0x9a: {  	s5 =	simm.s32 $_size__tile_overlayer_lowered;
	s6 =	simm.s32 $_tile_overlayer_lowered  }
0x9b: {  	s22 =	simm.s32 $0x1BFF;
	s21 =	sshll.u32 s6, $0x1;
	s3 =	sadd.s32 s4, s19  }
0x9c: {  	s7 =	simm.s32 $0x0;
	s20 =	sshll.u32 s5, $0x1;
	s5 =	sadd.s32 s21, s3  }
0x9d: {  	[timem:s7], [sflag:s22] =	dma.local [hbm:s5], s20  }
0x9e: {  	_ =	swait.ge [sflag:s22], s20  }
0x9f: {  	s4 =	ssub.s32 $0x0, s20;
	[sflag:s22] =	ssyncset.done $0x0  }
0xa0: {  	[sflag:s22] =	ssyncadd.s32 s4;
	_ =	sdelay $0x1  }
0xa1: {  	s23 =	simm.s32 $0x1B8B  }
0xa2: {  	_ =	swait.ge [sflag:s23], $0x1  }
0xa3: {  	[sflag:s23] =	ssyncset.done $0x0  }
0xa4: {  	s25 =	simm.s32 $0x1B8E;
	s24 =	sld [smem:$0x3FFE];
	[sflag:s23] =	ssyncadd.s32 $0xFFFFFFFF  }
0xa5: {  	s26 =	simm.s32 $execute0_lowered;
	[smem:$0x3FD2] =	sst s25  }
0xa6: {  	s5 =	sshll.u32 s26, $0x1;
	_ =	strace $0x80000046;
	[dreg:$0x1] =	wrdreg $0xFFFFFFFF  }
0xa7: {  	s28 =	simm.s32 $_size_execute0_lowered;
	s3 =	sadd.s32 s3, s5;
	[dreg:$0x0] =	wrdreg $0x0  }
0xa8: {  	s5 =	sshll.u32 s28, $0x1;
	[dreg:$0x2] =	wrdreg s3  }
0xa9: {  	[dreg:$0x3] =	wrdreg s5  }
0xaa: {  	[dreg:$0x4] =	wrdreg $0xC0  }
0xab: {  	_ =	task [dreg:s7], $0x5FFFF  }
0xac: {  	[dreg:$0x1] =	wrdreg $0xFFFFFFFF  }
0xad: {  	[dreg:$0x0] =	wrdreg $0x60  }
0xae: {  	[dreg:$0x2] =	wrdreg s24  }
0xaf: {  	[dreg:$0x3] =	wrdreg s2  }
0xb0: {  	[dreg:$0x4] =	wrdreg $0x9  }
0xb1: {  	_ =	task.clear_ibuf [dreg:s7], $0x5FFFF;
	_ =	strace $0x90000046  }
0xb2: {  	s29 =	simm.s32 $0x9;
	_ =	strace $0x80000048  }
0xb3: {  	_ =	swait.ge [sflag:s29], $0x1  }
0xb4: {  	[sflag:s29] =	ssyncadd.s32 $0xFFFFFFFF  }
0xb5: {  	_ =	strace $0x90000048  }
0xb6: {  	_ =	sfence  }
0xb7: {  	s30 =	sld [smem:$0x0];
	_ =	sdelay $0x2  }
0xb8: {  	s31 =	sshll.u32 s1, $0xD;
	s1 =	sshrl.u32 s1, $0x2  }
0xb9: {  	s3 =	sand.u32 $0x4000, s31;
	s1 =	sadd.s32 s1, s30  }
0xba: {  	s0 =	sor.u32 s3, s0;
	s1 =	sshll.u32 s1, $0x11  }
0xbb: {  	s0 =	sor.u32 s1, s0  }
0xbc: {  	s0 =	sadd.s32 $0x8F2B, s0  }
0xbd: {  	[sflag:s0] =	ssyncadd.remote.s32 $0x1  }
0xbe: {  	_ =	sfence.sel $0xFFFF  }
0xbf: {  	[dreg:$0x0] =	wrdreg $0xFFFFFFFF;
	(pc) =	sbr.abs _section_cstart, $3  }
0xc0: {  	[dreg:$0x1] =	wrdreg $0xFFFFFFFF  }
0xc1: {  	_ =	task.clear_ibuf [dreg:s7], $0x2FFFF;
	_ =	strace $0x9FFFFFFF  }
0xc2: {  	(tm) =	ssettm $0x7FFFFFFF  }
0xc3: {  	_ =	shalt  }
tec
execute0_lowered:
.L_overlay_start_1:
0x0: {  	(tag) =	ssettag $0x1  }
0x1: {  	s0 =	srdreg.scid;
	s4 =	rddreg [dreg:$0x0]  }
0x2: {  	s1 =	stileid.u32;
	s2 =	rddreg [dreg:$0x1];
	s3 =	simm.s32 $0x0  }
0x3: {  	s16 =	simm.s32 $0x80;
	s26 =	simm.s32 $0x10400;
	s29 =	simm.s32 $0x12400  }
0x4: {  	s31 =	simm.s32 $0x14400;
	s19 =	simm.s32 $0x3;
	s21 =	simm.s32 $0x4  }
0x5: {  	s23 =	simm.s32 $0x5;
	s25 =	simm.s32 $0x6;
	s28 =	simm.s32 $0x7  }
0x6: {  	s30 =	simm.s32 $0x8;
	s0 =	sand.u32 $0x1, s0;
	s1 =	sshll.u32 s1, $0x1  }
0x7: {  	s14 =	simm.s32 $0x10;
	s1 =	sor.u32 s0, s1;
	s0 =	ssub.s32 $0x2, s0  }
0x8: {  	[smem:$0x7FF] =	sst s3;
	s5 =	smul.u32 $0x6400, s1;
	s7 =	sshrl.u32 s0, $0x1  }
0x9: {  	s15 =	simm.s32 $0x0;
	_ =	strace $0x80000047;
	s0 =	ssub.s32 s0, s7  }
0xa: {  	s6 =	sshrl.u32 s5, $0x3;
	s7 =	sor.u32 $0x80, s5;
	s8 =	sor.u32 $0x100, s5  }
.Ltmp0:
0xb: {  	s9 =	sor.u32 $0x180, s5;
	s10 =	sor.u32 $0x200, s5;
	(pc) =	sbr.rel .LBB2_1-.Ltmp0, $4  }
0xc: {  	s11 =	sor.u32 $0x280, s5;
	s12 =	sor.u32 $0x300, s5;
	s13 =	sor.u32 $0x380, s5  }
0xd: {  	s0 =	smax.u32 s0, $0x1;
	s6 =	sadd.s32 s6, s4;
	s4 =	sadd.s32 $0xF42E00, s4  }
0xe: {  	[dreg:$0x4] =	wrdreg s0;
	s0 =	simm.s32 $0x2;
	s6 =	sadd.s32 $0xA00, s6  }
0xf: {  	[dreg:$0x3] =	wrdreg s6;
	s6 =	smul.u32 $0x190000, s1;
	s1 =	simm.s32 $0x1  }
.LBB2_20:
0x10: {  	s5 =	simm.s32 $0x9  }
0x11: {  	_ =	swait.ge [sflag:s5], $0x2000  }
0x12: {  	[sflag:s5] =	ssyncset.done $0x0  }
0x13: {  	s24 =	simm.s32 $0xA;
	[sflag:s5] =	ssyncadd.s32 $0xFFFFE000  }
0x14: {  	_ =	swait.ge [sflag:s24], $0x2000  }
0x15: {  	[sflag:s24] =	ssyncset.done $0x0  }
0x16: {  	s15 =	simm.s32 $0xB;
	[sflag:s24] =	ssyncadd.s32 $0xFFFFE000  }
0x17: {  	_ =	swait.ge [sflag:s15], $0x2000  }
0x18: {  	[sflag:s15] =	ssyncset.done $0x0  }
0x19: {  	s17 =	simm.s32 $0xC;
	[sflag:s15] =	ssyncadd.s32 $0xFFFFE000  }
0x1a: {  	_ =	swait.ge [sflag:s17], $0x2000  }
0x1b: {  	[sflag:s17] =	ssyncset.done $0x0  }
0x1c: {  	s18 =	simm.s32 $0xD;
	[sflag:s17] =	ssyncadd.s32 $0xFFFFE000  }
0x1d: {  	_ =	swait.ge [sflag:s18], $0x2000  }
0x1e: {  	[sflag:s18] =	ssyncset.done $0x0  }
0x1f: {  	s20 =	simm.s32 $0xE;
	[sflag:s18] =	ssyncadd.s32 $0xFFFFE000  }
0x20: {  	_ =	swait.ge [sflag:s20], $0x2000  }
0x21: {  	[sflag:s20] =	ssyncset.done $0x0  }
0x22: {  	s22 =	simm.s32 $0xF;
	[sflag:s20] =	ssyncadd.s32 $0xFFFFE000  }
0x23: {  	_ =	swait.ge [sflag:s22], $0x2000  }
0x24: {  	[sflag:s22] =	ssyncset.done $0x0  }
0x25: {  	[sflag:s22] =	ssyncadd.s32 $0xFFFFE000  }
0x26: {  	_ =	swait.ge [sflag:s14], $0x2000  }
0x27: {  	s15 =	rddreg [dreg:$0x5]  }
0x28: {  	s24 =	rddreg [dreg:$0x4];
	s15 =	sadd.s32 $0x1, s15  }
0x29: {  	p0 =	sne.s32 s15, s24  }
.Ltmp1:
0x2a: {  	_ = 	snop;
	(pc) =	sbr.rel @!p0 .LBB2_21-.Ltmp1, $3  }
0x2b: {  	_ =	sdelay $0x1  }
0x2c: {  	[sflag:s14] =	ssyncset.done $0x0  }
0x2d: {  	[sflag:s14] =	ssyncadd.s32 $0xFFFFE000  }
.LBB2_1:
0x2e: {  	[dreg:$0x5] =	wrdreg s15  }
0x2f: {  	s5 =	rddreg [dreg:$0x3];
	s24 =	simm.s32 $0x11  }
0x30: {  	[tilespmem:s3], [sflag:$0x11] =	stream.linear.gather [hbm4b:s5+s3], $0x6400, $0x38;
	[tilespmem:$0x16400] =	vst v63  }
0x31: {  	_ =	swait.ge [sflag:s24], $0x6400  }
0x32: {  	[sflag:s24] =	ssyncset.done $0x0  }
0x33: {  	s15 =	simm.s32 $0x6400;
	[sflag:s24] =	ssyncadd.s32 $0xFFFF9C00  }
0x34: {  	[tilespmem:s15], [sflag:$0x1] =	stream.indirect.gather [hbm4b:s4+s16], $0x40, s3, s16, $0xb8;
	[tilespmem:$0x16400] =	vst v63  }
0x35: {  	s17 =	simm.s32 $0x8400  }
0x36: {  	[tilespmem:s17], [sflag:$0x2] =	stream.indirect.gather [hbm4b:s4+s16], $0x40, s16, s16, $0xb8;
	[tilespmem:$0x16400] =	vst v63  }
0x37: {  	s18 =	simm.s32 $0x100;
	s20 =	simm.s32 $0xA400  }
0x38: {  	[tilespmem:s20], [sflag:$0x3] =	stream.indirect.gather [hbm4b:s4+s16], $0x40, s18, s16, $0xb8;
	[tilespmem:$0x16400] =	vst v63  }
0x39: {  	s22 =	simm.s32 $0x180;
	s24 =	simm.s32 $0xC400  }
0x3a: {  	[tilespmem:s24], [sflag:$0x4] =	stream.indirect.gather [hbm4b:s4+s16], $0x40, s22, s16, $0xb8;
	[tilespmem:$0x16400] =	vst v63  }
0x3b: {  	s17 =	simm.s32 $0x200;
	s18 =	simm.s32 $0xE400  }
0x3c: {  	[tilespmem:s18], [sflag:$0x5] =	stream.indirect.gather [hbm4b:s4+s16], $0x40, s17, s16, $0xb8;
	[tilespmem:$0x16400] =	vst v63  }
0x3d: {  	s20 =	simm.s32 $0x280  }
0x3e: {  	[tilespmem:s26], [sflag:$0x6] =	stream.indirect.gather [hbm4b:s4+s16], $0x40, s20, s16, $0xb8;
	[tilespmem:$0x16400] =	vst v63  }
0x3f: {  	s22 =	simm.s32 $0x300  }
0x40: {  	[tilespmem:s29], [sflag:$0x7] =	stream.indirect.gather [hbm4b:s4+s16], $0x40, s22, s16, $0xb8;
	[tilespmem:$0x16400] =	vst v63  }
0x41: {  	s5 =	simm.s32 $0x0;
	s24 =	simm.s32 $0x380  }
0x42: {  	[tilespmem:s31], [sflag:$0x8] =	stream.indirect.gather [hbm4b:s4+s16], $0x40, s24, s16, $0xb8;
	[tilespmem:$0x16400] =	vst v63  }
.LBB2_2:
0x43: {  	_ =	swait.ge [sflag:s1], $0x2000  }
0x44: {  	[sflag:s1] =	ssyncset.done $0x0  }
0x45: {  	s15 =	simm.s32 $0x6480;
	[sflag:s1] =	ssyncadd.s32 $0xFFFFE000  }
0x46: {  	v0 =	vld [tilespmem:s15+$0x70]  }
0x47: {  	v1 =	vld [tilespmem:s15+$0xFFFFFF90]  }
0x48: {  	v2 =	vld [tilespmem:s15+$0xFFFFFFA0]  }
0x49: {  	v3 =	vld [tilespmem:s15+$0xFFFFFFB0]  }
0x4a: {  	v4 =	vld [tilespmem:s15+$0xFFFFFFC0]  }
0x4b: {  	v5 =	vld [tilespmem:s15+$0xFFFFFFD0];
	v0 =	vmul.f32 $8.000000000e+00, v0  }
0x4c: {  	v6 =	vld [tilespmem:s15+$0xFFFFFFE0];
	v1 =	vmul.f32 $8.000000000e+00, v1  }
0x4d: {  	v7 =	vld [tilespmem:s15+$0xFFFFFFF0];
	v2 =	vmul.f32 $8.000000000e+00, v2;
	[tilespmem:s15+$0x70] =	vst v0  }
0x4e: {  	[tilespmem:s15+$0xFFFFFF90] =	vst v1;
	v0 =	vmul.f32 $8.000000000e+00, v3;
	v3 =	vld [tilespmem:s15+$0x0]  }
0x4f: {  	[tilespmem:s15+$0xFFFFFFA0] =	vst v2;
	v1 =	vmul.f32 $8.000000000e+00, v4;
	v4 =	vld [tilespmem:s15+$0x10]  }
0x50: {  	v8 =	vld [tilespmem:s15+$0x20];
	v2 =	vmul.f32 $8.000000000e+00, v5;
	[tilespmem:s15+$0xFFFFFFB0] =	vst v0  }
0x51: {  	v5 =	vmul.f32 $8.000000000e+00, v6;
	[tilespmem:s15+$0xFFFFFFC0] =	vst v1;
	v0 =	vld [tilespmem:s15+$0x30]  }
0x52: {  	v6 =	vmul.f32 $8.000000000e+00, v7;
	[tilespmem:s15+$0xFFFFFFD0] =	vst v2;
	v1 =	vld [tilespmem:s15+$0x40]  }
0x53: {  	[tilespmem:s15+$0xFFFFFFE0] =	vst v5;
	v2 =	vld [tilespmem:s15+$0x50];
	v7 =	vmul.f32 $8.000000000e+00, v3  }
0x54: {  	[tilespmem:s15+$0xFFFFFFF0] =	vst v6;
	v3 =	vld [tilespmem:s15+$0x60];
	v5 =	vmul.f32 $8.000000000e+00, v4  }
0x55: {  	s17 =	simm.s32 $0x0;
	s18 =	simm.s32 $0x6580;
	v6 =	vmul.f32 $8.000000000e+00, v8;
	v4 =	vld [tilespmem:s15+$0xFFFFFF80];
	[tilespmem:s15+$0x0] =	vst v7  }
.LBB2_3:
0x56: {  	v7 =	vld [tilespmem:s18+$0x70];
	s17 =	sadd.s32 $0x4, s17;
	[tilespmem:s15+$0x10] =	vst v5;
	v0 =	vmul.f32 $8.000000000e+00, v0  }
0x57: {  	v5 =	vld [tilespmem:s18+$0xFFFFFF90];
	p0 =	slt.u32 s17, $0x7C;
	[tilespmem:s15+$0x20] =	vst v6;
	v1 =	vmul.f32 $8.000000000e+00, v1  }
0x58: {  	v6 =	vld [tilespmem:s18+$0xFFFFFFA0];
	[tilespmem:s15+$0x30] =	vst v0;
	v0 =	vmul.f32 $8.000000000e+00, v2  }
0x59: {  	v2 =	vld [tilespmem:s18+$0xFFFFFFB0];
	[tilespmem:s15+$0x40] =	vst v1;
	v1 =	vmul.f32 $8.000000000e+00, v3  }
0x5a: {  	v3 =	vld [tilespmem:s18+$0xFFFFFFC0];
	v4 =	vmul.f32 $8.000000000e+00, v4;
	[tilespmem:s15+$0x50] =	vst v0  }
0x5b: {  	v0 =	vld [tilespmem:s18+$0xFFFFFFD0];
	v7 =	vmul.f32 $8.000000000e+00, v7;
	[tilespmem:s15+$0x60] =	vst v1  }
0x5c: {  	v1 =	vmul.f32 $8.000000000e+00, v5;
	v5 =	vld [tilespmem:s18+$0xFFFFFFE0];
	[tilespmem:s15+$0xFFFFFF80] =	vst v4;
	s15 =	smov.u32 s18  }
0x5d: {  	v4 =	vmul.f32 $8.000000000e+00, v6;
	v6 =	vld [tilespmem:s18+$0xFFFFFFF0];
	[tilespmem:s18+$0x70] =	vst v7  }
0x5e: {  	[tilespmem:s18+$0xFFFFFF90] =	vst v1;
	v1 =	vmul.f32 $8.000000000e+00, v2;
	v2 =	vld [tilespmem:s18+$0x0]  }
0x5f: {  	[tilespmem:s18+$0xFFFFFFA0] =	vst v4;
	v3 =	vmul.f32 $8.000000000e+00, v3;
	v4 =	vld [tilespmem:s18+$0x10]  }
0x60: {  	[tilespmem:s18+$0xFFFFFFB0] =	vst v1;
	v1 =	vmul.f32 $8.000000000e+00, v0;
	v7 =	vld [tilespmem:s18+$0x20]  }
.Ltmp2:
0x61: {  	[tilespmem:s18+$0xFFFFFFC0] =	vst v3;
	v3 =	vmul.f32 $8.000000000e+00, v5;
	v0 =	vld [tilespmem:s18+$0x30];
	(pc) =	sbr.rel @p0 .LBB2_3-.Ltmp2, $4  }
0x62: {  	[tilespmem:s18+$0xFFFFFFD0] =	vst v1;
	v5 =	vmul.f32 $8.000000000e+00, v6;
	v1 =	vld [tilespmem:s18+$0x40]  }
0x63: {  	[tilespmem:s18+$0xFFFFFFE0] =	vst v3;
	v6 =	vmul.f32 $8.000000000e+00, v2;
	v2 =	vld [tilespmem:s18+$0x50]  }
0x64: {  	[tilespmem:s18+$0xFFFFFFF0] =	vst v5;
	v5 =	vmul.f32 $8.000000000e+00, v4;
	v3 =	vld [tilespmem:s18+$0x60]  }
0x65: {  	s18 =	sadd.s32 $0x100, s18;
	v4 =	vld [tilespmem:s15+$0xFFFFFF80];
	[tilespmem:s15+$0x0] =	vst v6;
	v6 =	vmul.f32 $8.000000000e+00, v7  }
0x66: {  	[tilespmem:s15+$0x10] =	vst v5;
	v0 =	vmul.f32 $8.000000000e+00, v0  }
0x67: {  	[tilespmem:s15+$0x20] =	vst v6;
	v1 =	vmul.f32 $8.000000000e+00, v1  }
0x68: {  	[tilespmem:s15+$0x30] =	vst v0;
	v0 =	vmul.f32 $8.000000000e+00, v2  }
0x69: {  	s17 =	sshll.u32 s5, $0x10;
	[tilespmem:s15+$0x40] =	vst v1;
	v1 =	vmul.f32 $8.000000000e+00, v3  }
0x6a: {  	s17 =	sadd.s32 s6, s17;
	v2 =	vmul.f32 $8.000000000e+00, v4;
	[tilespmem:s15+$0x50] =	vst v0  }
0x6b: {  	p0 =	seq.s32 s5, $0x18;
	s17 =	sshrl.u32 s17, $0x3;
	[tilespmem:s15+$0x60] =	vst v1  }
0x6c: {  	s24 =	simm.s32 $0x6400;
	s22 =	sadd.s32 s2, s17;
	s17 =	simm.s32 @!p0 $0x9;
	[tilespmem:s15+$0xFFFFFF80] =	vst v2  }
0x6d: {  	[hbm4b:s22+s3] =	stream.linear.scatter [tilespmem:s24], [sflag:$0x9], $0x2000, $0x38;
	[tilespmem:$0x16400] =	vst v63  }
0x6e: {  	s15 =	sshll.u32 s5, $0xC;
	_ =	swait.ge @!p0 [sflag:s17], $0x2000  }
0x6f: {  	s20 =	simm.s32 @!p0 $0x80;
	s18 =	sshrl.u32 @!p0 s15, $0x2;
	[sflag:s17] =	ssyncset.done @!p0 $0x0  }
0x70: {  	s22 =	simm.s32 @!p0 $0x6400;
	[sflag:s17] =	ssyncadd.s32 @!p0 $0xFFFFE000;
	s17 =	sadd.s32 @!p0 $0x400, s18  }
0x71: {  	[tilespmem:s22], [sflag:$0x1] =	stream.indirect.gather @!p0 [hbm4b:s4+s20], $0x40, s17, s20, $0xb8;
	[tilespmem:$0x16400] =	vst v63  }
0x72: {  	_ =	swait.ge [sflag:s0], $0x2000  }
0x73: {  	[sflag:s0] =	ssyncset.done $0x0  }
0x74: {  	s20 =	simm.s32 $0x84F0;
	[sflag:s0] =	ssyncadd.s32 $0xFFFFE000  }
0x75: {  	v0 =	vld [tilespmem:s20+$0x0]  }
0x76: {  	v1 =	vld [tilespmem:s20+$0xFFFFFF20]  }
0x77: {  	v2 =	vld [tilespmem:s20+$0xFFFFFF30]  }
0x78: {  	v3 =	vld [tilespmem:s20+$0xFFFFFF40]  }
0x79: {  	v4 =	vld [tilespmem:s20+$0xFFFFFF50]  }
0x7a: {  	v5 =	vld [tilespmem:s20+$0xFFFFFF60];
	v0 =	vmul.f32 $8.000000000e+00, v0  }
0x7b: {  	v6 =	vld [tilespmem:s20+$0xFFFFFF70];
	v1 =	vmul.f32 $8.000000000e+00, v1  }
0x7c: {  	v7 =	vld [tilespmem:s20+$0xFFFFFF80];
	v2 =	vmul.f32 $8.000000000e+00, v2;
	[tilespmem:s20+$0x0] =	vst v0  }
0x7d: {  	[tilespmem:s20+$0xFFFFFF20] =	vst v1;
	v0 =	vmul.f32 $8.000000000e+00, v3;
	v3 =	vld [tilespmem:s20+$0xFFFFFF90]  }
0x7e: {  	v8 =	vld [tilespmem:s20+$0xFFFFFFA0];
	[tilespmem:s20+$0xFFFFFF30] =	vst v2;
	v1 =	vmul.f32 $8.000000000e+00, v4  }
0x7f: {  	v9 =	vld [tilespmem:s20+$0xFFFFFFB0];
	v2 =	vmul.f32 $8.000000000e+00, v5;
	[tilespmem:s20+$0xFFFFFF40] =	vst v0  }
0x80: {  	v4 =	vmul.f32 $8.000000000e+00, v6;
	[tilespmem:s20+$0xFFFFFF50] =	vst v1;
	v0 =	vld [tilespmem:s20+$0xFFFFFFC0]  }
0x81: {  	[tilespmem:s20+$0xFFFFFF60] =	vst v2;
	v2 =	vmul.f32 $8.000000000e+00, v7;
	v1 =	vld [tilespmem:s20+$0xFFFFFFD0]  }
0x82: {  	[tilespmem:s20+$0xFFFFFF70] =	vst v4;
	v4 =	vld [tilespmem:s20+$0xFFFFFFE0];
	v6 =	vmul.f32 $8.000000000e+00, v3  }
0x83: {  	v5 =	vmul.f32 $8.000000000e+00, v8;
	[tilespmem:s20+$0xFFFFFF80] =	vst v2;
	v2 =	vld [tilespmem:s20+$0xFFFFFFF0]  }
0x84: {  	s17 =	simm.s32 $0x0;
	s22 =	simm.s32 $0x85F0;
	v3 =	vld [tilespmem:s20+$0xFFFFFF10];
	[tilespmem:s20+$0xFFFFFF90] =	vst v6;
	v6 =	vmul.f32 $8.000000000e+00, v9  }
.LBB2_5:
0x85: {  	v7 =	vld [tilespmem:s22+$0x0];
	s17 =	sadd.s32 $0x4, s17;
	[tilespmem:s20+$0xFFFFFFA0] =	vst v5;
	v0 =	vmul.f32 $8.000000000e+00, v0  }
0x86: {  	v5 =	vld [tilespmem:s22+$0xFFFFFF20];
	p1 =	slt.u32 s17, $0x7C;
	[tilespmem:s20+$0xFFFFFFB0] =	vst v6;
	v1 =	vmul.f32 $8.000000000e+00, v1  }
0x87: {  	v6 =	vld [tilespmem:s22+$0xFFFFFF30];
	[tilespmem:s20+$0xFFFFFFC0] =	vst v0;
	v0 =	vmul.f32 $8.000000000e+00, v4  }
0x88: {  	v4 =	vld [tilespmem:s22+$0xFFFFFF40];
	[tilespmem:s20+$0xFFFFFFD0] =	vst v1;
	v1 =	vmul.f32 $8.000000000e+00, v2  }
0x89: {  	v2 =	vld [tilespmem:s22+$0xFFFFFF50];
	v3 =	vmul.f32 $8.000000000e+00, v3;
	[tilespmem:s20+$0xFFFFFFE0] =	vst v0  }
0x8a: {  	v0 =	vld [tilespmem:s22+$0xFFFFFF60];
	v7 =	vmul.f32 $8.000000000e+00, v7;
	[tilespmem:s20+$0xFFFFFFF0] =	vst v1  }
0x8b: {  	v1 =	vmul.f32 $8.000000000e+00, v5;
	v5 =	vld [tilespmem:s22+$0xFFFFFF70];
	[tilespmem:s20+$0xFFFFFF10] =	vst v3;
	s20 =	smov.u32 s22  }
0x8c: {  	v3 =	vmul.f32 $8.000000000e+00, v6;
	v6 =	vld [tilespmem:s22+$0xFFFFFF80];
	[tilespmem:s22+$0x0] =	vst v7  }
0x8d: {  	[tilespmem:s22+$0xFFFFFF20] =	vst v1;
	v1 =	vmul.f32 $8.000000000e+00, v4;
	v4 =	vld [tilespmem:s22+$0xFFFFFF90]  }
0x8e: {  	[tilespmem:s22+$0xFFFFFF30] =	vst v3;
	v2 =	vmul.f32 $8.000000000e+00, v2;
	v3 =	vld [tilespmem:s22+$0xFFFFFFA0]  }
0x8f: {  	[tilespmem:s22+$0xFFFFFF40] =	vst v1;
	v1 =	vmul.f32 $8.000000000e+00, v0;
	v7 =	vld [tilespmem:s22+$0xFFFFFFB0]  }
.Ltmp3:
0x90: {  	[tilespmem:s22+$0xFFFFFF50] =	vst v2;
	v2 =	vmul.f32 $8.000000000e+00, v5;
	v0 =	vld [tilespmem:s22+$0xFFFFFFC0];
	(pc) =	sbr.rel @p1 .LBB2_5-.Ltmp3, $4  }
0x91: {  	[tilespmem:s22+$0xFFFFFF60] =	vst v1;
	v5 =	vmul.f32 $8.000000000e+00, v6;
	v1 =	vld [tilespmem:s22+$0xFFFFFFD0]  }
0x92: {  	[tilespmem:s22+$0xFFFFFF70] =	vst v2;
	v6 =	vmul.f32 $8.000000000e+00, v4;
	v4 =	vld [tilespmem:s22+$0xFFFFFFE0]  }
0x93: {  	[tilespmem:s22+$0xFFFFFF80] =	vst v5;
	v5 =	vmul.f32 $8.000000000e+00, v3;
	v2 =	vld [tilespmem:s22+$0xFFFFFFF0]  }
0x94: {  	s22 =	sadd.s32 $0x100, s22;
	v3 =	vld [tilespmem:s20+$0xFFFFFF10];
	[tilespmem:s20+$0xFFFFFF90] =	vst v6;
	v6 =	vmul.f32 $8.000000000e+00, v7  }
0x95: {  	[tilespmem:s20+$0xFFFFFFA0] =	vst v5;
	v0 =	vmul.f32 $8.000000000e+00, v0  }
0x96: {  	[tilespmem:s20+$0xFFFFFFB0] =	vst v6;
	v1 =	vmul.f32 $8.000000000e+00, v1  }
0x97: {  	s17 =	sshll.u32 s5, $0xA;
	[tilespmem:s20+$0xFFFFFFC0] =	vst v0;
	v0 =	vmul.f32 $8.000000000e+00, v4  }
0x98: {  	s22 =	sadd.s32 s17, s7;
	[tilespmem:s20+$0xFFFFFFD0] =	vst v1;
	v1 =	vmul.f32 $8.000000000e+00, v2  }
0x99: {  	s22 =	sshll.u32 s22, $0x3;
	v2 =	vmul.f32 $8.000000000e+00, v3;
	[tilespmem:s20+$0xFFFFFFE0] =	vst v0  }
0x9a: {  	s22 =	sand.u32 $0x1FFFE400, s22;
	[tilespmem:s20+$0xFFFFFFF0] =	vst v1  }
0x9b: {  	s24 =	simm.s32 $0x8400;
	s22 =	sadd.s32 s2, s22;
	[tilespmem:s20+$0xFFFFFF10] =	vst v2;
	s20 =	simm.s32 @!p0 $0xA  }
0x9c: {  	[hbm4b:s22+s3] =	stream.linear.scatter [tilespmem:s24], [sflag:$0xA], $0x2000, $0x38;
	[tilespmem:$0x16400] =	vst v63  }
0x9d: {  	_ =	swait.ge @!p0 [sflag:s20], $0x2000  }
0x9e: {  	s22 =	simm.s32 @!p0 $0x80;
	[sflag:s20] =	ssyncset.done @!p0 $0x0  }
0x9f: {  	s24 =	simm.s32 @!p0 $0x8400;
	[sflag:s20] =	ssyncadd.s32 @!p0 $0xFFFFE000;
	s20 =	sadd.s32 @!p0 $0x480, s18  }
0xa0: {  	[tilespmem:s24], [sflag:$0x2] =	stream.indirect.gather @!p0 [hbm4b:s4+s22], $0x40, s20, s22, $0xb8;
	[tilespmem:$0x16400] =	vst v63  }
0xa1: {  	_ =	swait.ge [sflag:s19], $0x2000  }
0xa2: {  	[sflag:s19] =	ssyncset.done $0x0  }
0xa3: {  	s20 =	simm.s32 $0xA400;
	[sflag:s19] =	ssyncadd.s32 $0xFFFFE000  }
0xa4: {  	v0 =	vld [tilespmem:s20+$0xF0]  }
0xa5: {  	v1 =	vld [tilespmem:s20+$0x10]  }
0xa6: {  	v2 =	vld [tilespmem:s20+$0x20]  }
0xa7: {  	v3 =	vld [tilespmem:s20+$0x30]  }
0xa8: {  	v4 =	vld [tilespmem:s20+$0x40]  }
0xa9: {  	v5 =	vld [tilespmem:s20+$0x50];
	v0 =	vmul.f32 $8.000000000e+00, v0  }
0xaa: {  	v6 =	vld [tilespmem:s20+$0x60];
	v1 =	vmul.f32 $8.000000000e+00, v1  }
0xab: {  	v7 =	vld [tilespmem:s20+$0x70];
	v2 =	vmul.f32 $8.000000000e+00, v2;
	[tilespmem:s20+$0xF0] =	vst v0  }
0xac: {  	[tilespmem:s20+$0x10] =	vst v1;
	v0 =	vmul.f32 $8.000000000e+00, v3;
	v3 =	vld [tilespmem:s20+$0x80]  }
0xad: {  	[tilespmem:s20+$0x20] =	vst v2;
	v1 =	vmul.f32 $8.000000000e+00, v4;
	v4 =	vld [tilespmem:s20+$0x90]  }
0xae: {  	v8 =	vld [tilespmem:s20+$0xA0];
	v2 =	vmul.f32 $8.000000000e+00, v5;
	[tilespmem:s20+$0x30] =	vst v0  }
0xaf: {  	v5 =	vmul.f32 $8.000000000e+00, v6;
	[tilespmem:s20+$0x40] =	vst v1;
	v0 =	vld [tilespmem:s20+$0xB0]  }
0xb0: {  	v6 =	vmul.f32 $8.000000000e+00, v7;
	[tilespmem:s20+$0x50] =	vst v2;
	v1 =	vld [tilespmem:s20+$0xC0]  }
0xb1: {  	[tilespmem:s20+$0x60] =	vst v5;
	v2 =	vld [tilespmem:s20+$0xD0];
	v7 =	vmul.f32 $8.000000000e+00, v3  }
0xb2: {  	[tilespmem:s20+$0x70] =	vst v6;
	v3 =	vld [tilespmem:s20+$0xE0];
	v5 =	vmul.f32 $8.000000000e+00, v4  }
0xb3: {  	s22 =	simm.s32 $0x0;
	s24 =	simm.s32 $0xA500;
	v6 =	vmul.f32 $8.000000000e+00, v8;
	v4 =	vld [tilespmem:s20+$0x0];
	[tilespmem:s20+$0x80] =	vst v7  }
.LBB2_7:
0xb4: {  	v7 =	vld [tilespmem:s24+$0xF0];
	s22 =	sadd.s32 $0x4, s22;
	[tilespmem:s20+$0x90] =	vst v5;
	v0 =	vmul.f32 $8.000000000e+00, v0  }
0xb5: {  	v5 =	vld [tilespmem:s24+$0x10];
	p1 =	slt.u32 s22, $0x7C;
	[tilespmem:s20+$0xA0] =	vst v6;
	v1 =	vmul.f32 $8.000000000e+00, v1  }
0xb6: {  	v6 =	vld [tilespmem:s24+$0x20];
	[tilespmem:s20+$0xB0] =	vst v0;
	v0 =	vmul.f32 $8.000000000e+00, v2  }
0xb7: {  	v2 =	vld [tilespmem:s24+$0x30];
	[tilespmem:s20+$0xC0] =	vst v1;
	v1 =	vmul.f32 $8.000000000e+00, v3  }
0xb8: {  	v3 =	vld [tilespmem:s24+$0x40];
	v4 =	vmul.f32 $8.000000000e+00, v4;
	[tilespmem:s20+$0xD0] =	vst v0  }
0xb9: {  	v0 =	vld [tilespmem:s24+$0x50];
	v7 =	vmul.f32 $8.000000000e+00, v7;
	[tilespmem:s20+$0xE0] =	vst v1  }
0xba: {  	v1 =	vmul.f32 $8.000000000e+00, v5;
	v5 =	vld [tilespmem:s24+$0x60];
	[tilespmem:s20+$0x0] =	vst v4;
	s20 =	smov.u32 s24  }
0xbb: {  	v4 =	vmul.f32 $8.000000000e+00, v6;
	v6 =	vld [tilespmem:s24+$0x70];
	[tilespmem:s24+$0xF0] =	vst v7  }
0xbc: {  	[tilespmem:s24+$0x10] =	vst v1;
	v1 =	vmul.f32 $8.000000000e+00, v2;
	v2 =	vld [tilespmem:s24+$0x80]  }
0xbd: {  	[tilespmem:s24+$0x20] =	vst v4;
	v3 =	vmul.f32 $8.000000000e+00, v3;
	v4 =	vld [tilespmem:s24+$0x90]  }
0xbe: {  	[tilespmem:s24+$0x30] =	vst v1;
	v1 =	vmul.f32 $8.000000000e+00, v0;
	v7 =	vld [tilespmem:s24+$0xA0]  }
.Ltmp4:
0xbf: {  	[tilespmem:s24+$0x40] =	vst v3;
	v3 =	vmul.f32 $8.000000000e+00, v5;
	v0 =	vld [tilespmem:s24+$0xB0];
	(pc) =	sbr.rel @p1 .LBB2_7-.Ltmp4, $4  }
0xc0: {  	[tilespmem:s24+$0x50] =	vst v1;
	v5 =	vmul.f32 $8.000000000e+00, v6;
	v1 =	vld [tilespmem:s24+$0xC0]  }
0xc1: {  	[tilespmem:s24+$0x60] =	vst v3;
	v6 =	vmul.f32 $8.000000000e+00, v2;
	v2 =	vld [tilespmem:s24+$0xD0]  }
0xc2: {  	[tilespmem:s24+$0x70] =	vst v5;
	v5 =	vmul.f32 $8.000000000e+00, v4;
	v3 =	vld [tilespmem:s24+$0xE0]  }
0xc3: {  	s24 =	sadd.s32 $0x100, s24;
	v4 =	vld [tilespmem:s20+$0x0];
	[tilespmem:s20+$0x80] =	vst v6;
	v6 =	vmul.f32 $8.000000000e+00, v7  }
0xc4: {  	[tilespmem:s20+$0x90] =	vst v5;
	v0 =	vmul.f32 $8.000000000e+00, v0  }
0xc5: {  	[tilespmem:s20+$0xA0] =	vst v6;
	v1 =	vmul.f32 $8.000000000e+00, v1  }
0xc6: {  	[tilespmem:s20+$0xB0] =	vst v0;
	v0 =	vmul.f32 $8.000000000e+00, v2  }
0xc7: {  	s22 =	sadd.s32 s17, s8;
	[tilespmem:s20+$0xC0] =	vst v1;
	v1 =	vmul.f32 $8.000000000e+00, v3  }
0xc8: {  	s22 =	sshll.u32 s22, $0x3;
	v2 =	vmul.f32 $8.000000000e+00, v4;
	[tilespmem:s20+$0xD0] =	vst v0  }
0xc9: {  	s22 =	sand.u32 $0x1FFFE800, s22;
	[tilespmem:s20+$0xE0] =	vst v1  }
0xca: {  	s24 =	simm.s32 $0xA400;
	s22 =	sadd.s32 s2, s22;
	[tilespmem:s20+$0x0] =	vst v2;
	s20 =	simm.s32 @!p0 $0xB  }
0xcb: {  	[hbm4b:s22+s3] =	stream.linear.scatter [tilespmem:s24], [sflag:$0xB], $0x2000, $0x38;
	[tilespmem:$0x16400] =	vst v63  }
0xcc: {  	_ =	swait.ge @!p0 [sflag:s20], $0x2000  }
0xcd: {  	s22 =	simm.s32 @!p0 $0x80;
	[sflag:s20] =	ssyncset.done @!p0 $0x0  }
0xce: {  	s24 =	simm.s32 @!p0 $0xA400;
	[sflag:s20] =	ssyncadd.s32 @!p0 $0xFFFFE000;
	s20 =	sadd.s32 @!p0 $0x500, s18  }
0xcf: {  	[tilespmem:s24], [sflag:$0x3] =	stream.indirect.gather @!p0 [hbm4b:s4+s22], $0x40, s20, s22, $0xb8;
	[tilespmem:$0x16400] =	vst v63  }
0xd0: {  	_ =	swait.ge [sflag:s21], $0x2000  }
0xd1: {  	[sflag:s21] =	ssyncset.done $0x0  }
0xd2: {  	s20 =	simm.s32 $0xC400;
	[sflag:s21] =	ssyncadd.s32 $0xFFFFE000  }
0xd3: {  	v0 =	vld [tilespmem:s20+$0xF0]  }
0xd4: {  	v1 =	vld [tilespmem:s20+$0x10]  }
0xd5: {  	v2 =	vld [tilespmem:s20+$0x20]  }
0xd6: {  	v3 =	vld [tilespmem:s20+$0x30]  }
0xd7: {  	v4 =	vld [tilespmem:s20+$0x40]  }
0xd8: {  	v5 =	vld [tilespmem:s20+$0x50];
	v0 =	vmul.f32 $8.000000000e+00, v0  }
0xd9: {  	v6 =	vld [tilespmem:s20+$0x60];
	v1 =	vmul.f32 $8.000000000e+00, v1  }
0xda: {  	v7 =	vld [tilespmem:s20+$0x70];
	v2 =	vmul.f32 $8.000000000e+00, v2;
	[tilespmem:s20+$0xF0] =	vst v0  }
0xdb: {  	[tilespmem:s20+$0x10] =	vst v1;
	v0 =	vmul.f32 $8.000000000e+00, v3;
	v3 =	vld [tilespmem:s20+$0x80]  }
0xdc: {  	[tilespmem:s20+$0x20] =	vst v2;
	v1 =	vmul.f32 $8.000000000e+00, v4;
	v4 =	vld [tilespmem:s20+$0x90]  }
0xdd: {  	v8 =	vld [tilespmem:s20+$0xA0];
	v2 =	vmul.f32 $8.000000000e+00, v5;
	[tilespmem:s20+$0x30] =	vst v0  }
0xde: {  	v5 =	vmul.f32 $8.000000000e+00, v6;
	[tilespmem:s20+$0x40] =	vst v1;
	v0 =	vld [tilespmem:s20+$0xB0]  }
0xdf: {  	v6 =	vmul.f32 $8.000000000e+00, v7;
	[tilespmem:s20+$0x50] =	vst v2;
	v1 =	vld [tilespmem:s20+$0xC0]  }
0xe0: {  	[tilespmem:s20+$0x60] =	vst v5;
	v2 =	vld [tilespmem:s20+$0xD0];
	v7 =	vmul.f32 $8.000000000e+00, v3  }
0xe1: {  	[tilespmem:s20+$0x70] =	vst v6;
	v3 =	vld [tilespmem:s20+$0xE0];
	v5 =	vmul.f32 $8.000000000e+00, v4  }
0xe2: {  	s22 =	simm.s32 $0x0;
	s24 =	simm.s32 $0xC500;
	v6 =	vmul.f32 $8.000000000e+00, v8;
	v4 =	vld [tilespmem:s20+$0x0];
	[tilespmem:s20+$0x80] =	vst v7  }
.LBB2_9:
0xe3: {  	v7 =	vld [tilespmem:s24+$0xF0];
	s22 =	sadd.s32 $0x4, s22;
	[tilespmem:s20+$0x90] =	vst v5;
	v0 =	vmul.f32 $8.000000000e+00, v0  }
0xe4: {  	v5 =	vld [tilespmem:s24+$0x10];
	p1 =	slt.u32 s22, $0x7C;
	[tilespmem:s20+$0xA0] =	vst v6;
	v1 =	vmul.f32 $8.000000000e+00, v1  }
0xe5: {  	v6 =	vld [tilespmem:s24+$0x20];
	[tilespmem:s20+$0xB0] =	vst v0;
	v0 =	vmul.f32 $8.000000000e+00, v2  }
0xe6: {  	v2 =	vld [tilespmem:s24+$0x30];
	[tilespmem:s20+$0xC0] =	vst v1;
	v1 =	vmul.f32 $8.000000000e+00, v3  }
0xe7: {  	v3 =	vld [tilespmem:s24+$0x40];
	v4 =	vmul.f32 $8.000000000e+00, v4;
	[tilespmem:s20+$0xD0] =	vst v0  }
0xe8: {  	v0 =	vld [tilespmem:s24+$0x50];
	v7 =	vmul.f32 $8.000000000e+00, v7;
	[tilespmem:s20+$0xE0] =	vst v1  }
0xe9: {  	v1 =	vmul.f32 $8.000000000e+00, v5;
	v5 =	vld [tilespmem:s24+$0x60];
	[tilespmem:s20+$0x0] =	vst v4;
	s20 =	smov.u32 s24  }
0xea: {  	v4 =	vmul.f32 $8.000000000e+00, v6;
	v6 =	vld [tilespmem:s24+$0x70];
	[tilespmem:s24+$0xF0] =	vst v7  }
0xeb: {  	[tilespmem:s24+$0x10] =	vst v1;
	v1 =	vmul.f32 $8.000000000e+00, v2;
	v2 =	vld [tilespmem:s24+$0x80]  }
0xec: {  	[tilespmem:s24+$0x20] =	vst v4;
	v3 =	vmul.f32 $8.000000000e+00, v3;
	v4 =	vld [tilespmem:s24+$0x90]  }
0xed: {  	[tilespmem:s24+$0x30] =	vst v1;
	v1 =	vmul.f32 $8.000000000e+00, v0;
	v7 =	vld [tilespmem:s24+$0xA0]  }
.Ltmp5:
0xee: {  	[tilespmem:s24+$0x40] =	vst v3;
	v3 =	vmul.f32 $8.000000000e+00, v5;
	v0 =	vld [tilespmem:s24+$0xB0];
	(pc) =	sbr.rel @p1 .LBB2_9-.Ltmp5, $4  }
0xef: {  	[tilespmem:s24+$0x50] =	vst v1;
	v5 =	vmul.f32 $8.000000000e+00, v6;
	v1 =	vld [tilespmem:s24+$0xC0]  }
0xf0: {  	[tilespmem:s24+$0x60] =	vst v3;
	v6 =	vmul.f32 $8.000000000e+00, v2;
	v2 =	vld [tilespmem:s24+$0xD0]  }
0xf1: {  	[tilespmem:s24+$0x70] =	vst v5;
	v5 =	vmul.f32 $8.000000000e+00, v4;
	v3 =	vld [tilespmem:s24+$0xE0]  }
0xf2: {  	s24 =	sadd.s32 $0x100, s24;
	v4 =	vld [tilespmem:s20+$0x0];
	[tilespmem:s20+$0x80] =	vst v6;
	v6 =	vmul.f32 $8.000000000e+00, v7  }
0xf3: {  	[tilespmem:s20+$0x90] =	vst v5;
	v0 =	vmul.f32 $8.000000000e+00, v0  }
0xf4: {  	[tilespmem:s20+$0xA0] =	vst v6;
	v1 =	vmul.f32 $8.000000000e+00, v1  }
0xf5: {  	[tilespmem:s20+$0xB0] =	vst v0;
	v0 =	vmul.f32 $8.000000000e+00, v2  }
0xf6: {  	s22 =	sadd.s32 s17, s9;
	[tilespmem:s20+$0xC0] =	vst v1;
	v1 =	vmul.f32 $8.000000000e+00, v3  }
0xf7: {  	s22 =	sshll.u32 s22, $0x3;
	v2 =	vmul.f32 $8.000000000e+00, v4;
	[tilespmem:s20+$0xD0] =	vst v0  }
0xf8: {  	s22 =	sand.u32 $0x1FFFEC00, s22;
	[tilespmem:s20+$0xE0] =	vst v1  }
0xf9: {  	s24 =	simm.s32 $0xC400;
	s22 =	sadd.s32 s2, s22;
	[tilespmem:s20+$0x0] =	vst v2;
	s20 =	simm.s32 @!p0 $0xC  }
0xfa: {  	[hbm4b:s22+s3] =	stream.linear.scatter [tilespmem:s24], [sflag:$0xC], $0x2000, $0x38;
	[tilespmem:$0x16400] =	vst v63  }
0xfb: {  	_ =	swait.ge @!p0 [sflag:s20], $0x2000  }
0xfc: {  	s22 =	simm.s32 @!p0 $0x80;
	[sflag:s20] =	ssyncset.done @!p0 $0x0  }
0xfd: {  	s24 =	simm.s32 @!p0 $0xC400;
	[sflag:s20] =	ssyncadd.s32 @!p0 $0xFFFFE000;
	s20 =	sadd.s32 @!p0 $0x580, s18  }
0xfe: {  	[tilespmem:s24], [sflag:$0x4] =	stream.indirect.gather @!p0 [hbm4b:s4+s22], $0x40, s20, s22, $0xb8;
	[tilespmem:$0x16400] =	vst v63  }
0xff: {  	_ =	swait.ge [sflag:s23], $0x2000  }
0x100: {  	[sflag:s23] =	ssyncset.done $0x0  }
0x101: {  	s20 =	simm.s32 $0xE400;
	[sflag:s23] =	ssyncadd.s32 $0xFFFFE000  }
0x102: {  	v0 =	vld [tilespmem:s20+$0xF0]  }
0x103: {  	v1 =	vld [tilespmem:s20+$0x10]  }
0x104: {  	v2 =	vld [tilespmem:s20+$0x20]  }
0x105: {  	v3 =	vld [tilespmem:s20+$0x30]  }
0x106: {  	v4 =	vld [tilespmem:s20+$0x40]  }
0x107: {  	v5 =	vld [tilespmem:s20+$0x50];
	v0 =	vmul.f32 $8.000000000e+00, v0  }
0x108: {  	v6 =	vld [tilespmem:s20+$0x60];
	v1 =	vmul.f32 $8.000000000e+00, v1  }
0x109: {  	v7 =	vld [tilespmem:s20+$0x70];
	v2 =	vmul.f32 $8.000000000e+00, v2;
	[tilespmem:s20+$0xF0] =	vst v0  }
0x10a: {  	[tilespmem:s20+$0x10] =	vst v1;
	v0 =	vmul.f32 $8.000000000e+00, v3;
	v3 =	vld [tilespmem:s20+$0x80]  }
0x10b: {  	[tilespmem:s20+$0x20] =	vst v2;
	v1 =	vmul.f32 $8.000000000e+00, v4;
	v4 =	vld [tilespmem:s20+$0x90]  }
0x10c: {  	v8 =	vld [tilespmem:s20+$0xA0];
	v2 =	vmul.f32 $8.000000000e+00, v5;
	[tilespmem:s20+$0x30] =	vst v0  }
0x10d: {  	v5 =	vmul.f32 $8.000000000e+00, v6;
	[tilespmem:s20+$0x40] =	vst v1;
	v0 =	vld [tilespmem:s20+$0xB0]  }
0x10e: {  	v6 =	vmul.f32 $8.000000000e+00, v7;
	[tilespmem:s20+$0x50] =	vst v2;
	v1 =	vld [tilespmem:s20+$0xC0]  }
0x10f: {  	[tilespmem:s20+$0x60] =	vst v5;
	v2 =	vld [tilespmem:s20+$0xD0];
	v7 =	vmul.f32 $8.000000000e+00, v3  }
0x110: {  	[tilespmem:s20+$0x70] =	vst v6;
	v3 =	vld [tilespmem:s20+$0xE0];
	v5 =	vmul.f32 $8.000000000e+00, v4  }
0x111: {  	s22 =	simm.s32 $0x0;
	s24 =	simm.s32 $0xE500;
	v6 =	vmul.f32 $8.000000000e+00, v8;
	v4 =	vld [tilespmem:s20+$0x0];
	[tilespmem:s20+$0x80] =	vst v7  }
.LBB2_11:
0x112: {  	v7 =	vld [tilespmem:s24+$0xF0];
	s22 =	sadd.s32 $0x4, s22;
	[tilespmem:s20+$0x90] =	vst v5;
	v0 =	vmul.f32 $8.000000000e+00, v0  }
0x113: {  	v5 =	vld [tilespmem:s24+$0x10];
	p1 =	slt.u32 s22, $0x7C;
	[tilespmem:s20+$0xA0] =	vst v6;
	v1 =	vmul.f32 $8.000000000e+00, v1  }
0x114: {  	v6 =	vld [tilespmem:s24+$0x20];
	[tilespmem:s20+$0xB0] =	vst v0;
	v0 =	vmul.f32 $8.000000000e+00, v2  }
0x115: {  	v2 =	vld [tilespmem:s24+$0x30];
	[tilespmem:s20+$0xC0] =	vst v1;
	v1 =	vmul.f32 $8.000000000e+00, v3  }
0x116: {  	v3 =	vld [tilespmem:s24+$0x40];
	v4 =	vmul.f32 $8.000000000e+00, v4;
	[tilespmem:s20+$0xD0] =	vst v0  }
0x117: {  	v0 =	vld [tilespmem:s24+$0x50];
	v7 =	vmul.f32 $8.000000000e+00, v7;
	[tilespmem:s20+$0xE0] =	vst v1  }
0x118: {  	v1 =	vmul.f32 $8.000000000e+00, v5;
	v5 =	vld [tilespmem:s24+$0x60];
	[tilespmem:s20+$0x0] =	vst v4;
	s20 =	smov.u32 s24  }
0x119: {  	v4 =	vmul.f32 $8.000000000e+00, v6;
	v6 =	vld [tilespmem:s24+$0x70];
	[tilespmem:s24+$0xF0] =	vst v7  }
0x11a: {  	[tilespmem:s24+$0x10] =	vst v1;
	v1 =	vmul.f32 $8.000000000e+00, v2;
	v2 =	vld [tilespmem:s24+$0x80]  }
0x11b: {  	[tilespmem:s24+$0x20] =	vst v4;
	v3 =	vmul.f32 $8.000000000e+00, v3;
	v4 =	vld [tilespmem:s24+$0x90]  }
0x11c: {  	[tilespmem:s24+$0x30] =	vst v1;
	v1 =	vmul.f32 $8.000000000e+00, v0;
	v7 =	vld [tilespmem:s24+$0xA0]  }
.Ltmp6:
0x11d: {  	[tilespmem:s24+$0x40] =	vst v3;
	v3 =	vmul.f32 $8.000000000e+00, v5;
	v0 =	vld [tilespmem:s24+$0xB0];
	(pc) =	sbr.rel @p1 .LBB2_11-.Ltmp6, $4  }
0x11e: {  	[tilespmem:s24+$0x50] =	vst v1;
	v5 =	vmul.f32 $8.000000000e+00, v6;
	v1 =	vld [tilespmem:s24+$0xC0]  }
0x11f: {  	[tilespmem:s24+$0x60] =	vst v3;
	v6 =	vmul.f32 $8.000000000e+00, v2;
	v2 =	vld [tilespmem:s24+$0xD0]  }
0x120: {  	[tilespmem:s24+$0x70] =	vst v5;
	v5 =	vmul.f32 $8.000000000e+00, v4;
	v3 =	vld [tilespmem:s24+$0xE0]  }
0x121: {  	s24 =	sadd.s32 $0x100, s24;
	v4 =	vld [tilespmem:s20+$0x0];
	[tilespmem:s20+$0x80] =	vst v6;
	v6 =	vmul.f32 $8.000000000e+00, v7  }
0x122: {  	[tilespmem:s20+$0x90] =	vst v5;
	v0 =	vmul.f32 $8.000000000e+00, v0  }
0x123: {  	[tilespmem:s20+$0xA0] =	vst v6;
	v1 =	vmul.f32 $8.000000000e+00, v1  }
0x124: {  	[tilespmem:s20+$0xB0] =	vst v0;
	v0 =	vmul.f32 $8.000000000e+00, v2  }
0x125: {  	s22 =	sadd.s32 s17, s10;
	[tilespmem:s20+$0xC0] =	vst v1;
	v1 =	vmul.f32 $8.000000000e+00, v3  }
0x126: {  	s22 =	sshll.u32 s22, $0x3;
	v2 =	vmul.f32 $8.000000000e+00, v4;
	[tilespmem:s20+$0xD0] =	vst v0  }
0x127: {  	s22 =	sand.u32 $0x1FFFF000, s22;
	[tilespmem:s20+$0xE0] =	vst v1  }
0x128: {  	s24 =	simm.s32 $0xE400;
	s22 =	sadd.s32 s2, s22;
	[tilespmem:s20+$0x0] =	vst v2;
	s20 =	simm.s32 @!p0 $0xD  }
0x129: {  	[hbm4b:s22+s3] =	stream.linear.scatter [tilespmem:s24], [sflag:$0xD], $0x2000, $0x38;
	[tilespmem:$0x16400] =	vst v63  }
0x12a: {  	_ =	swait.ge @!p0 [sflag:s20], $0x2000  }
0x12b: {  	s22 =	simm.s32 @!p0 $0x80;
	[sflag:s20] =	ssyncset.done @!p0 $0x0  }
0x12c: {  	s24 =	simm.s32 @!p0 $0xE400;
	[sflag:s20] =	ssyncadd.s32 @!p0 $0xFFFFE000;
	s20 =	sadd.s32 @!p0 $0x600, s18  }
0x12d: {  	[tilespmem:s24], [sflag:$0x5] =	stream.indirect.gather @!p0 [hbm4b:s4+s22], $0x40, s20, s22, $0xb8;
	[tilespmem:$0x16400] =	vst v63  }
0x12e: {  	_ =	swait.ge [sflag:s25], $0x2000  }
0x12f: {  	[sflag:s25] =	ssyncset.done $0x0  }
0x130: {  	s20 =	simm.s32 $0x10400;
	[sflag:s25] =	ssyncadd.s32 $0xFFFFE000  }
0x131: {  	v0 =	vld [tilespmem:s20+$0xF0]  }
0x132: {  	v1 =	vld [tilespmem:s20+$0x10]  }
0x133: {  	v2 =	vld [tilespmem:s20+$0x20]  }
0x134: {  	v3 =	vld [tilespmem:s20+$0x30]  }
0x135: {  	v4 =	vld [tilespmem:s20+$0x40]  }
0x136: {  	v5 =	vld [tilespmem:s20+$0x50];
	v0 =	vmul.f32 $8.000000000e+00, v0  }
0x137: {  	v6 =	vld [tilespmem:s20+$0x60];
	v1 =	vmul.f32 $8.000000000e+00, v1  }
0x138: {  	v7 =	vld [tilespmem:s20+$0x70];
	v2 =	vmul.f32 $8.000000000e+00, v2;
	[tilespmem:s20+$0xF0] =	vst v0  }
0x139: {  	[tilespmem:s20+$0x10] =	vst v1;
	v0 =	vmul.f32 $8.000000000e+00, v3;
	v3 =	vld [tilespmem:s20+$0x80]  }
0x13a: {  	[tilespmem:s20+$0x20] =	vst v2;
	v1 =	vmul.f32 $8.000000000e+00, v4;
	v4 =	vld [tilespmem:s20+$0x90]  }
0x13b: {  	v8 =	vld [tilespmem:s20+$0xA0];
	v2 =	vmul.f32 $8.000000000e+00, v5;
	[tilespmem:s20+$0x30] =	vst v0  }
0x13c: {  	v5 =	vmul.f32 $8.000000000e+00, v6;
	[tilespmem:s20+$0x40] =	vst v1;
	v0 =	vld [tilespmem:s20+$0xB0]  }
0x13d: {  	v6 =	vmul.f32 $8.000000000e+00, v7;
	[tilespmem:s20+$0x50] =	vst v2;
	v1 =	vld [tilespmem:s20+$0xC0]  }
0x13e: {  	[tilespmem:s20+$0x60] =	vst v5;
	v2 =	vld [tilespmem:s20+$0xD0];
	v7 =	vmul.f32 $8.000000000e+00, v3  }
0x13f: {  	[tilespmem:s20+$0x70] =	vst v6;
	v3 =	vld [tilespmem:s20+$0xE0];
	v5 =	vmul.f32 $8.000000000e+00, v4  }
0x140: {  	s22 =	simm.s32 $0x0;
	s24 =	simm.s32 $0x10500;
	v6 =	vmul.f32 $8.000000000e+00, v8;
	v4 =	vld [tilespmem:s20+$0x0];
	[tilespmem:s20+$0x80] =	vst v7  }
.LBB2_13:
0x141: {  	v7 =	vld [tilespmem:s24+$0xF0];
	s22 =	sadd.s32 $0x4, s22;
	[tilespmem:s20+$0x90] =	vst v5;
	v0 =	vmul.f32 $8.000000000e+00, v0  }
0x142: {  	v5 =	vld [tilespmem:s24+$0x10];
	p1 =	slt.u32 s22, $0x7C;
	[tilespmem:s20+$0xA0] =	vst v6;
	v1 =	vmul.f32 $8.000000000e+00, v1  }
0x143: {  	v6 =	vld [tilespmem:s24+$0x20];
	[tilespmem:s20+$0xB0] =	vst v0;
	v0 =	vmul.f32 $8.000000000e+00, v2  }
0x144: {  	v2 =	vld [tilespmem:s24+$0x30];
	[tilespmem:s20+$0xC0] =	vst v1;
	v1 =	vmul.f32 $8.000000000e+00, v3  }
0x145: {  	v3 =	vld [tilespmem:s24+$0x40];
	v4 =	vmul.f32 $8.000000000e+00, v4;
	[tilespmem:s20+$0xD0] =	vst v0  }
0x146: {  	v0 =	vld [tilespmem:s24+$0x50];
	v7 =	vmul.f32 $8.000000000e+00, v7;
	[tilespmem:s20+$0xE0] =	vst v1  }
0x147: {  	v1 =	vmul.f32 $8.000000000e+00, v5;
	v5 =	vld [tilespmem:s24+$0x60];
	[tilespmem:s20+$0x0] =	vst v4;
	s20 =	smov.u32 s24  }
0x148: {  	v4 =	vmul.f32 $8.000000000e+00, v6;
	v6 =	vld [tilespmem:s24+$0x70];
	[tilespmem:s24+$0xF0] =	vst v7  }
0x149: {  	[tilespmem:s24+$0x10] =	vst v1;
	v1 =	vmul.f32 $8.000000000e+00, v2;
	v2 =	vld [tilespmem:s24+$0x80]  }
0x14a: {  	[tilespmem:s24+$0x20] =	vst v4;
	v3 =	vmul.f32 $8.000000000e+00, v3;
	v4 =	vld [tilespmem:s24+$0x90]  }
0x14b: {  	[tilespmem:s24+$0x30] =	vst v1;
	v1 =	vmul.f32 $8.000000000e+00, v0;
	v7 =	vld [tilespmem:s24+$0xA0]  }
.Ltmp7:
0x14c: {  	[tilespmem:s24+$0x40] =	vst v3;
	v3 =	vmul.f32 $8.000000000e+00, v5;
	v0 =	vld [tilespmem:s24+$0xB0];
	(pc) =	sbr.rel @p1 .LBB2_13-.Ltmp7, $4  }
0x14d: {  	[tilespmem:s24+$0x50] =	vst v1;
	v5 =	vmul.f32 $8.000000000e+00, v6;
	v1 =	vld [tilespmem:s24+$0xC0]  }
0x14e: {  	[tilespmem:s24+$0x60] =	vst v3;
	v6 =	vmul.f32 $8.000000000e+00, v2;
	v2 =	vld [tilespmem:s24+$0xD0]  }
0x14f: {  	[tilespmem:s24+$0x70] =	vst v5;
	v5 =	vmul.f32 $8.000000000e+00, v4;
	v3 =	vld [tilespmem:s24+$0xE0]  }
0x150: {  	s24 =	sadd.s32 $0x100, s24;
	v4 =	vld [tilespmem:s20+$0x0];
	[tilespmem:s20+$0x80] =	vst v6;
	v6 =	vmul.f32 $8.000000000e+00, v7  }
0x151: {  	[tilespmem:s20+$0x90] =	vst v5;
	v0 =	vmul.f32 $8.000000000e+00, v0  }
0x152: {  	[tilespmem:s20+$0xA0] =	vst v6;
	v1 =	vmul.f32 $8.000000000e+00, v1  }
0x153: {  	[tilespmem:s20+$0xB0] =	vst v0;
	v0 =	vmul.f32 $8.000000000e+00, v2  }
0x154: {  	s22 =	sadd.s32 s17, s11;
	[tilespmem:s20+$0xC0] =	vst v1;
	v1 =	vmul.f32 $8.000000000e+00, v3  }
0x155: {  	s22 =	sshll.u32 s22, $0x3;
	v2 =	vmul.f32 $8.000000000e+00, v4;
	[tilespmem:s20+$0xD0] =	vst v0  }
0x156: {  	s22 =	sand.u32 $0x1FFFF400, s22;
	[tilespmem:s20+$0xE0] =	vst v1  }
0x157: {  	s24 =	sadd.s32 s2, s22;
	[tilespmem:s20+$0x0] =	vst v2;
	s20 =	simm.s32 @!p0 $0xE  }
0x158: {  	[hbm4b:s24+s3] =	stream.linear.scatter [tilespmem:s26], [sflag:$0xE], $0x2000, $0x38;
	[tilespmem:$0x16400] =	vst v63  }
0x159: {  	_ =	swait.ge @!p0 [sflag:s20], $0x2000  }
0x15a: {  	s22 =	simm.s32 @!p0 $0x80;
	[sflag:s20] =	ssyncset.done @!p0 $0x0  }
0x15b: {  	s24 =	simm.s32 @!p0 $0x10400;
	[sflag:s20] =	ssyncadd.s32 @!p0 $0xFFFFE000;
	s20 =	sadd.s32 @!p0 $0x680, s18  }
0x15c: {  	[tilespmem:s24], [sflag:$0x6] =	stream.indirect.gather @!p0 [hbm4b:s4+s22], $0x40, s20, s22, $0xb8;
	[tilespmem:$0x16400] =	vst v63  }
0x15d: {  	_ =	swait.ge [sflag:s28], $0x2000  }
0x15e: {  	[sflag:s28] =	ssyncset.done $0x0  }
0x15f: {  	s20 =	simm.s32 $0x12400;
	[sflag:s28] =	ssyncadd.s32 $0xFFFFE000  }
0x160: {  	v0 =	vld [tilespmem:s20+$0xF0]  }
0x161: {  	v1 =	vld [tilespmem:s20+$0x10]  }
0x162: {  	v2 =	vld [tilespmem:s20+$0x20]  }
0x163: {  	v3 =	vld [tilespmem:s20+$0x30]  }
0x164: {  	v4 =	vld [tilespmem:s20+$0x40]  }
0x165: {  	v5 =	vld [tilespmem:s20+$0x50];
	v0 =	vmul.f32 $8.000000000e+00, v0  }
0x166: {  	v6 =	vld [tilespmem:s20+$0x60];
	v1 =	vmul.f32 $8.000000000e+00, v1  }
0x167: {  	v7 =	vld [tilespmem:s20+$0x70];
	v2 =	vmul.f32 $8.000000000e+00, v2;
	[tilespmem:s20+$0xF0] =	vst v0  }
0x168: {  	[tilespmem:s20+$0x10] =	vst v1;
	v0 =	vmul.f32 $8.000000000e+00, v3;
	v3 =	vld [tilespmem:s20+$0x80]  }
0x169: {  	[tilespmem:s20+$0x20] =	vst v2;
	v1 =	vmul.f32 $8.000000000e+00, v4;
	v4 =	vld [tilespmem:s20+$0x90]  }
0x16a: {  	v8 =	vld [tilespmem:s20+$0xA0];
	v2 =	vmul.f32 $8.000000000e+00, v5;
	[tilespmem:s20+$0x30] =	vst v0  }
0x16b: {  	v5 =	vmul.f32 $8.000000000e+00, v6;
	[tilespmem:s20+$0x40] =	vst v1;
	v0 =	vld [tilespmem:s20+$0xB0]  }
0x16c: {  	v6 =	vmul.f32 $8.000000000e+00, v7;
	[tilespmem:s20+$0x50] =	vst v2;
	v1 =	vld [tilespmem:s20+$0xC0]  }
0x16d: {  	[tilespmem:s20+$0x60] =	vst v5;
	v2 =	vld [tilespmem:s20+$0xD0];
	v7 =	vmul.f32 $8.000000000e+00, v3  }
0x16e: {  	[tilespmem:s20+$0x70] =	vst v6;
	v3 =	vld [tilespmem:s20+$0xE0];
	v5 =	vmul.f32 $8.000000000e+00, v4  }
0x16f: {  	s22 =	simm.s32 $0x0;
	s24 =	simm.s32 $0x12500;
	v6 =	vmul.f32 $8.000000000e+00, v8;
	v4 =	vld [tilespmem:s20+$0x0];
	[tilespmem:s20+$0x80] =	vst v7  }
.LBB2_15:
0x170: {  	v7 =	vld [tilespmem:s24+$0xF0];
	s22 =	sadd.s32 $0x4, s22;
	[tilespmem:s20+$0x90] =	vst v5;
	v0 =	vmul.f32 $8.000000000e+00, v0  }
0x171: {  	v5 =	vld [tilespmem:s24+$0x10];
	p1 =	slt.u32 s22, $0x7C;
	[tilespmem:s20+$0xA0] =	vst v6;
	v1 =	vmul.f32 $8.000000000e+00, v1  }
0x172: {  	v6 =	vld [tilespmem:s24+$0x20];
	[tilespmem:s20+$0xB0] =	vst v0;
	v0 =	vmul.f32 $8.000000000e+00, v2  }
0x173: {  	v2 =	vld [tilespmem:s24+$0x30];
	[tilespmem:s20+$0xC0] =	vst v1;
	v1 =	vmul.f32 $8.000000000e+00, v3  }
0x174: {  	v3 =	vld [tilespmem:s24+$0x40];
	v4 =	vmul.f32 $8.000000000e+00, v4;
	[tilespmem:s20+$0xD0] =	vst v0  }
0x175: {  	v0 =	vld [tilespmem:s24+$0x50];
	v7 =	vmul.f32 $8.000000000e+00, v7;
	[tilespmem:s20+$0xE0] =	vst v1  }
0x176: {  	v1 =	vmul.f32 $8.000000000e+00, v5;
	v5 =	vld [tilespmem:s24+$0x60];
	[tilespmem:s20+$0x0] =	vst v4;
	s20 =	smov.u32 s24  }
0x177: {  	v4 =	vmul.f32 $8.000000000e+00, v6;
	v6 =	vld [tilespmem:s24+$0x70];
	[tilespmem:s24+$0xF0] =	vst v7  }
0x178: {  	[tilespmem:s24+$0x10] =	vst v1;
	v1 =	vmul.f32 $8.000000000e+00, v2;
	v2 =	vld [tilespmem:s24+$0x80]  }
0x179: {  	[tilespmem:s24+$0x20] =	vst v4;
	v3 =	vmul.f32 $8.000000000e+00, v3;
	v4 =	vld [tilespmem:s24+$0x90]  }
0x17a: {  	[tilespmem:s24+$0x30] =	vst v1;
	v1 =	vmul.f32 $8.000000000e+00, v0;
	v7 =	vld [tilespmem:s24+$0xA0]  }
.Ltmp8:
0x17b: {  	[tilespmem:s24+$0x40] =	vst v3;
	v3 =	vmul.f32 $8.000000000e+00, v5;
	v0 =	vld [tilespmem:s24+$0xB0];
	(pc) =	sbr.rel @p1 .LBB2_15-.Ltmp8, $4  }
0x17c: {  	[tilespmem:s24+$0x50] =	vst v1;
	v5 =	vmul.f32 $8.000000000e+00, v6;
	v1 =	vld [tilespmem:s24+$0xC0]  }
0x17d: {  	[tilespmem:s24+$0x60] =	vst v3;
	v6 =	vmul.f32 $8.000000000e+00, v2;
	v2 =	vld [tilespmem:s24+$0xD0]  }
0x17e: {  	[tilespmem:s24+$0x70] =	vst v5;
	v5 =	vmul.f32 $8.000000000e+00, v4;
	v3 =	vld [tilespmem:s24+$0xE0]  }
0x17f: {  	s24 =	sadd.s32 $0x100, s24;
	v4 =	vld [tilespmem:s20+$0x0];
	[tilespmem:s20+$0x80] =	vst v6;
	v6 =	vmul.f32 $8.000000000e+00, v7  }
0x180: {  	[tilespmem:s20+$0x90] =	vst v5;
	v0 =	vmul.f32 $8.000000000e+00, v0  }
0x181: {  	[tilespmem:s20+$0xA0] =	vst v6;
	v1 =	vmul.f32 $8.000000000e+00, v1  }
0x182: {  	[tilespmem:s20+$0xB0] =	vst v0;
	v0 =	vmul.f32 $8.000000000e+00, v2  }
0x183: {  	s22 =	sadd.s32 s17, s12;
	[tilespmem:s20+$0xC0] =	vst v1;
	v1 =	vmul.f32 $8.000000000e+00, v3  }
0x184: {  	s22 =	sshll.u32 s22, $0x3;
	v2 =	vmul.f32 $8.000000000e+00, v4;
	[tilespmem:s20+$0xD0] =	vst v0  }
0x185: {  	s22 =	sand.u32 $0x1FFFF800, s22;
	[tilespmem:s20+$0xE0] =	vst v1  }
0x186: {  	s24 =	sadd.s32 s2, s22;
	[tilespmem:s20+$0x0] =	vst v2;
	s20 =	simm.s32 @!p0 $0xF  }
0x187: {  	[hbm4b:s24+s3] =	stream.linear.scatter [tilespmem:s29], [sflag:$0xF], $0x2000, $0x38;
	[tilespmem:$0x16400] =	vst v63  }
0x188: {  	_ =	swait.ge @!p0 [sflag:s20], $0x2000  }
0x189: {  	s18 =	sadd.s32 @!p0 $0x700, s18;
	[sflag:s20] =	ssyncset.done @!p0 $0x0  }
0x18a: {  	s22 =	simm.s32 @!p0 $0x12400;
	[sflag:s20] =	ssyncadd.s32 @!p0 $0xFFFFE000;
	s20 =	simm.s32 @!p0 $0x80  }
0x18b: {  	[tilespmem:s22], [sflag:$0x7] =	stream.indirect.gather @!p0 [hbm4b:s4+s20], $0x40, s18, s20, $0xb8;
	[tilespmem:$0x16400] =	vst v63  }
0x18c: {  	_ =	swait.ge [sflag:s30], $0x2000  }
0x18d: {  	[sflag:s30] =	ssyncset.done $0x0  }
0x18e: {  	s18 =	simm.s32 $0x14400;
	[sflag:s30] =	ssyncadd.s32 $0xFFFFE000  }
0x18f: {  	v0 =	vld [tilespmem:s18+$0xF0]  }
0x190: {  	v1 =	vld [tilespmem:s18+$0x10]  }
0x191: {  	v2 =	vld [tilespmem:s18+$0x20]  }
0x192: {  	v3 =	vld [tilespmem:s18+$0x30]  }
0x193: {  	v4 =	vld [tilespmem:s18+$0x40]  }
0x194: {  	v5 =	vld [tilespmem:s18+$0x50];
	v0 =	vmul.f32 $8.000000000e+00, v0  }
0x195: {  	v6 =	vld [tilespmem:s18+$0x60];
	v1 =	vmul.f32 $8.000000000e+00, v1  }
0x196: {  	v7 =	vld [tilespmem:s18+$0x70];
	v2 =	vmul.f32 $8.000000000e+00, v2;
	[tilespmem:s18+$0xF0] =	vst v0  }
0x197: {  	[tilespmem:s18+$0x10] =	vst v1;
	v0 =	vmul.f32 $8.000000000e+00, v3;
	v3 =	vld [tilespmem:s18+$0x80]  }
0x198: {  	[tilespmem:s18+$0x20] =	vst v2;
	v1 =	vmul.f32 $8.000000000e+00, v4;
	v4 =	vld [tilespmem:s18+$0x90]  }
0x199: {  	v8 =	vld [tilespmem:s18+$0xA0];
	v2 =	vmul.f32 $8.000000000e+00, v5;
	[tilespmem:s18+$0x30] =	vst v0  }
0x19a: {  	v5 =	vmul.f32 $8.000000000e+00, v6;
	[tilespmem:s18+$0x40] =	vst v1;
	v0 =	vld [tilespmem:s18+$0xB0]  }
0x19b: {  	v6 =	vmul.f32 $8.000000000e+00, v7;
	[tilespmem:s18+$0x50] =	vst v2;
	v1 =	vld [tilespmem:s18+$0xC0]  }
0x19c: {  	[tilespmem:s18+$0x60] =	vst v5;
	v2 =	vld [tilespmem:s18+$0xD0];
	v7 =	vmul.f32 $8.000000000e+00, v3  }
0x19d: {  	[tilespmem:s18+$0x70] =	vst v6;
	v3 =	vld [tilespmem:s18+$0xE0];
	v5 =	vmul.f32 $8.000000000e+00, v4  }
0x19e: {  	s20 =	simm.s32 $0x0;
	s22 =	simm.s32 $0x14500;
	v6 =	vmul.f32 $8.000000000e+00, v8;
	v4 =	vld [tilespmem:s18+$0x0];
	[tilespmem:s18+$0x80] =	vst v7  }
.LBB2_17:
0x19f: {  	v7 =	vld [tilespmem:s22+$0xF0];
	s20 =	sadd.s32 $0x4, s20;
	[tilespmem:s18+$0x90] =	vst v5;
	v0 =	vmul.f32 $8.000000000e+00, v0  }
0x1a0: {  	v5 =	vld [tilespmem:s22+$0x10];
	p1 =	slt.u32 s20, $0x7C;
	[tilespmem:s18+$0xA0] =	vst v6;
	v1 =	vmul.f32 $8.000000000e+00, v1  }
0x1a1: {  	v6 =	vld [tilespmem:s22+$0x20];
	[tilespmem:s18+$0xB0] =	vst v0;
	v0 =	vmul.f32 $8.000000000e+00, v2  }
0x1a2: {  	v2 =	vld [tilespmem:s22+$0x30];
	[tilespmem:s18+$0xC0] =	vst v1;
	v1 =	vmul.f32 $8.000000000e+00, v3  }
0x1a3: {  	v3 =	vld [tilespmem:s22+$0x40];
	v4 =	vmul.f32 $8.000000000e+00, v4;
	[tilespmem:s18+$0xD0] =	vst v0  }
0x1a4: {  	v0 =	vld [tilespmem:s22+$0x50];
	v7 =	vmul.f32 $8.000000000e+00, v7;
	[tilespmem:s18+$0xE0] =	vst v1  }
0x1a5: {  	v1 =	vmul.f32 $8.000000000e+00, v5;
	v5 =	vld [tilespmem:s22+$0x60];
	[tilespmem:s18+$0x0] =	vst v4;
	s18 =	smov.u32 s22  }
0x1a6: {  	v4 =	vmul.f32 $8.000000000e+00, v6;
	v6 =	vld [tilespmem:s22+$0x70];
	[tilespmem:s22+$0xF0] =	vst v7  }
0x1a7: {  	[tilespmem:s22+$0x10] =	vst v1;
	v1 =	vmul.f32 $8.000000000e+00, v2;
	v2 =	vld [tilespmem:s22+$0x80]  }
0x1a8: {  	[tilespmem:s22+$0x20] =	vst v4;
	v3 =	vmul.f32 $8.000000000e+00, v3;
	v4 =	vld [tilespmem:s22+$0x90]  }
0x1a9: {  	[tilespmem:s22+$0x30] =	vst v1;
	v1 =	vmul.f32 $8.000000000e+00, v0;
	v7 =	vld [tilespmem:s22+$0xA0]  }
.Ltmp9:
0x1aa: {  	[tilespmem:s22+$0x40] =	vst v3;
	v3 =	vmul.f32 $8.000000000e+00, v5;
	v0 =	vld [tilespmem:s22+$0xB0];
	(pc) =	sbr.rel @p1 .LBB2_17-.Ltmp9, $4  }
0x1ab: {  	[tilespmem:s22+$0x50] =	vst v1;
	v5 =	vmul.f32 $8.000000000e+00, v6;
	v1 =	vld [tilespmem:s22+$0xC0]  }
0x1ac: {  	[tilespmem:s22+$0x60] =	vst v3;
	v6 =	vmul.f32 $8.000000000e+00, v2;
	v2 =	vld [tilespmem:s22+$0xD0]  }
0x1ad: {  	[tilespmem:s22+$0x70] =	vst v5;
	v5 =	vmul.f32 $8.000000000e+00, v4;
	v3 =	vld [tilespmem:s22+$0xE0]  }
0x1ae: {  	s22 =	sadd.s32 $0x100, s22;
	v4 =	vld [tilespmem:s18+$0x0];
	[tilespmem:s18+$0x80] =	vst v6;
	v6 =	vmul.f32 $8.000000000e+00, v7  }
0x1af: {  	[tilespmem:s18+$0x90] =	vst v5;
	v0 =	vmul.f32 $8.000000000e+00, v0  }
0x1b0: {  	[tilespmem:s18+$0xA0] =	vst v6;
	v1 =	vmul.f32 $8.000000000e+00, v1  }
0x1b1: {  	[tilespmem:s18+$0xB0] =	vst v0;
	v61 =	vmul.f32 $8.000000000e+00, v2  }
.Ltmp10:
0x1b2: {  	s17 =	sadd.s32 s17, s13;
	[tilespmem:s18+$0xC0] =	vst v1;
	v62 =	vmul.f32 $8.000000000e+00, v3;
	(pc) =	sbr.rel @p0 .LBB2_20-.Ltmp10, $4  }
0x1b3: {  	s17 =	sshll.u32 s17, $0x3;
	v63 =	vmul.f32 $8.000000000e+00, v4;
	[tilespmem:s18+$0xD0] =	vst v61  }
0x1b4: {  	s17 =	sand.u32 $0x1FFFFC00, s17;
	[tilespmem:s18+$0xE0] =	vst v62  }
0x1b5: {  	s17 =	sadd.s32 s2, s17;
	[tilespmem:s18+$0x0] =	vst v63  }
0x1b6: {  	[hbm4b:s17+s3] =	stream.linear.scatter [tilespmem:s31], [sflag:$0x10], $0x2000, $0x38;
	[tilespmem:$0x16400] =	vst v63  }
.Ltmp11:
0x1b7: {  	(pc) =	sbr.rel .LBB2_2-.Ltmp11, $4  }
0x1b8: {  	_ =	swait.ge [sflag:s14], $0x2000  }
0x1b9: {  	s15 =	sshrl.u32 s15, $0x2;
	[sflag:s14] =	ssyncset.done $0x0  }
0x1ba: {  	s5 =	sadd.s32 $0x1, s5;
	s15 =	sadd.s32 $0x780, s15;
	[sflag:s14] =	ssyncadd.s32 $0xFFFFE000  }
0x1bb: {  	[tilespmem:s31], [sflag:$0x8] =	stream.indirect.gather [hbm4b:s4+s16], $0x40, s15, s16, $0xb8;
	[tilespmem:$0x16400] =	vst v63  }
.LBB2_21:
0x1bc: {  	_ =	sfence.sel $0x180000  }
0x1bd: {  	[bflag:$0x0] =	sbarrier.arrive $0xFFFF  }
0x1be: {  	_ =	strace $0x90000047  }
0x1bf: {  	s0 =	stileid.u32;
	[bflag:$0x2] =	sbarrier.arrive $0xFFFF  }
0x1c0: {  	p0 =	sne.s32 s0, $0x0;
	s0 =	rddreg [dreg:$0x2]  }
0x1c1: {  	s0 =	sadd.s32 @!p0 $0x100000, s0  }
0x1c2: {  	[sflag:s0] =	ssyncadd.tile.s32 @!p0 $0x1;
	_ =	shalt  }
.Lfunc_end2:
_tile_overlayer_lowered:
.L_overlay_start_2:
0x1c3: {  	(tag) =	ssettag $0x2  }
0x1c4: {  	s0 =	rddreg [dreg:$0x0];
	s2 =	stileid.u32  }
0x1c5: {  	s1 =	rddreg [dreg:$0x1];
	p0 =	sne.s32 s2, $0x0  }
0x1c6: {  	s3 =	rddreg [dreg:$0x2];
	[bflag:$0x3] =	sbarrier.arrive $0xFFFF;
	s2 =	simm.s32 @!p0 $0x1C11  }
0x1c7: {  	[timem:s3], [sflag:s2] =	dma.local @!p0 [hbm:s0], s1  }
0x1c8: {  	s0 =	simm.s32 @!p0 $0x11  }
0x1c9: {  	_ =	swait.ge @!p0 [sflag:s0], s1  }
0x1ca: {  	s1 =	ssub.s32 @!p0 $0x0, s1;
	[sflag:s0] =	ssyncset.done @!p0 $0x0  }
0x1cb: {  	[sflag:s0] =	ssyncadd.s32 @!p0 s1  }
0x1cc: {  	[bflag:$0x3] =	sbarrier.arrive $0xFFFF  }
0x1cd: {  	_ =	shalt  }

// kernel: sparse-core-data-format-call.cloned.1.call-start
scs
called_computation_lowered:
.L_overlay_start_0:
0x0: {  	s2 =	sld [smem:$0x3FD9]  }
0x1: {  	s3 =	sld [smem:$0x3FFE];
	_ =	sdelay $0x1  }
0x2: {  	s1 =	srdreg.scid  }
0x3: {  	s0 =	sand.u32 $0x1, s1  }
0x4: {  	s18 =	sshll.u32 s0, $0xA;
	s2 =	sadd.s32 s3, s2  }
0x5: {  	s2 =	sadd.s32 s2, s18  }
0x6: {  	[smem:$0x3FC6] =	sst s2  }
0x7: {  	_ = 	snop  }
0x8: {  	s2 =	sld [smem:$0x3FD0];
	(tm) =	ssettm $0x1  }
0x9: {  	s19 =	sld [smem:$0x3FFB];
	_ =	sdelay $0x3  }
0xa: {  	_ =	strace s19  }
0xb: {  	s3 =	sld [smem:$0x3FFC];
	_ =	sdelay $0x3  }
0xc: {  	_ =	strace s3  }
0xd: {  	s3 =	sld [smem:$0x3FFD];
	_ =	sdelay $0x3  }
0xe: {  	_ =	strace s3  }
0xf: {  	_ =	strace $0x8FFFFFFF  }
0x10: {  	s20 =	sld [smem:$0x3FDB];
	_ =	sdelay $0x1  }
0x11: {  	s4 =	simm.s32 $_scs_section_size  }
0x12: {  	s5 =	simm.s32 $_size__tile_overlayer_lowered;
	s6 =	simm.s32 $_tile_overlayer_lowered  }
0x13: {  	s23 =	simm.s32 $0x1BFF;
	s22 =	sshll.u32 s6, $0x1;
	s3 =	sadd.s32 s4, s20  }
0x14: {  	s7 =	simm.s32 $0x0;
	s21 =	sshll.u32 s5, $0x1;
	s5 =	sadd.s32 s22, s3  }
0x15: {  	[timem:s7], [sflag:s23] =	dma.local [hbm:s5], s21  }
0x16: {  	_ =	swait.ge [sflag:s23], s21  }
0x17: {  	s4 =	ssub.s32 $0x0, s21;
	[sflag:s23] =	ssyncset.done $0x0  }
0x18: {  	[sflag:s23] =	ssyncadd.s32 s4;
	_ =	sdelay $0x1  }
0x19: {  	s24 =	simm.s32 $0x1B8B  }
0x1a: {  	_ =	swait.ge [sflag:s24], $0x1  }
0x1b: {  	[sflag:s24] =	ssyncset.done $0x0  }
0x1c: {  	s26 =	simm.s32 $0x1B8E;
	s25 =	sld [smem:$0x3FFE];
	[sflag:s24] =	ssyncadd.s32 $0xFFFFFFFF  }
0x1d: {  	s27 =	simm.s32 $execute0_lowered;
	[smem:$0x3FD2] =	sst s26  }
0x1e: {  	s5 =	sshll.u32 s27, $0x1;
	_ =	strace $0x80000049;
	[dreg:$0x1] =	wrdreg $0xFFFFFFFF  }
0x1f: {  	s28 =	simm.s32 $_size_execute0_lowered;
	s3 =	sadd.s32 s3, s5;
	[dreg:$0x0] =	wrdreg $0x0  }
0x20: {  	s5 =	sshll.u32 s28, $0x1;
	[dreg:$0x2] =	wrdreg s3  }
0x21: {  	[dreg:$0x3] =	wrdreg s5  }
0x22: {  	[dreg:$0x4] =	wrdreg $0xC0  }
0x23: {  	_ =	task [dreg:s7], $0x5FFFF  }
0x24: {  	[dreg:$0x1] =	wrdreg $0xFFFFFFFF  }
0x25: {  	[dreg:$0x0] =	wrdreg $0x60  }
0x26: {  	[dreg:$0x2] =	wrdreg s25  }
0x27: {  	[dreg:$0x3] =	wrdreg s2  }
0x28: {  	[dreg:$0x4] =	wrdreg $0x9  }
0x29: {  	_ =	task.clear_ibuf [dreg:s7], $0x5FFFF;
	_ =	strace $0x90000049  }
0x2a: {  	s29 =	simm.s32 $0x9;
	_ =	strace $0x8000004B  }
0x2b: {  	_ =	swait.ge [sflag:s29], $0x1  }
0x2c: {  	[sflag:s29] =	ssyncadd.s32 $0xFFFFFFFF  }
0x2d: {  	_ =	strace $0x9000004B  }
0x2e: {  	_ =	sfence  }
0x2f: {  	s30 =	sld [smem:$0x0];
	_ =	sdelay $0x2  }
0x30: {  	s31 =	sshll.u32 s1, $0xD;
	s1 =	sshrl.u32 s1, $0x2  }
0x31: {  	s3 =	sand.u32 $0x4000, s31;
	s1 =	sadd.s32 s1, s30  }
0x32: {  	s0 =	sor.u32 s3, s0;
	s1 =	sshll.u32 s1, $0x11  }
0x33: {  	s0 =	sor.u32 s1, s0  }
0x34: {  	s0 =	sadd.s32 $0x8F2B, s0  }
0x35: {  	[sflag:s0] =	ssyncadd.remote.s32 $0x1  }
0x36: {  	_ =	sfence.sel $0xFFFF  }
0x37: {  	[dreg:$0x0] =	wrdreg $0xFFFFFFFF;
	(pc) =	sbr.abs _section_cstart, $3  }
0x38: {  	[dreg:$0x1] =	wrdreg $0xFFFFFFFF  }
0x39: {  	_ =	task.clear_ibuf [dreg:s7], $0x2FFFF;
	_ =	strace $0x9FFFFFFF  }
0x3a: {  	(tm) =	ssettm $0x7FFFFFFF  }
0x3b: {  	_ =	shalt  }
tec
execute0_lowered:
.L_overlay_start_1:
0x0: {  	(tag) =	ssettag $0x1  }
0x1: {  	s0 =	srdreg.scid  }
0x2: {  	s1 =	sshll.u32 s0, $0x4  }
0x3: {  	s0 =	stileid.u32;
	s1 =	sand.u32 $0x10, s1  }
0x4: {  	s1 =	sor.u32 s0, s1  }
0x5: {  	s6 =	rddreg [dreg:$0x0];
	s4 =	simm.s32 $0x1;
	s2 =	sshll.u32 s1, $0x7  }
0x6: {  	s7 =	simm.s32 $0x2;
	s12 =	simm.s32 $0x0;
	s1 =	ssub.s32 $0x4000, s2  }
0x7: {  	s8 =	simm.s32 $0x20000;
	s13 =	simm.s32 $0x0;
	s3 =	sand.u32 $0xF80, s1  }
0x8: {  	s9 =	simm.s32 $0x0;
	s5 =	sshrl.u32 s1, $0xC;
	p0 =	sne.s32 s3, $0x0  }
.Ltmp0:
0x9: {  	s1 =	rddreg [dreg:$0x2];
	s4 =	simm.s32 @!p0 $0x0;
	(pc) =	sbr.rel .LBB1_1-.Ltmp0, $4  }
0xa: {  	s11 =	simm.s32 $0x0;
	s3 =	rddreg [dreg:$0x1];
	s5 =	sadd.s32 s4, s5  }
0xb: {  	_ =	strace $0x8000004A;
	s4 =	simm.s32 $0x1;
	s5 =	smul.u32 $0x32, s5  }
0xc: {  	s6 =	sadd.s32 $0xA00, s6;
	s10 =	smov.u32 s2;
	[sflag:s4] =	ssyncpa.u1 $0x0  }
0xd: {  	p0 =	por $0x0, $0x0;
	[sflag:s7] =	ssyncpa.u1 $0x0;
	s7 =	sor.u32 $0x1, s5  }
.LBB1_4:
0xe: {  	s16 =	sshll.u32 s13, $0x3;
	s17 =	sand.u32 $0x78, s13  }
0xf: {  	s30 =	sand.u32 $0x1F800, s13;
	s12 =	sshll.u32 s12, $0x11;
	s16 =	sand.u32 $0x3C00, s16  }
0x10: {  	[tilespmem:s15+$0x810 ss:$0x81] =	vst.msk $0xffff, v2;
	s31 =	sand.u32 $0x7, s13;
	s16 =	sor.u32 s17, s16;
	s17 =	sadd.s32 s3, s30  }
0x11: {  	[tilespmem:s15+$0x1020 ss:$0x81] =	vst.msk $0xffff, v0;
	s13 =	sshll.u32 s31, $0x12;
	s12 =	sadd.s32 s12, s17;
	s16 =	sshrl.u32 s16, $0x3  }
0x12: {  	[tilespmem:s15+$0x0 ss:$0x81] =	vst.msk $0xffff, v1;
	s13 =	sor.u32 $0x400, s13;
	s12 =	sadd.s32 s16, s12  }
0x13: {  	[hbm4b:s12+s13] =	stream.strided.scatter [tilespmem:s14], [sflag:$0x2], $0x2000, s8, s13, $0x20;
	[tilespmem:$0x8080] =	vst v63  }
.LBB1_5:
0x14: {  	s14 =	sadd.s32 $0x1, s9  }
0x15: {  	s12 =	sadd.s32 $0x1000, s10;
	s16 =	smov.u32 s10;
	p2 =	sgt.s32 s14, $0x31  }
0x16: {  	s16 =	smov.u32 @p2 s12  }
0x17: {  	s14 =	simm.s32 @p2 $0x0;
	p2 =	sgt.s32 s16, $0x3FFF  }
0x18: {  	s16 =	smov.u32 @p2 s2;
	p2 =	sne.s32 s11, s7  }
.Ltmp1:
0x19: {  	p1 =	slt.u32 s11, $0x2;
	(pc) =	sbr.rel @!p2 .LBB1_6-.Ltmp1, $4  }
0x1a: {  	s15 =	simm.s32 @!p1 $0x2  }
0x1b: {  	s13 =	smov.u32 s10;
	p0 =	por !p0, !p0;
	_ =	swait.ge @!p1 [sflag:s15], $0x2000  }
0x1c: {  	s12 =	smov.u32 s9;
	[sflag:s15] =	ssyncset.done @!p1 $0x0;
	s9 =	smov.u32 s14  }
0x1d: {  	s11 =	sadd.s32 $0x1, s11;
	[sflag:s15] =	ssyncadd.s32 @!p1 $0xFFFFE000;
	s10 =	smov.u32 s16  }
.LBB1_1:
0x1e: {  	p1 =	sge.u32 s11, s5  }
0x1f: {  	s14 =	sand.u32 @!p1 $0x1FFFFFF, s9  }
0x20: {  	s15 =	smulhi.u32 @!p1 $0x4924925, s14;
	_ =	sdelay $0x1  }
0x21: {  	s15 =	smul.u32 @!p1 $0x38, s15  }
0x22: {  	s16 =	sxor.u32 @!p1 $0xFFFFFFFF, s11;
	s17 =	smul.u32 @!p1 $0x380, s10  }
0x23: {  	s31 =	sadd.s32 $0xFFFFFFFF, s11;
	s16 =	sshll.u32 @!p1 s16, $0xD;
	s14 =	ssub.s32 @!p1 s14, s15  }
0x24: {  	s15 =	sand.u32 @!p1 $0x2000, s16;
	s16 =	sadd.s32 @!p1 s6, s17;
	s14 =	sshll.u32 @!p1 s14, $0x4  }
0x25: {  	s17 =	simm.s32 @!p1 $0x1C00;
	s14 =	sadd.s32 @!p1 s14, s16;
	s16 =	simm.s32 @!p1 $0x40  }
0x26: {  	[tilespmem:s15], [sflag:$0x1] =	stream.strided.gather @!p1 [hbm4b:s14+s16], $0x2000, s17, s16, $0x38;
	[tilespmem:$0x8080] =	vst v63  }
0x27: {  	p1 =	sge.u32 s31, s5  }
.Ltmp2:
0x28: {  	_ = 	snop;
	(pc) =	sbr.rel @p1 .LBB1_5-.Ltmp2, $1  }
0x29: {  	_ =	sdelay $0x3  }
0x2a: {  	s14 =	simm.s32 $0x1  }
0x2b: {  	_ =	swait.ge [sflag:s4], $0x2000;
	s14 =	simm.s32 @!p0 $0x0  }
0x2c: {  	[sflag:s4] =	ssyncset.done $0x0;
	s15 =	sshll.u32 s14, $0xD  }
0x2d: {  	[sflag:s4] =	ssyncadd.s32 $0xFFFFE000;
	s18 =	sor.u32 $0x20, s15  }
0x2e: {  	s14 =	smul.u32 $0x8100, s14;
	v3 =	vld [tilespmem:s18+$0x10]  }
0x2f: {  	s30 =	sand.u32 $0x1, s11;
	v2 =	vld [tilespmem:s18+$0xFFFFFFF0]  }
0x30: {  	s15 =	smul.u32 $0x8100, s30;
	s14 =	sshrl.u32 s14, $0x2;
	v0 =	vld [tilespmem:s18+$0x0]  }
0x31: {  	v1 =	vld [tilespmem:s18+$0xFFFFFFE0];
	s16 =	sor.u32 $0x4000, s14  }
0x32: {  	s31 =	sshrl.u32 s15, $0x2;
	s15 =	sadd.s32 $0x0, s16  }
0x33: {  	s17 =	simm.s32 $0x4;
	s18 =	sadd.s32 $0x40, s18;
	s14 =	sor.u32 $0x4000, s31;
	[tilespmem:s15+$0x1830 ss:$0x81] =	vst.msk $0xffff, v3  }
.LBB1_3:
0x34: {  	v3 =	vld [tilespmem:s18+$0x10];
	p1 =	sne.s32 s17, $0x1FC;
	[tilespmem:s15+$0x810 ss:$0x81] =	vst.msk $0xffff, v2;
	s19 =	smov.u32 s17;
	s17 =	sadd.s32 $0x4, s17  }
.Ltmp3:
0x35: {  	v2 =	vld [tilespmem:s18+$0xFFFFFFF0];
	[tilespmem:s15+$0x1020 ss:$0x81] =	vst.msk $0xffff, v0;
	(pc) =	sbr.rel @p1 .LBB1_3-.Ltmp3, $4  }
0x36: {  	v0 =	vld [tilespmem:s18+$0x0];
	[tilespmem:s15+$0x0 ss:$0x81] =	vst.msk $0xffff, v1  }
0x37: {  	s15 =	sshra.s32 s19, $0x2;
	v1 =	vld [tilespmem:s18+$0xFFFFFFE0]  }
0x38: {  	s15 =	sadd.s32 s15, s16  }
0x39: {  	s18 =	sadd.s32 $0x40, s18;
	[tilespmem:s15+$0x1830 ss:$0x81] =	vst.msk $0xffff, v3  }
.Ltmp4:
0x3a: {  	_ = 	snop;
	(pc) =	sbr.rel .LBB1_4-.Ltmp4, $1  }
0x3b: {  	_ =	sdelay $0x3  }
.LBB1_6:
0x3c: {  	_ =	sfence.sel $0x180000  }
0x3d: {  	s2 =	simm.s32 $0x1;
	[bflag:$0x0] =	sbarrier.arrive $0xFFFF  }
0x3e: {  	s31 =	simm.s32 $0x2;
	[sflag:s2] =	ssyncpa.u1 $0x1  }
0x3f: {  	[sflag:s31] =	ssyncpa.u1 $0x1  }
0x40: {  	p0 =	sne.s32 s0, $0x0;
	_ =	strace $0x9000004A  }
0x41: {  	s0 =	sadd.s32 @!p0 $0x100000, s1;
	[bflag:$0x2] =	sbarrier.arrive $0xFFFF  }
0x42: {  	[sflag:s0] =	ssyncadd.tile.s32 @!p0 $0x1;
	_ =	shalt  }
.Lfunc_end1:
_tile_overlayer_lowered:
.L_overlay_start_2:
0x43: {  	(tag) =	ssettag $0x2  }
0x44: {  	s0 =	rddreg [dreg:$0x0];
	s2 =	stileid.u32  }
0x45: {  	s1 =	rddreg [dreg:$0x1];
	p0 =	sne.s32 s2, $0x0  }
0x46: {  	s3 =	rddreg [dreg:$0x2];
	[bflag:$0x3] =	sbarrier.arrive $0xFFFF;
	s2 =	simm.s32 @!p0 $0x1C01  }
0x47: {  	[timem:s3], [sflag:s2] =	dma.local @!p0 [hbm:s0], s1  }
0x48: {  	s0 =	simm.s32 @!p0 $0x1  }
0x49: {  	_ =	swait.ge @!p0 [sflag:s0], s1  }
0x4a: {  	s1 =	ssub.s32 @!p0 $0x0, s1;
	[sflag:s0] =	ssyncset.done @!p0 $0x0  }
0x4b: {  	[sflag:s0] =	ssyncadd.s32 @!p0 s1  }
0x4c: {  	[bflag:$0x3] =	sbarrier.arrive $0xFFFF  }
0x4d: {  	_ =	shalt  }

</sc_bundles>
